<compile_context>
chip_gen: v7x
topology: tpu7x:2x2x1
jax: 0.10.2.dev20260603
libtpu: 0.0.44.dev20260713+nightly
codegen_flags: <defaults>
</compile_context>

<pallas_src>
import jax
import jax.numpy as jnp
from jax import lax
from jax.experimental import pallas as pl
from jax.experimental.pallas import tpu as pltpu
from jax.experimental.pallas import tpu_sc as plsc

N = 10000
NP = 10240
E = 160000
D_IN = 256
D_OUT = 256
H = 128
NC = 2
NS = 16
LANES = 16
EW = 128
ECOLS = E // EW
CPT = 78
SPAIR = CPT // 2
CPA = 39
TAIL0 = 1248
NPT = NP // NS
BM = 2048


def _deg_body(e_hbm, deg_out, acc, eidx, dsta, tidx, ones, zbuf, ssem):
    c = lax.axis_index("c")
    s = lax.axis_index("s")
    t = c * NS + s
    nbase = s * NPT

    onev = jnp.ones((LANES,), jnp.float32)
    for j in range(EW // LANES):
        ones[pl.ds(j * LANES, LANES)] = onev
    zv = jnp.zeros((LANES,), jnp.float32)

    def fill_z(i, carry):
        zbuf[pl.ds(i * LANES, LANES)] = zv
        return carry
    lax.fori_loop(0, NPT // LANES, fill_z, 0)

    pltpu.sync_copy(e_hbm.at[:, pl.ds(t * CPA * EW, CPA * EW)], eidx)
    pltpu.sync_copy(zbuf, acc.at[pl.ds(nbase, NPT)])

    def stage(r, carry):
        for j in range(EW // LANES):
            dsta[r, pl.ds(j * LANES, LANES)] = (
                eidx[1, pl.ds(r * EW + j * LANES, LANES)])
        return carry
    lax.fori_loop(0, CPA, stage, 0)
    plsc.subcore_barrier()

    for r in range(CPA):
        pltpu.async_copy(ones, acc.at[dsta.at[r]], ssem, add=True)

    @pl.when(t < ECOLS - TAIL0)
    def _():
        pltpu.sync_copy(e_hbm.at[:, pl.ds((TAIL0 + t) * EW, EW)], tidx)
        for j in range(EW // LANES):
            dsta[CPA, pl.ds(j * LANES, LANES)] = (
                tidx[1, pl.ds(j * LANES, LANES)])
        pltpu.sync_copy(ones, acc.at[dsta.at[CPA]], add=True)

    for r in range(CPA):
        pltpu.make_async_copy(ones, acc.at[dsta.at[r]], ssem).wait()

    plsc.subcore_barrier()
    pltpu.sync_copy(acc.at[pl.ds(nbase, NPT)],
                    deg_out.at[pl.ds(c * NP + nbase, NPT)])


def _agg_body(h_hbm, e_hbm, tmp_out, acc, eidx, idst4, tidx, rows,
              gs0, gs1, ism):
    c = lax.axis_index("c")
    s = lax.axis_index("s")
    nbase = s * NPT
    cb = s * CPT

    def stage(slot, row):
        for j in range(EW // LANES):
            idst4[2 * slot, pl.ds(j * LANES, LANES)] = (
                eidx[row, 1, pl.ds(j * LANES, LANES)])
            idst4[2 * slot + 1, pl.ds(j * LANES, LANES)] = (
                eidx[row, 1, pl.ds(EW + j * LANES, LANES)])

    ini = pltpu.async_copy(h_hbm.at[c, pl.ds(nbase, NPT)],
                           acc.at[pl.ds(nbase, NPT)], ism)
    pltpu.sync_copy(e_hbm.at[:, pl.ds(cb * EW, 2 * EW)], eidx.at[0])
    stage(0, 0)
    pltpu.async_copy(h_hbm.at[c].at[eidx.at[0, 0, pl.ds(0, EW)]],
                     rows.at[0], gs0)
    ini.wait()
    plsc.subcore_barrier()

    def step(k, carry):
        p = k % 2
        q = 1 - p

        @pl.when(k < SPAIR - 1)
        def _():
            pltpu.async_copy(e_hbm.at[:, pl.ds((cb + 2 * k + 2) * EW,
                                               2 * EW)],
                             eidx.at[q], ism)

        pltpu.async_copy(h_hbm.at[c].at[eidx.at[p, 0, pl.ds(EW, EW)]],
                         rows.at[1], gs1)
        pltpu.make_async_copy(h_hbm.at[c].at[eidx.at[p, 0, pl.ds(0, EW)]],
                              rows.at[0], gs0).wait()
        pltpu.sync_copy(rows.at[0], acc.at[idst4.at[2 * p]], add=True)

        @pl.when(k < SPAIR - 1)
        def _():
            pltpu.make_async_copy(e_hbm.at[:, pl.ds((cb + 2 * k + 2) * EW,
                                                    2 * EW)],
                                  eidx.at[q], ism).wait()
            stage(q, q)
            pltpu.async_copy(h_hbm.at[c].at[eidx.at[q, 0, pl.ds(0, EW)]],
                             rows.at[0], gs0)

        pltpu.make_async_copy(h_hbm.at[c].at[eidx.at[p, 0, pl.ds(EW, EW)]],
                              rows.at[1], gs1).wait()
        pltpu.sync_copy(rows.at[1], acc.at[idst4.at[2 * p + 1]], add=True)
        return carry
    lax.fori_loop(0, SPAIR, step, 0)

    @pl.when(s < ECOLS - TAIL0)
    def _():
        pltpu.sync_copy(e_hbm.at[:, pl.ds((TAIL0 + s) * EW, EW)], tidx)
        for j in range(EW // LANES):
            idst4[0, pl.ds(j * LANES, LANES)] = (
                tidx[1, pl.ds(j * LANES, LANES)])
        pltpu.async_copy(h_hbm.at[c].at[tidx.at[0]],
                         rows.at[0], gs0).wait()
        pltpu.sync_copy(rows.at[0], acc.at[idst4.at[0]], add=True)

    plsc.subcore_barrier()
    pltpu.sync_copy(acc.at[pl.ds(nbase, NPT)],
                    tmp_out.at[c, pl.ds(nbase, NPT)])


def _mm_body(x_ref, w_ref, dl_ref, dh_ref, out_ref):
    deg = 1.0 + (dl_ref[...] + dh_ref[...]).reshape(BM, 1)
    dinv = lax.rsqrt(deg)
    h = jnp.dot(x_ref[...], w_ref[...], preferred_element_type=jnp.float32)
    out_ref[0] = h[:, :H] * dinv
    out_ref[1] = h[:, H:] * dinv


def _post_body(tl_ref, th_ref, dl_ref, dh_ref, b_ref, out_ref):
    deg = 1.0 + (dl_ref[...] + dh_ref[...]).reshape(BM, 1)
    dinv = lax.rsqrt(deg)
    out_ref[...] = (
        jnp.concatenate([tl_ref[0] * dinv, th_ref[0] * dinv], axis=1)
        + b_ref[...]
    )


def kernel(x, edge_index, W, b):
    mesh = plsc.VectorSubcoreMesh(core_axis_name="c", subcore_axis_name="s")

    deg_flat = pl.kernel(
        _deg_body,
        out_type=jax.ShapeDtypeStruct((NC * NP,), jnp.float32),
        mesh=mesh,
        scratch_types=[
            pltpu.VMEM_SHARED((NP,), jnp.float32),
            pltpu.VMEM((2, CPA * EW), jnp.int32),
            pltpu.VMEM((CPA + 1, EW), jnp.int32),
            pltpu.VMEM((2, EW), jnp.int32),
            pltpu.VMEM((EW,), jnp.float32),
            pltpu.VMEM((NPT,), jnp.float32),
            pltpu.SemaphoreType.DMA,
        ],
    )(edge_index)

    h3 = pl.pallas_call(
        _mm_body,
        grid=(NP // BM,),
        in_specs=[
            pl.BlockSpec((BM, D_IN), lambda i: (i, 0)),
            pl.BlockSpec((D_IN, D_OUT), lambda i: (0, 0)),
            pl.BlockSpec((BM,), lambda i: (i,)),
            pl.BlockSpec((BM,), lambda i: (i + NP // BM,)),
        ],
        out_specs=pl.BlockSpec((2, BM, H), lambda i: (0, i, 0)),
        out_shape=jax.ShapeDtypeStruct((NC, NP, H), jnp.float32),
    )(x, W, deg_flat, deg_flat)

    tmp = pl.kernel(
        _agg_body,
        out_type=jax.ShapeDtypeStruct((NC, NP, H), jnp.float32),
        mesh=mesh,
        scratch_types=[
            pltpu.VMEM_SHARED((NP, H), jnp.float32),
            pltpu.VMEM((2, 2, 2 * EW), jnp.int32),
            pltpu.VMEM((4, EW), jnp.int32),
            pltpu.VMEM((2, EW), jnp.int32),
            pltpu.VMEM((2, EW, H), jnp.float32),
            pltpu.SemaphoreType.DMA,
            pltpu.SemaphoreType.DMA,
            pltpu.SemaphoreType.DMA,
        ],
    )(h3, edge_index)

    out = pl.pallas_call(
        _post_body,
        grid=(NP // BM,),
        in_specs=[
            pl.BlockSpec((1, BM, H), lambda i: (0, i, 0)),
            pl.BlockSpec((1, BM, H), lambda i: (1, i, 0)),
            pl.BlockSpec((BM,), lambda i: (i,)),
            pl.BlockSpec((BM,), lambda i: (i + NP // BM,)),
            pl.BlockSpec((1, D_OUT), lambda i: (0, 0)),
        ],
        out_specs=pl.BlockSpec((BM, D_OUT), lambda i: (i, 0)),
        out_shape=jax.ShapeDtypeStruct((N, D_OUT), jnp.float32),
    )(tmp, tmp, deg_flat, deg_flat, b.reshape(1, D_OUT))

    return (out, edge_index)

# --- scband reference (transcript-rebuilt; emitter-appended) ---
"""Pipeline reference for scband-gnnconv-block-72353019068690 (READ-ONLY COPY).

The authoritative reference and input builder live on the scoring server;
editing this copy changes nothing except your own understanding.
"""

import jax, jax.numpy as jnp
import numpy as np

N_NODES = 10000
N_EDGES = 160000
D_IN = 256
D_OUT = 256


def setup_inputs(seed: int = 0) -> dict:
    key = jax.random.key(seed)
    k1, k2, k3 = jax.random.split(key, 3)
    x = jax.random.normal(k1, (N_NODES, D_IN), dtype=jnp.float32)
    edge_index = jax.random.randint(k2, (2, N_EDGES), 0, N_NODES, dtype=jnp.int32)
    W = jax.random.normal(k3, (D_IN, D_OUT), dtype=jnp.float32) * (1.0 / np.sqrt(D_IN))
    b = jnp.zeros((D_OUT,), dtype=jnp.float32)
    return {"x": x, "edge_index": edge_index, "W": W, "b": b}


def reference(x, edge_index, W, b):
    # GNNConvBlock with conv = GCNConv(in_size, out_size), raw=True
    # GCNConv: add self-loops, linear transform, symmetric normalization,
    # scatter-add aggregation to destination nodes, then add bias.
    N = x.shape[0]
    loop = jnp.arange(N, dtype=edge_index.dtype)
    src = jnp.concatenate([edge_index[0], loop])
    dst = jnp.concatenate([edge_index[1], loop])
    h = x @ W
    deg = jnp.zeros((N,), dtype=x.dtype).at[dst].add(1.0)
    dinv = jnp.where(deg > 0, deg ** -0.5, 0.0)
    norm = dinv[src] * dinv[dst]
    msg = h[src] * norm[:, None]
    out = jnp.zeros((N, h.shape[1]), dtype=h.dtype).at[dst].add(msg)
    out = out + b
    # raw=True -> no ReLU / dropout; forward returns (x, edge_index)
    return (out, edge_index)

if __name__ == "__main__":
    import jax
    _d = setup_inputs()
    print(jax.jit(kernel)(*tuple(_d.values())))

</pallas_src>

<mosaic_0001>
#map = affine_map<(d0, d1) -> (0, 0)>
#map1 = affine_map<(d0, d1) -> (0)>
module attributes {stable_mosaic.version = 14 : i64} {
  func.func @_deg_body(%arg0: i32, %arg1: i32, %arg2: memref<2x160000xi32, #tpu.memory_space<hbm>>, %arg3: memref<20480xf32, #tpu.memory_space<hbm>>, %arg4: memref<10240xf32, #tpu.memory_space<vmem_shared>>, %arg5: memref<2x4992xi32, #tpu.memory_space<vmem>>, %arg6: memref<40x128xi32, #tpu.memory_space<vmem>>, %arg7: memref<2x128xi32, #tpu.memory_space<vmem>>, %arg8: memref<128xf32, #tpu.memory_space<vmem>>, %arg9: memref<640xf32, #tpu.memory_space<vmem>>, %arg10: memref<!tpu.dma_semaphore, #tpu.memory_space<semaphore_mem>>) attributes {dimension_semantics = [#tpu.dimension_semantics<core_parallel>, #tpu.dimension_semantics<subcore_parallel>], iteration_bounds = array<i64: 2, 16>, scalar_prefetch = 0 : i64, scratch_operands = 7 : i64, tpu.core_type = #tpu.core_type<sc_vector_subcore>, window_params = [{transform_indices = #map}, {transform_indices = #map1}]} {
    %mul3A = arith.constant 16 : i32
    %mul3A_0 = arith.muli %arg0, %mul3A : i32
    %add3A = arith.addi %mul3A_0, %arg1 : i32
    %mul3A_1 = arith.constant 640 : i32
    %mul3A_2 = arith.muli %arg1, %mul3A_1 : i32
    %broadcast_in_dim3A = arith.constant 1.000000e+00 : f32
    %broadcast_in_dim3A_3 = vector.broadcast %broadcast_in_dim3A : f32 to vector<16xf32>
    %swap3A = arith.constant 0 : index
    %swap3A_4 = tpu.vector_load %arg8[%swap3A] {strides = array<i32>} : memref<128xf32, #tpu.memory_space<vmem>>, vector<16xf32>,
    %swap3A_5 = vector.shape_cast %swap3A_4 : vector<16xf32> to vector<16xf32>
    %swap3A_6 = vector.shape_cast %broadcast_in_dim3A_3 : vector<16xf32> to vector<16xf32>
    tpu.vector_store %arg8[%swap3A], %swap3A_6 {strides = array<i32>} : memref<128xf32, #tpu.memory_space<vmem>>, vector<16xf32>,
    %swap3A_7 = arith.constant 16 : index
    %swap3A_8 = tpu.vector_load %arg8[%swap3A_7] {strides = array<i32>} : memref<128xf32, #tpu.memory_space<vmem>>, vector<16xf32>,
    %swap3A_9 = vector.shape_cast %swap3A_8 : vector<16xf32> to vector<16xf32>
    %swap3A_10 = vector.shape_cast %broadcast_in_dim3A_3 : vector<16xf32> to vector<16xf32>
    tpu.vector_store %arg8[%swap3A_7], %swap3A_10 {strides = array<i32>} : memref<128xf32, #tpu.memory_space<vmem>>, vector<16xf32>,
    %swap3A_11 = arith.constant 32 : index
    %swap3A_12 = tpu.vector_load %arg8[%swap3A_11] {strides = array<i32>} : memref<128xf32, #tpu.memory_space<vmem>>, vector<16xf32>,
    %swap3A_13 = vector.shape_cast %swap3A_12 : vector<16xf32> to vector<16xf32>
    %swap3A_14 = vector.shape_cast %broadcast_in_dim3A_3 : vector<16xf32> to vector<16xf32>
    tpu.vector_store %arg8[%swap3A_11], %swap3A_14 {strides = array<i32>} : memref<128xf32, #tpu.memory_space<vmem>>, vector<16xf32>,
    %swap3A_15 = arith.constant 48 : index
    %swap3A_16 = tpu.vector_load %arg8[%swap3A_15] {strides = array<i32>} : memref<128xf32, #tpu.memory_space<vmem>>, vector<16xf32>,
    %swap3A_17 = vector.shape_cast %swap3A_16 : vector<16xf32> to vector<16xf32>
    %swap3A_18 = vector.shape_cast %broadcast_in_dim3A_3 : vector<16xf32> to vector<16xf32>
    tpu.vector_store %arg8[%swap3A_15], %swap3A_18 {strides = array<i32>} : memref<128xf32, #tpu.memory_space<vmem>>, vector<16xf32>,
    %swap3A_19 = arith.constant 64 : index
    %swap3A_20 = tpu.vector_load %arg8[%swap3A_19] {strides = array<i32>} : memref<128xf32, #tpu.memory_space<vmem>>, vector<16xf32>,
    %swap3A_21 = vector.shape_cast %swap3A_20 : vector<16xf32> to vector<16xf32>
    %swap3A_22 = vector.shape_cast %broadcast_in_dim3A_3 : vector<16xf32> to vector<16xf32>
    tpu.vector_store %arg8[%swap3A_19], %swap3A_22 {strides = array<i32>} : memref<128xf32, #tpu.memory_space<vmem>>, vector<16xf32>,
    %swap3A_23 = arith.constant 80 : index
    %swap3A_24 = tpu.vector_load %arg8[%swap3A_23] {strides = array<i32>} : memref<128xf32, #tpu.memory_space<vmem>>, vector<16xf32>,
    %swap3A_25 = vector.shape_cast %swap3A_24 : vector<16xf32> to vector<16xf32>
    %swap3A_26 = vector.shape_cast %broadcast_in_dim3A_3 : vector<16xf32> to vector<16xf32>
    tpu.vector_store %arg8[%swap3A_23], %swap3A_26 {strides = array<i32>} : memref<128xf32, #tpu.memory_space<vmem>>, vector<16xf32>,
    %swap3A_27 = arith.constant 96 : index
    %swap3A_28 = tpu.vector_load %arg8[%swap3A_27] {strides = array<i32>} : memref<128xf32, #tpu.memory_space<vmem>>, vector<16xf32>,
    %swap3A_29 = vector.shape_cast %swap3A_28 : vector<16xf32> to vector<16xf32>
    %swap3A_30 = vector.shape_cast %broadcast_in_dim3A_3 : vector<16xf32> to vector<16xf32>
    tpu.vector_store %arg8[%swap3A_27], %swap3A_30 {strides = array<i32>} : memref<128xf32, #tpu.memory_space<vmem>>, vector<16xf32>,
    %swap3A_31 = arith.constant 112 : index
    %swap3A_32 = tpu.vector_load %arg8[%swap3A_31] {strides = array<i32>} : memref<128xf32, #tpu.memory_space<vmem>>, vector<16xf32>,
    %swap3A_33 = vector.shape_cast %swap3A_32 : vector<16xf32> to vector<16xf32>
    %swap3A_34 = vector.shape_cast %broadcast_in_dim3A_3 : vector<16xf32> to vector<16xf32>
    tpu.vector_store %arg8[%swap3A_31], %swap3A_34 {strides = array<i32>} : memref<128xf32, #tpu.memory_space<vmem>>, vector<16xf32>,
    %broadcast_in_dim3A_35 = arith.constant 0.000000e+00 : f32
    %broadcast_in_dim3A_36 = vector.broadcast %broadcast_in_dim3A_35 : f32 to vector<16xf32>
    %scan3A = arith.constant 0 : i32
    %scan3A_37 = arith.constant 0 : i32
    %scan3A_38 = arith.constant 40 : i32
    %scan3A_39 = arith.addi %scan3A_37, %scan3A_38 : i32
    %scan3A_40 = arith.constant 1 : i32
    scf.for %scan3A_524 = %scan3A_37 to %scan3A_39 step %scan3A_40  : i32 {
      %mul3A_525 = arith.constant 16 : i32
      %mul3A_526 = arith.muli %scan3A_524, %mul3A_525 : i32
      %swap3A_527 = arith.index_cast %mul3A_526 : i32 to index
      %swap3A_528 = tpu.vector_load %arg9[%swap3A_527] {strides = array<i32>} : memref<640xf32, #tpu.memory_space<vmem>>, vector<16xf32>,
      %swap3A_529 = vector.shape_cast %swap3A_528 : vector<16xf32> to vector<16xf32>
      %swap3A_530 = vector.shape_cast %broadcast_in_dim3A_36 : vector<16xf32> to vector<16xf32>
      tpu.vector_store %arg9[%swap3A_527], %swap3A_530 {strides = array<i32>} : memref<640xf32, #tpu.memory_space<vmem>>, vector<16xf32>,
    }
    %scan3A_41 = arith.constant 40 : i32
    %mul3A_42 = arith.constant 39 : i32
    %mul3A_43 = arith.muli %add3A, %mul3A_42 : i32
    %mul3A_44 = arith.constant 128 : i32
    %mul3A_45 = arith.muli %mul3A_43, %mul3A_44 : i32
    "tpu.region"() ({
      %run_scoped3A = tpu.sem_alloc : memref<!tpu.dma_semaphore, #tpu.memory_space<semaphore_mem>>
      %dma_start3A_524 = arith.constant 0 : i32
      %dma_start3A_525 = tpu.memref_slice %arg2[%dma_start3A_524, %mul3A_45] : memref<2x160000xi32, #tpu.memory_space<hbm>> -> memref<2x4992xi32, #tpu.memory_space<hbm>>
      %dma_start3A_526 = arith.constant 0 : i32
      %dma_start3A_527 = tpu.memref_slice %arg2[%dma_start3A_526, %mul3A_45] : memref<2x160000xi32, #tpu.memory_space<hbm>> -> memref<2x4992xi32, #tpu.memory_space<hbm>>
      tpu.enqueue_dma source(%dma_start3A_527 : memref<2x4992xi32, #tpu.memory_space<hbm>>) target(%arg5 : memref<2x4992xi32, #tpu.memory_space<vmem>>) target_semaphore(%run_scoped3A : memref<!tpu.dma_semaphore, #tpu.memory_space<semaphore_mem>>)
      %dma_wait3A_528 = arith.constant 0 : i32
      %dma_wait3A_529 = tpu.memref_slice %arg2[%dma_wait3A_528, %mul3A_45] : memref<2x160000xi32, #tpu.memory_space<hbm>> -> memref<2x4992xi32, #tpu.memory_space<hbm>>
      %dma_wait3A_530 = arith.constant 0 : i32
      %dma_wait3A_531 = tpu.memref_slice %arg2[%dma_wait3A_530, %mul3A_45] : memref<2x160000xi32, #tpu.memory_space<hbm>> -> memref<2x4992xi32, #tpu.memory_space<hbm>>
      tpu.wait_dma2 semaphore(%run_scoped3A : memref<!tpu.dma_semaphore, #tpu.memory_space<semaphore_mem>>) src(%dma_wait3A_531 : memref<2x4992xi32, #tpu.memory_space<hbm>>) dst(%arg5 : memref<2x4992xi32, #tpu.memory_space<vmem>>)
      tpu.yield
    }) : () -> ()
    "tpu.region"() ({
      %run_scoped3A = tpu.sem_alloc : memref<!tpu.dma_semaphore, #tpu.memory_space<semaphore_mem>>
      %dma_start3A_524 = tpu.memref_slice %arg4[%mul3A_2] : memref<10240xf32, #tpu.memory_space<vmem_shared>> -> memref<640xf32, #tpu.memory_space<vmem_shared>>
      %dma_start3A_525 = tpu.memref_slice %arg4[%mul3A_2] : memref<10240xf32, #tpu.memory_space<vmem_shared>> -> memref<640xf32, #tpu.memory_space<vmem_shared>>
      tpu.enqueue_dma source(%arg9 : memref<640xf32, #tpu.memory_space<vmem>>) target(%dma_start3A_525 : memref<640xf32, #tpu.memory_space<vmem_shared>>) target_semaphore(%run_scoped3A : memref<!tpu.dma_semaphore, #tpu.memory_space<semaphore_mem>>)
      %dma_wait3A_526 = tpu.memref_slice %arg4[%mul3A_2] : memref<10240xf32, #tpu.memory_space<vmem_shared>> -> memref<640xf32, #tpu.memory_space<vmem_shared>>
      %dma_wait3A_527 = tpu.memref_slice %arg4[%mul3A_2] : memref<10240xf32, #tpu.memory_space<vmem_shared>> -> memref<640xf32, #tpu.memory_space<vmem_shared>>
      tpu.wait_dma2 semaphore(%run_scoped3A : memref<!tpu.dma_semaphore, #tpu.memory_space<semaphore_mem>>) src(%arg9 : memref<640xf32, #tpu.memory_space<vmem>>) dst(%dma_wait3A_527 : memref<640xf32, #tpu.memory_space<vmem_shared>>)
      tpu.yield
    }) : () -> ()
    %scan3A_46 = arith.constant 0 : i32
    %scan3A_47 = arith.constant 0 : i32
    %scan3A_48 = arith.constant 39 : i32
    %scan3A_49 = arith.addi %scan3A_47, %scan3A_48 : i32
    %scan3A_50 = arith.constant 1 : i32
    scf.for %scan3A_524 = %scan3A_47 to %scan3A_49 step %scan3A_50  : i32 {
      %mul3A_525 = arith.constant 128 : i32
      %mul3A_526 = arith.muli %scan3A_524, %mul3A_525 : i32
      %add3A_527 = arith.constant 0 : i32
      %add3A_528 = arith.addi %mul3A_526, %add3A_527 : i32
      %get3A = arith.constant 1 : i32
      %get3A_529 = arith.index_cast %get3A : i32 to index
      %get3A_530 = arith.index_cast %add3A_528 : i32 to index
      %get3A_531 = tpu.vector_load %arg5[%get3A_529, %get3A_530] {strides = array<i32>} : memref<2x4992xi32, #tpu.memory_space<vmem>>, vector<1x16xi32>,
      %get3A_532 = vector.shape_cast %get3A_531 : vector<1x16xi32> to vector<16xi32>
      %swap3A_533 = arith.index_cast %scan3A_524 : i32 to index
      %swap3A_534 = arith.constant 0 : index
      %swap3A_535 = tpu.vector_load %arg6[%swap3A_533, %swap3A_534] {strides = array<i32>} : memref<40x128xi32, #tpu.memory_space<vmem>>, vector<1x16xi32>,
      %swap3A_536 = vector.shape_cast %swap3A_535 : vector<1x16xi32> to vector<16xi32>
      %swap3A_537 = vector.shape_cast %get3A_532 : vector<16xi32> to vector<1x16xi32>
      tpu.vector_store %arg6[%swap3A_533, %swap3A_534], %swap3A_537 {strides = array<i32>} : memref<40x128xi32, #tpu.memory_space<vmem>>, vector<1x16xi32>,
      %mul3A_538 = arith.constant 128 : i32
      %mul3A_539 = arith.muli %scan3A_524, %mul3A_538 : i32
      %add3A_540 = arith.constant 16 : i32
      %add3A_541 = arith.addi %mul3A_539, %add3A_540 : i32
      %get3A_542 = arith.constant 1 : i32
      %get3A_543 = arith.index_cast %get3A_542 : i32 to index
      %get3A_544 = arith.index_cast %add3A_541 : i32 to index
      %get3A_545 = tpu.vector_load %arg5[%get3A_543, %get3A_544] {strides = array<i32>} : memref<2x4992xi32, #tpu.memory_space<vmem>>, vector<1x16xi32>,
      %get3A_546 = vector.shape_cast %get3A_545 : vector<1x16xi32> to vector<16xi32>
      %swap3A_547 = arith.index_cast %scan3A_524 : i32 to index
      %swap3A_548 = arith.constant 16 : index
      %swap3A_549 = tpu.vector_load %arg6[%swap3A_547, %swap3A_548] {strides = array<i32>} : memref<40x128xi32, #tpu.memory_space<vmem>>, vector<1x16xi32>,
      %swap3A_550 = vector.shape_cast %swap3A_549 : vector<1x16xi32> to vector<16xi32>
      %swap3A_551 = vector.shape_cast %get3A_546 : vector<16xi32> to vector<1x16xi32>
      tpu.vector_store %arg6[%swap3A_547, %swap3A_548], %swap3A_551 {strides = array<i32>} : memref<40x128xi32, #tpu.memory_space<vmem>>, vector<1x16xi32>,
      %mul3A_552 = arith.constant 128 : i32
      %mul3A_553 = arith.muli %scan3A_524, %mul3A_552 : i32
      %add3A_554 = arith.constant 32 : i32
      %add3A_555 = arith.addi %mul3A_553, %add3A_554 : i32
      %get3A_556 = arith.constant 1 : i32
      %get3A_557 = arith.index_cast %get3A_556 : i32 to index
      %get3A_558 = arith.index_cast %add3A_555 : i32 to index
      %get3A_559 = tpu.vector_load %arg5[%get3A_557, %get3A_558] {strides = array<i32>} : memref<2x4992xi32, #tpu.memory_space<vmem>>, vector<1x16xi32>,
      %get3A_560 = vector.shape_cast %get3A_559 : vector<1x16xi32> to vector<16xi32>
      %swap3A_561 = arith.index_cast %scan3A_524 : i32 to index
      %swap3A_562 = arith.constant 32 : index
      %swap3A_563 = tpu.vector_load %arg6[%swap3A_561, %swap3A_562] {strides = array<i32>} : memref<40x128xi32, #tpu.memory_space<vmem>>, vector<1x16xi32>,
      %swap3A_564 = vector.shape_cast %swap3A_563 : vector<1x16xi32> to vector<16xi32>
      %swap3A_565 = vector.shape_cast %get3A_560 : vector<16xi32> to vector<1x16xi32>
      tpu.vector_store %arg6[%swap3A_561, %swap3A_562], %swap3A_565 {strides = array<i32>} : memref<40x128xi32, #tpu.memory_space<vmem>>, vector<1x16xi32>,
      %mul3A_566 = arith.constant 128 : i32
      %mul3A_567 = arith.muli %scan3A_524, %mul3A_566 : i32
      %add3A_568 = arith.constant 48 : i32
      %add3A_569 = arith.addi %mul3A_567, %add3A_568 : i32
      %get3A_570 = arith.constant 1 : i32
      %get3A_571 = arith.index_cast %get3A_570 : i32 to index
      %get3A_572 = arith.index_cast %add3A_569 : i32 to index
      %get3A_573 = tpu.vector_load %arg5[%get3A_571, %get3A_572] {strides = array<i32>} : memref<2x4992xi32, #tpu.memory_space<vmem>>, vector<1x16xi32>,
      %get3A_574 = vector.shape_cast %get3A_573 : vector<1x16xi32> to vector<16xi32>
      %swap3A_575 = arith.index_cast %scan3A_524 : i32 to index
      %swap3A_576 = arith.constant 48 : index
      %swap3A_577 = tpu.vector_load %arg6[%swap3A_575, %swap3A_576] {strides = array<i32>} : memref<40x128xi32, #tpu.memory_space<vmem>>, vector<1x16xi32>,
      %swap3A_578 = vector.shape_cast %swap3A_577 : vector<1x16xi32> to vector<16xi32>
      %swap3A_579 = vector.shape_cast %get3A_574 : vector<16xi32> to vector<1x16xi32>
      tpu.vector_store %arg6[%swap3A_575, %swap3A_576], %swap3A_579 {strides = array<i32>} : memref<40x128xi32, #tpu.memory_space<vmem>>, vector<1x16xi32>,
      %mul3A_580 = arith.constant 128 : i32
      %mul3A_581 = arith.muli %scan3A_524, %mul3A_580 : i32
      %add3A_582 = arith.constant 64 : i32
      %add3A_583 = arith.addi %mul3A_581, %add3A_582 : i32
      %get3A_584 = arith.constant 1 : i32
      %get3A_585 = arith.index_cast %get3A_584 : i32 to index
      %get3A_586 = arith.index_cast %add3A_583 : i32 to index
      %get3A_587 = tpu.vector_load %arg5[%get3A_585, %get3A_586] {strides = array<i32>} : memref<2x4992xi32, #tpu.memory_space<vmem>>, vector<1x16xi32>,
      %get3A_588 = vector.shape_cast %get3A_587 : vector<1x16xi32> to vector<16xi32>
      %swap3A_589 = arith.index_cast %scan3A_524 : i32 to index
      %swap3A_590 = arith.constant 64 : index
      %swap3A_591 = tpu.vector_load %arg6[%swap3A_589, %swap3A_590] {strides = array<i32>} : memref<40x128xi32, #tpu.memory_space<vmem>>, vector<1x16xi32>,
      %swap3A_592 = vector.shape_cast %swap3A_591 : vector<1x16xi32> to vector<16xi32>
      %swap3A_593 = vector.shape_cast %get3A_588 : vector<16xi32> to vector<1x16xi32>
      tpu.vector_store %arg6[%swap3A_589, %swap3A_590], %swap3A_593 {strides = array<i32>} : memref<40x128xi32, #tpu.memory_space<vmem>>, vector<1x16xi32>,
      %mul3A_594 = arith.constant 128 : i32
      %mul3A_595 = arith.muli %scan3A_524, %mul3A_594 : i32
      %add3A_596 = arith.constant 80 : i32
      %add3A_597 = arith.addi %mul3A_595, %add3A_596 : i32
      %get3A_598 = arith.constant 1 : i32
      %get3A_599 = arith.index_cast %get3A_598 : i32 to index
      %get3A_600 = arith.index_cast %add3A_597 : i32 to index
      %get3A_601 = tpu.vector_load %arg5[%get3A_599, %get3A_600] {strides = array<i32>} : memref<2x4992xi32, #tpu.memory_space<vmem>>, vector<1x16xi32>,
      %get3A_602 = vector.shape_cast %get3A_601 : vector<1x16xi32> to vector<16xi32>
      %swap3A_603 = arith.index_cast %scan3A_524 : i32 to index
      %swap3A_604 = arith.constant 80 : index
      %swap3A_605 = tpu.vector_load %arg6[%swap3A_603, %swap3A_604] {strides = array<i32>} : memref<40x128xi32, #tpu.memory_space<vmem>>, vector<1x16xi32>,
      %swap3A_606 = vector.shape_cast %swap3A_605 : vector<1x16xi32> to vector<16xi32>
      %swap3A_607 = vector.shape_cast %get3A_602 : vector<16xi32> to vector<1x16xi32>
      tpu.vector_store %arg6[%swap3A_603, %swap3A_604], %swap3A_607 {strides = array<i32>} : memref<40x128xi32, #tpu.memory_space<vmem>>, vector<1x16xi32>,
      %mul3A_608 = arith.constant 128 : i32
      %mul3A_609 = arith.muli %scan3A_524, %mul3A_608 : i32
      %add3A_610 = arith.constant 96 : i32
      %add3A_611 = arith.addi %mul3A_609, %add3A_610 : i32
      %get3A_612 = arith.constant 1 : i32
      %get3A_613 = arith.index_cast %get3A_612 : i32 to index
      %get3A_614 = arith.index_cast %add3A_611 : i32 to index
      %get3A_615 = tpu.vector_load %arg5[%get3A_613, %get3A_614] {strides = array<i32>} : memref<2x4992xi32, #tpu.memory_space<vmem>>, vector<1x16xi32>,
      %get3A_616 = vector.shape_cast %get3A_615 : vector<1x16xi32> to vector<16xi32>
      %swap3A_617 = arith.index_cast %scan3A_524 : i32 to index
      %swap3A_618 = arith.constant 96 : index
      %swap3A_619 = tpu.vector_load %arg6[%swap3A_617, %swap3A_618] {strides = array<i32>} : memref<40x128xi32, #tpu.memory_space<vmem>>, vector<1x16xi32>,
      %swap3A_620 = vector.shape_cast %swap3A_619 : vector<1x16xi32> to vector<16xi32>
      %swap3A_621 = vector.shape_cast %get3A_616 : vector<16xi32> to vector<1x16xi32>
      tpu.vector_store %arg6[%swap3A_617, %swap3A_618], %swap3A_621 {strides = array<i32>} : memref<40x128xi32, #tpu.memory_space<vmem>>, vector<1x16xi32>,
      %mul3A_622 = arith.constant 128 : i32
      %mul3A_623 = arith.muli %scan3A_524, %mul3A_622 : i32
      %add3A_624 = arith.constant 112 : i32
      %add3A_625 = arith.addi %mul3A_623, %add3A_624 : i32
      %get3A_626 = arith.constant 1 : i32
      %get3A_627 = arith.index_cast %get3A_626 : i32 to index
      %get3A_628 = arith.index_cast %add3A_625 : i32 to index
      %get3A_629 = tpu.vector_load %arg5[%get3A_627, %get3A_628] {strides = array<i32>} : memref<2x4992xi32, #tpu.memory_space<vmem>>, vector<1x16xi32>,
      %get3A_630 = vector.shape_cast %get3A_629 : vector<1x16xi32> to vector<16xi32>
      %swap3A_631 = arith.index_cast %scan3A_524 : i32 to index
      %swap3A_632 = arith.constant 112 : index
      %swap3A_633 = tpu.vector_load %arg6[%swap3A_631, %swap3A_632] {strides = array<i32>} : memref<40x128xi32, #tpu.memory_space<vmem>>, vector<1x16xi32>,
      %swap3A_634 = vector.shape_cast %swap3A_633 : vector<1x16xi32> to vector<16xi32>
      %swap3A_635 = vector.shape_cast %get3A_630 : vector<16xi32> to vector<1x16xi32>
      tpu.vector_store %arg6[%swap3A_631, %swap3A_632], %swap3A_635 {strides = array<i32>} : memref<40x128xi32, #tpu.memory_space<vmem>>, vector<1x16xi32>,
    }
    %scan3A_51 = arith.constant 39 : i32
    %barrier3A = arith.constant 0 : index
    tpu.barrier barrier_id(%barrier3A)
    %dma_start3A = arith.constant 0 : i32
    %dma_start3A_52 = arith.constant 0 : i32
    %dma_start3A_53 = tpu.memref_slice %arg6[%dma_start3A, %dma_start3A_52] : memref<40x128xi32, #tpu.memory_space<vmem>> -> memref<1x128xi32, #tpu.memory_space<vmem>>
    %dma_start3A_54 = tpu.memref_squeeze %dma_start3A_53 : memref<1x128xi32, #tpu.memory_space<vmem>> -> memref<128xi32, #tpu.memory_space<vmem>>
    %dma_start3A_55 = arith.constant 0 : i32
    %dma_start3A_56 = tpu.memref_slice %arg4[%dma_start3A_55] : memref<10240xf32, #tpu.memory_space<vmem_shared>> -> memref<10240xf32, #tpu.memory_space<vmem_shared>>
    tpu.enqueue_indirect_dma source(%arg8 : memref<128xf32, #tpu.memory_space<vmem>>) target(%dma_start3A_56 : memref<10240xf32, #tpu.memory_space<vmem_shared>>) offsets(%dma_start3A_54 : memref<128xi32, #tpu.memory_space<vmem>>) semaphore(%arg10 : memref<!tpu.dma_semaphore, #tpu.memory_space<semaphore_mem>>) {add = true}
    %dma_start3A_57 = arith.constant 1 : i32
    %dma_start3A_58 = arith.constant 0 : i32
    %dma_start3A_59 = tpu.memref_slice %arg6[%dma_start3A_57, %dma_start3A_58] : memref<40x128xi32, #tpu.memory_space<vmem>> -> memref<1x128xi32, #tpu.memory_space<vmem>>
    %dma_start3A_60 = tpu.memref_squeeze %dma_start3A_59 : memref<1x128xi32, #tpu.memory_space<vmem>> -> memref<128xi32, #tpu.memory_space<vmem>>
    %dma_start3A_61 = arith.constant 0 : i32
    %dma_start3A_62 = tpu.memref_slice %arg4[%dma_start3A_61] : memref<10240xf32, #tpu.memory_space<vmem_shared>> -> memref<10240xf32, #tpu.memory_space<vmem_shared>>
    tpu.enqueue_indirect_dma source(%arg8 : memref<128xf32, #tpu.memory_space<vmem>>) target(%dma_start3A_62 : memref<10240xf32, #tpu.memory_space<vmem_shared>>) offsets(%dma_start3A_60 : memref<128xi32, #tpu.memory_space<vmem>>) semaphore(%arg10 : memref<!tpu.dma_semaphore, #tpu.memory_space<semaphore_mem>>) {add = true}
    %dma_start3A_63 = arith.constant 2 : i32
    %dma_start3A_64 = arith.constant 0 : i32
    %dma_start3A_65 = tpu.memref_slice %arg6[%dma_start3A_63, %dma_start3A_64] : memref<40x128xi32, #tpu.memory_space<vmem>> -> memref<1x128xi32, #tpu.memory_space<vmem>>
    %dma_start3A_66 = tpu.memref_squeeze %dma_start3A_65 : memref<1x128xi32, #tpu.memory_space<vmem>> -> memref<128xi32, #tpu.memory_space<vmem>>
    %dma_start3A_67 = arith.constant 0 : i32
    %dma_start3A_68 = tpu.memref_slice %arg4[%dma_start3A_67] : memref<10240xf32, #tpu.memory_space<vmem_shared>> -> memref<10240xf32, #tpu.memory_space<vmem_shared>>
    tpu.enqueue_indirect_dma source(%arg8 : memref<128xf32, #tpu.memory_space<vmem>>) target(%dma_start3A_68 : memref<10240xf32, #tpu.memory_space<vmem_shared>>) offsets(%dma_start3A_66 : memref<128xi32, #tpu.memory_space<vmem>>) semaphore(%arg10 : memref<!tpu.dma_semaphore, #tpu.memory_space<semaphore_mem>>) {add = true}
    %dma_start3A_69 = arith.constant 3 : i32
    %dma_start3A_70 = arith.constant 0 : i32
    %dma_start3A_71 = tpu.memref_slice %arg6[%dma_start3A_69, %dma_start3A_70] : memref<40x128xi32, #tpu.memory_space<vmem>> -> memref<1x128xi32, #tpu.memory_space<vmem>>
    %dma_start3A_72 = tpu.memref_squeeze %dma_start3A_71 : memref<1x128xi32, #tpu.memory_space<vmem>> -> memref<128xi32, #tpu.memory_space<vmem>>
    %dma_start3A_73 = arith.constant 0 : i32
    %dma_start3A_74 = tpu.memref_slice %arg4[%dma_start3A_73] : memref<10240xf32, #tpu.memory_space<vmem_shared>> -> memref<10240xf32, #tpu.memory_space<vmem_shared>>
    tpu.enqueue_indirect_dma source(%arg8 : memref<128xf32, #tpu.memory_space<vmem>>) target(%dma_start3A_74 : memref<10240xf32, #tpu.memory_space<vmem_shared>>) offsets(%dma_start3A_72 : memref<128xi32, #tpu.memory_space<vmem>>) semaphore(%arg10 : memref<!tpu.dma_semaphore, #tpu.memory_space<semaphore_mem>>) {add = true}
    %dma_start3A_75 = arith.constant 4 : i32
    %dma_start3A_76 = arith.constant 0 : i32
    %dma_start3A_77 = tpu.memref_slice %arg6[%dma_start3A_75, %dma_start3A_76] : memref<40x128xi32, #tpu.memory_space<vmem>> -> memref<1x128xi32, #tpu.memory_space<vmem>>
    %dma_start3A_78 = tpu.memref_squeeze %dma_start3A_77 : memref<1x128xi32, #tpu.memory_space<vmem>> -> memref<128xi32, #tpu.memory_space<vmem>>
    %dma_start3A_79 = arith.constant 0 : i32
    %dma_start3A_80 = tpu.memref_slice %arg4[%dma_start3A_79] : memref<10240xf32, #tpu.memory_space<vmem_shared>> -> memref<10240xf32, #tpu.memory_space<vmem_shared>>
    tpu.enqueue_indirect_dma source(%arg8 : memref<128xf32, #tpu.memory_space<vmem>>) target(%dma_start3A_80 : memref<10240xf32, #tpu.memory_space<vmem_shared>>) offsets(%dma_start3A_78 : memref<128xi32, #tpu.memory_space<vmem>>) semaphore(%arg10 : memref<!tpu.dma_semaphore, #tpu.memory_space<semaphore_mem>>) {add = true}
    %dma_start3A_81 = arith.constant 5 : i32
    %dma_start3A_82 = arith.constant 0 : i32
    %dma_start3A_83 = tpu.memref_slice %arg6[%dma_start3A_81, %dma_start3A_82] : memref<40x128xi32, #tpu.memory_space<vmem>> -> memref<1x128xi32, #tpu.memory_space<vmem>>
    %dma_start3A_84 = tpu.memref_squeeze %dma_start3A_83 : memref<1x128xi32, #tpu.memory_space<vmem>> -> memref<128xi32, #tpu.memory_space<vmem>>
    %dma_start3A_85 = arith.constant 0 : i32
    %dma_start3A_86 = tpu.memref_slice %arg4[%dma_start3A_85] : memref<10240xf32, #tpu.memory_space<vmem_shared>> -> memref<10240xf32, #tpu.memory_space<vmem_shared>>
    tpu.enqueue_indirect_dma source(%arg8 : memref<128xf32, #tpu.memory_space<vmem>>) target(%dma_start3A_86 : memref<10240xf32, #tpu.memory_space<vmem_shared>>) offsets(%dma_start3A_84 : memref<128xi32, #tpu.memory_space<vmem>>) semaphore(%arg10 : memref<!tpu.dma_semaphore, #tpu.memory_space<semaphore_mem>>) {add = true}
    %dma_start3A_87 = arith.constant 6 : i32
    %dma_start3A_88 = arith.constant 0 : i32
    %dma_start3A_89 = tpu.memref_slice %arg6[%dma_start3A_87, %dma_start3A_88] : memref<40x128xi32, #tpu.memory_space<vmem>> -> memref<1x128xi32, #tpu.memory_space<vmem>>
    %dma_start3A_90 = tpu.memref_squeeze %dma_start3A_89 : memref<1x128xi32, #tpu.memory_space<vmem>> -> memref<128xi32, #tpu.memory_space<vmem>>
    %dma_start3A_91 = arith.constant 0 : i32
    %dma_start3A_92 = tpu.memref_slice %arg4[%dma_start3A_91] : memref<10240xf32, #tpu.memory_space<vmem_shared>> -> memref<10240xf32, #tpu.memory_space<vmem_shared>>
    tpu.enqueue_indirect_dma source(%arg8 : memref<128xf32, #tpu.memory_space<vmem>>) target(%dma_start3A_92 : memref<10240xf32, #tpu.memory_space<vmem_shared>>) offsets(%dma_start3A_90 : memref<128xi32, #tpu.memory_space<vmem>>) semaphore(%arg10 : memref<!tpu.dma_semaphore, #tpu.memory_space<semaphore_mem>>) {add = true}
    %dma_start3A_93 = arith.constant 7 : i32
    %dma_start3A_94 = arith.constant 0 : i32
    %dma_start3A_95 = tpu.memref_slice %arg6[%dma_start3A_93, %dma_start3A_94] : memref<40x128xi32, #tpu.memory_space<vmem>> -> memref<1x128xi32, #tpu.memory_space<vmem>>
    %dma_start3A_96 = tpu.memref_squeeze %dma_start3A_95 : memref<1x128xi32, #tpu.memory_space<vmem>> -> memref<128xi32, #tpu.memory_space<vmem>>
    %dma_start3A_97 = arith.constant 0 : i32
    %dma_start3A_98 = tpu.memref_slice %arg4[%dma_start3A_97] : memref<10240xf32, #tpu.memory_space<vmem_shared>> -> memref<10240xf32, #tpu.memory_space<vmem_shared>>
    tpu.enqueue_indirect_dma source(%arg8 : memref<128xf32, #tpu.memory_space<vmem>>) target(%dma_start3A_98 : memref<10240xf32, #tpu.memory_space<vmem_shared>>) offsets(%dma_start3A_96 : memref<128xi32, #tpu.memory_space<vmem>>) semaphore(%arg10 : memref<!tpu.dma_semaphore, #tpu.memory_space<semaphore_mem>>) {add = true}
    %dma_start3A_99 = arith.constant 8 : i32
    %dma_start3A_100 = arith.constant 0 : i32
    %dma_start3A_101 = tpu.memref_slice %arg6[%dma_start3A_99, %dma_start3A_100] : memref<40x128xi32, #tpu.memory_space<vmem>> -> memref<1x128xi32, #tpu.memory_space<vmem>>
    %dma_start3A_102 = tpu.memref_squeeze %dma_start3A_101 : memref<1x128xi32, #tpu.memory_space<vmem>> -> memref<128xi32, #tpu.memory_space<vmem>>
    %dma_start3A_103 = arith.constant 0 : i32
    %dma_start3A_104 = tpu.memref_slice %arg4[%dma_start3A_103] : memref<10240xf32, #tpu.memory_space<vmem_shared>> -> memref<10240xf32, #tpu.memory_space<vmem_shared>>
    tpu.enqueue_indirect_dma source(%arg8 : memref<128xf32, #tpu.memory_space<vmem>>) target(%dma_start3A_104 : memref<10240xf32, #tpu.memory_space<vmem_shared>>) offsets(%dma_start3A_102 : memref<128xi32, #tpu.memory_space<vmem>>) semaphore(%arg10 : memref<!tpu.dma_semaphore, #tpu.memory_space<semaphore_mem>>) {add = true}
    %dma_start3A_105 = arith.constant 9 : i32
    %dma_start3A_106 = arith.constant 0 : i32
    %dma_start3A_107 = tpu.memref_slice %arg6[%dma_start3A_105, %dma_start3A_106] : memref<40x128xi32, #tpu.memory_space<vmem>> -> memref<1x128xi32, #tpu.memory_space<vmem>>
    %dma_start3A_108 = tpu.memref_squeeze %dma_start3A_107 : memref<1x128xi32, #tpu.memory_space<vmem>> -> memref<128xi32, #tpu.memory_space<vmem>>
    %dma_start3A_109 = arith.constant 0 : i32
    %dma_start3A_110 = tpu.memref_slice %arg4[%dma_start3A_109] : memref<10240xf32, #tpu.memory_space<vmem_shared>> -> memref<10240xf32, #tpu.memory_space<vmem_shared>>
    tpu.enqueue_indirect_dma source(%arg8 : memref<128xf32, #tpu.memory_space<vmem>>) target(%dma_start3A_110 : memref<10240xf32, #tpu.memory_space<vmem_shared>>) offsets(%dma_start3A_108 : memref<128xi32, #tpu.memory_space<vmem>>) semaphore(%arg10 : memref<!tpu.dma_semaphore, #tpu.memory_space<semaphore_mem>>) {add = true}
    %dma_start3A_111 = arith.constant 10 : i32
    %dma_start3A_112 = arith.constant 0 : i32
    %dma_start3A_113 = tpu.memref_slice %arg6[%dma_start3A_111, %dma_start3A_112] : memref<40x128xi32, #tpu.memory_space<vmem>> -> memref<1x128xi32, #tpu.memory_space<vmem>>
    %dma_start3A_114 = tpu.memref_squeeze %dma_start3A_113 : memref<1x128xi32, #tpu.memory_space<vmem>> -> memref<128xi32, #tpu.memory_space<vmem>>
    %dma_start3A_115 = arith.constant 0 : i32
    %dma_start3A_116 = tpu.memref_slice %arg4[%dma_start3A_115] : memref<10240xf32, #tpu.memory_space<vmem_shared>> -> memref<10240xf32, #tpu.memory_space<vmem_shared>>
    tpu.enqueue_indirect_dma source(%arg8 : memref<128xf32, #tpu.memory_space<vmem>>) target(%dma_start3A_116 : memref<10240xf32, #tpu.memory_space<vmem_shared>>) offsets(%dma_start3A_114 : memref<128xi32, #tpu.memory_space<vmem>>) semaphore(%arg10 : memref<!tpu.dma_semaphore, #tpu.memory_space<semaphore_mem>>) {add = true}
    %dma_start3A_117 = arith.constant 11 : i32
    %dma_start3A_118 = arith.constant 0 : i32
    %dma_start3A_119 = tpu.memref_slice %arg6[%dma_start3A_117, %dma_start3A_118] : memref<40x128xi32, #tpu.memory_space<vmem>> -> memref<1x128xi32, #tpu.memory_space<vmem>>
    %dma_start3A_120 = tpu.memref_squeeze %dma_start3A_119 : memref<1x128xi32, #tpu.memory_space<vmem>> -> memref<128xi32, #tpu.memory_space<vmem>>
    %dma_start3A_121 = arith.constant 0 : i32
    %dma_start3A_122 = tpu.memref_slice %arg4[%dma_start3A_121] : memref<10240xf32, #tpu.memory_space<vmem_shared>> -> memref<10240xf32, #tpu.memory_space<vmem_shared>>
    tpu.enqueue_indirect_dma source(%arg8 : memref<128xf32, #tpu.memory_space<vmem>>) target(%dma_start3A_122 : memref<10240xf32, #tpu.memory_space<vmem_shared>>) offsets(%dma_start3A_120 : memref<128xi32, #tpu.memory_space<vmem>>) semaphore(%arg10 : memref<!tpu.dma_semaphore, #tpu.memory_space<semaphore_mem>>) {add = true}
    %dma_start3A_123 = arith.constant 12 : i32
    %dma_start3A_124 = arith.constant 0 : i32
    %dma_start3A_125 = tpu.memref_slice %arg6[%dma_start3A_123, %dma_start3A_124] : memref<40x128xi32, #tpu.memory_space<vmem>> -> memref<1x128xi32, #tpu.memory_space<vmem>>
    %dma_start3A_126 = tpu.memref_squeeze %dma_start3A_125 : memref<1x128xi32, #tpu.memory_space<vmem>> -> memref<128xi32, #tpu.memory_space<vmem>>
    %dma_start3A_127 = arith.constant 0 : i32
    %dma_start3A_128 = tpu.memref_slice %arg4[%dma_start3A_127] : memref<10240xf32, #tpu.memory_space<vmem_shared>> -> memref<10240xf32, #tpu.memory_space<vmem_shared>>
    tpu.enqueue_indirect_dma source(%arg8 : memref<128xf32, #tpu.memory_space<vmem>>) target(%dma_start3A_128 : memref<10240xf32, #tpu.memory_space<vmem_shared>>) offsets(%dma_start3A_126 : memref<128xi32, #tpu.memory_space<vmem>>) semaphore(%arg10 : memref<!tpu.dma_semaphore, #tpu.memory_space<semaphore_mem>>) {add = true}
    %dma_start3A_129 = arith.constant 13 : i32
    %dma_start3A_130 = arith.constant 0 : i32
    %dma_start3A_131 = tpu.memref_slice %arg6[%dma_start3A_129, %dma_start3A_130] : memref<40x128xi32, #tpu.memory_space<vmem>> -> memref<1x128xi32, #tpu.memory_space<vmem>>
    %dma_start3A_132 = tpu.memref_squeeze %dma_start3A_131 : memref<1x128xi32, #tpu.memory_space<vmem>> -> memref<128xi32, #tpu.memory_space<vmem>>
    %dma_start3A_133 = arith.constant 0 : i32
    %dma_start3A_134 = tpu.memref_slice %arg4[%dma_start3A_133] : memref<10240xf32, #tpu.memory_space<vmem_shared>> -> memref<10240xf32, #tpu.memory_space<vmem_shared>>
    tpu.enqueue_indirect_dma source(%arg8 : memref<128xf32, #tpu.memory_space<vmem>>) target(%dma_start3A_134 : memref<10240xf32, #tpu.memory_space<vmem_shared>>) offsets(%dma_start3A_132 : memref<128xi32, #tpu.memory_space<vmem>>) semaphore(%arg10 : memref<!tpu.dma_semaphore, #tpu.memory_space<semaphore_mem>>) {add = true}
    %dma_start3A_135 = arith.constant 14 : i32
    %dma_start3A_136 = arith.constant 0 : i32
    %dma_start3A_137 = tpu.memref_slice %arg6[%dma_start3A_135, %dma_start3A_136] : memref<40x128xi32, #tpu.memory_space<vmem>> -> memref<1x128xi32, #tpu.memory_space<vmem>>
    %dma_start3A_138 = tpu.memref_squeeze %dma_start3A_137 : memref<1x128xi32, #tpu.memory_space<vmem>> -> memref<128xi32, #tpu.memory_space<vmem>>
    %dma_start3A_139 = arith.constant 0 : i32
    %dma_start3A_140 = tpu.memref_slice %arg4[%dma_start3A_139] : memref<10240xf32, #tpu.memory_space<vmem_shared>> -> memref<10240xf32, #tpu.memory_space<vmem_shared>>
    tpu.enqueue_indirect_dma source(%arg8 : memref<128xf32, #tpu.memory_space<vmem>>) target(%dma_start3A_140 : memref<10240xf32, #tpu.memory_space<vmem_shared>>) offsets(%dma_start3A_138 : memref<128xi32, #tpu.memory_space<vmem>>) semaphore(%arg10 : memref<!tpu.dma_semaphore, #tpu.memory_space<semaphore_mem>>) {add = true}
    %dma_start3A_141 = arith.constant 15 : i32
    %dma_start3A_142 = arith.constant 0 : i32
    %dma_start3A_143 = tpu.memref_slice %arg6[%dma_start3A_141, %dma_start3A_142] : memref<40x128xi32, #tpu.memory_space<vmem>> -> memref<1x128xi32, #tpu.memory_space<vmem>>
    %dma_start3A_144 = tpu.memref_squeeze %dma_start3A_143 : memref<1x128xi32, #tpu.memory_space<vmem>> -> memref<128xi32, #tpu.memory_space<vmem>>
    %dma_start3A_145 = arith.constant 0 : i32
    %dma_start3A_146 = tpu.memref_slice %arg4[%dma_start3A_145] : memref<10240xf32, #tpu.memory_space<vmem_shared>> -> memref<10240xf32, #tpu.memory_space<vmem_shared>>
    tpu.enqueue_indirect_dma source(%arg8 : memref<128xf32, #tpu.memory_space<vmem>>) target(%dma_start3A_146 : memref<10240xf32, #tpu.memory_space<vmem_shared>>) offsets(%dma_start3A_144 : memref<128xi32, #tpu.memory_space<vmem>>) semaphore(%arg10 : memref<!tpu.dma_semaphore, #tpu.memory_space<semaphore_mem>>) {add = true}
    %dma_start3A_147 = arith.constant 16 : i32
    %dma_start3A_148 = arith.constant 0 : i32
    %dma_start3A_149 = tpu.memref_slice %arg6[%dma_start3A_147, %dma_start3A_148] : memref<40x128xi32, #tpu.memory_space<vmem>> -> memref<1x128xi32, #tpu.memory_space<vmem>>
    %dma_start3A_150 = tpu.memref_squeeze %dma_start3A_149 : memref<1x128xi32, #tpu.memory_space<vmem>> -> memref<128xi32, #tpu.memory_space<vmem>>
    %dma_start3A_151 = arith.constant 0 : i32
    %dma_start3A_152 = tpu.memref_slice %arg4[%dma_start3A_151] : memref<10240xf32, #tpu.memory_space<vmem_shared>> -> memref<10240xf32, #tpu.memory_space<vmem_shared>>
    tpu.enqueue_indirect_dma source(%arg8 : memref<128xf32, #tpu.memory_space<vmem>>) target(%dma_start3A_152 : memref<10240xf32, #tpu.memory_space<vmem_shared>>) offsets(%dma_start3A_150 : memref<128xi32, #tpu.memory_space<vmem>>) semaphore(%arg10 : memref<!tpu.dma_semaphore, #tpu.memory_space<semaphore_mem>>) {add = true}
    %dma_start3A_153 = arith.constant 17 : i32
    %dma_start3A_154 = arith.constant 0 : i32
    %dma_start3A_155 = tpu.memref_slice %arg6[%dma_start3A_153, %dma_start3A_154] : memref<40x128xi32, #tpu.memory_space<vmem>> -> memref<1x128xi32, #tpu.memory_space<vmem>>
    %dma_start3A_156 = tpu.memref_squeeze %dma_start3A_155 : memref<1x128xi32, #tpu.memory_space<vmem>> -> memref<128xi32, #tpu.memory_space<vmem>>
    %dma_start3A_157 = arith.constant 0 : i32
    %dma_start3A_158 = tpu.memref_slice %arg4[%dma_start3A_157] : memref<10240xf32, #tpu.memory_space<vmem_shared>> -> memref<10240xf32, #tpu.memory_space<vmem_shared>>
    tpu.enqueue_indirect_dma source(%arg8 : memref<128xf32, #tpu.memory_space<vmem>>) target(%dma_start3A_158 : memref<10240xf32, #tpu.memory_space<vmem_shared>>) offsets(%dma_start3A_156 : memref<128xi32, #tpu.memory_space<vmem>>) semaphore(%arg10 : memref<!tpu.dma_semaphore, #tpu.memory_space<semaphore_mem>>) {add = true}
    %dma_start3A_159 = arith.constant 18 : i32
    %dma_start3A_160 = arith.constant 0 : i32
    %dma_start3A_161 = tpu.memref_slice %arg6[%dma_start3A_159, %dma_start3A_160] : memref<40x128xi32, #tpu.memory_space<vmem>> -> memref<1x128xi32, #tpu.memory_space<vmem>>
    %dma_start3A_162 = tpu.memref_squeeze %dma_start3A_161 : memref<1x128xi32, #tpu.memory_space<vmem>> -> memref<128xi32, #tpu.memory_space<vmem>>
    %dma_start3A_163 = arith.constant 0 : i32
    %dma_start3A_164 = tpu.memref_slice %arg4[%dma_start3A_163] : memref<10240xf32, #tpu.memory_space<vmem_shared>> -> memref<10240xf32, #tpu.memory_space<vmem_shared>>
    tpu.enqueue_indirect_dma source(%arg8 : memref<128xf32, #tpu.memory_space<vmem>>) target(%dma_start3A_164 : memref<10240xf32, #tpu.memory_space<vmem_shared>>) offsets(%dma_start3A_162 : memref<128xi32, #tpu.memory_space<vmem>>) semaphore(%arg10 : memref<!tpu.dma_semaphore, #tpu.memory_space<semaphore_mem>>) {add = true}
    %dma_start3A_165 = arith.constant 19 : i32
    %dma_start3A_166 = arith.constant 0 : i32
    %dma_start3A_167 = tpu.memref_slice %arg6[%dma_start3A_165, %dma_start3A_166] : memref<40x128xi32, #tpu.memory_space<vmem>> -> memref<1x128xi32, #tpu.memory_space<vmem>>
    %dma_start3A_168 = tpu.memref_squeeze %dma_start3A_167 : memref<1x128xi32, #tpu.memory_space<vmem>> -> memref<128xi32, #tpu.memory_space<vmem>>
    %dma_start3A_169 = arith.constant 0 : i32
    %dma_start3A_170 = tpu.memref_slice %arg4[%dma_start3A_169] : memref<10240xf32, #tpu.memory_space<vmem_shared>> -> memref<10240xf32, #tpu.memory_space<vmem_shared>>
    tpu.enqueue_indirect_dma source(%arg8 : memref<128xf32, #tpu.memory_space<vmem>>) target(%dma_start3A_170 : memref<10240xf32, #tpu.memory_space<vmem_shared>>) offsets(%dma_start3A_168 : memref<128xi32, #tpu.memory_space<vmem>>) semaphore(%arg10 : memref<!tpu.dma_semaphore, #tpu.memory_space<semaphore_mem>>) {add = true}
    %dma_start3A_171 = arith.constant 20 : i32
    %dma_start3A_172 = arith.constant 0 : i32
    %dma_start3A_173 = tpu.memref_slice %arg6[%dma_start3A_171, %dma_start3A_172] : memref<40x128xi32, #tpu.memory_space<vmem>> -> memref<1x128xi32, #tpu.memory_space<vmem>>
    %dma_start3A_174 = tpu.memref_squeeze %dma_start3A_173 : memref<1x128xi32, #tpu.memory_space<vmem>> -> memref<128xi32, #tpu.memory_space<vmem>>
    %dma_start3A_175 = arith.constant 0 : i32
    %dma_start3A_176 = tpu.memref_slice %arg4[%dma_start3A_175] : memref<10240xf32, #tpu.memory_space<vmem_shared>> -> memref<10240xf32, #tpu.memory_space<vmem_shared>>
    tpu.enqueue_indirect_dma source(%arg8 : memref<128xf32, #tpu.memory_space<vmem>>) target(%dma_start3A_176 : memref<10240xf32, #tpu.memory_space<vmem_shared>>) offsets(%dma_start3A_174 : memref<128xi32, #tpu.memory_space<vmem>>) semaphore(%arg10 : memref<!tpu.dma_semaphore, #tpu.memory_space<semaphore_mem>>) {add = true}
    %dma_start3A_177 = arith.constant 21 : i32
    %dma_start3A_178 = arith.constant 0 : i32
    %dma_start3A_179 = tpu.memref_slice %arg6[%dma_start3A_177, %dma_start3A_178] : memref<40x128xi32, #tpu.memory_space<vmem>> -> memref<1x128xi32, #tpu.memory_space<vmem>>
    %dma_start3A_180 = tpu.memref_squeeze %dma_start3A_179 : memref<1x128xi32, #tpu.memory_space<vmem>> -> memref<128xi32, #tpu.memory_space<vmem>>
    %dma_start3A_181 = arith.constant 0 : i32
    %dma_start3A_182 = tpu.memref_slice %arg4[%dma_start3A_181] : memref<10240xf32, #tpu.memory_space<vmem_shared>> -> memref<10240xf32, #tpu.memory_space<vmem_shared>>
    tpu.enqueue_indirect_dma source(%arg8 : memref<128xf32, #tpu.memory_space<vmem>>) target(%dma_start3A_182 : memref<10240xf32, #tpu.memory_space<vmem_shared>>) offsets(%dma_start3A_180 : memref<128xi32, #tpu.memory_space<vmem>>) semaphore(%arg10 : memref<!tpu.dma_semaphore, #tpu.memory_space<semaphore_mem>>) {add = true}
    %dma_start3A_183 = arith.constant 22 : i32
    %dma_start3A_184 = arith.constant 0 : i32
    %dma_start3A_185 = tpu.memref_slice %arg6[%dma_start3A_183, %dma_start3A_184] : memref<40x128xi32, #tpu.memory_space<vmem>> -> memref<1x128xi32, #tpu.memory_space<vmem>>
    %dma_start3A_186 = tpu.memref_squeeze %dma_start3A_185 : memref<1x128xi32, #tpu.memory_space<vmem>> -> memref<128xi32, #tpu.memory_space<vmem>>
    %dma_start3A_187 = arith.constant 0 : i32
    %dma_start3A_188 = tpu.memref_slice %arg4[%dma_start3A_187] : memref<10240xf32, #tpu.memory_space<vmem_shared>> -> memref<10240xf32, #tpu.memory_space<vmem_shared>>
    tpu.enqueue_indirect_dma source(%arg8 : memref<128xf32, #tpu.memory_space<vmem>>) target(%dma_start3A_188 : memref<10240xf32, #tpu.memory_space<vmem_shared>>) offsets(%dma_start3A_186 : memref<128xi32, #tpu.memory_space<vmem>>) semaphore(%arg10 : memref<!tpu.dma_semaphore, #tpu.memory_space<semaphore_mem>>) {add = true}
    %dma_start3A_189 = arith.constant 23 : i32
    %dma_start3A_190 = arith.constant 0 : i32
    %dma_start3A_191 = tpu.memref_slice %arg6[%dma_start3A_189, %dma_start3A_190] : memref<40x128xi32, #tpu.memory_space<vmem>> -> memref<1x128xi32, #tpu.memory_space<vmem>>
    %dma_start3A_192 = tpu.memref_squeeze %dma_start3A_191 : memref<1x128xi32, #tpu.memory_space<vmem>> -> memref<128xi32, #tpu.memory_space<vmem>>
    %dma_start3A_193 = arith.constant 0 : i32
    %dma_start3A_194 = tpu.memref_slice %arg4[%dma_start3A_193] : memref<10240xf32, #tpu.memory_space<vmem_shared>> -> memref<10240xf32, #tpu.memory_space<vmem_shared>>
    tpu.enqueue_indirect_dma source(%arg8 : memref<128xf32, #tpu.memory_space<vmem>>) target(%dma_start3A_194 : memref<10240xf32, #tpu.memory_space<vmem_shared>>) offsets(%dma_start3A_192 : memref<128xi32, #tpu.memory_space<vmem>>) semaphore(%arg10 : memref<!tpu.dma_semaphore, #tpu.memory_space<semaphore_mem>>) {add = true}
    %dma_start3A_195 = arith.constant 24 : i32
    %dma_start3A_196 = arith.constant 0 : i32
    %dma_start3A_197 = tpu.memref_slice %arg6[%dma_start3A_195, %dma_start3A_196] : memref<40x128xi32, #tpu.memory_space<vmem>> -> memref<1x128xi32, #tpu.memory_space<vmem>>
    %dma_start3A_198 = tpu.memref_squeeze %dma_start3A_197 : memref<1x128xi32, #tpu.memory_space<vmem>> -> memref<128xi32, #tpu.memory_space<vmem>>
    %dma_start3A_199 = arith.constant 0 : i32
    %dma_start3A_200 = tpu.memref_slice %arg4[%dma_start3A_199] : memref<10240xf32, #tpu.memory_space<vmem_shared>> -> memref<10240xf32, #tpu.memory_space<vmem_shared>>
    tpu.enqueue_indirect_dma source(%arg8 : memref<128xf32, #tpu.memory_space<vmem>>) target(%dma_start3A_200 : memref<10240xf32, #tpu.memory_space<vmem_shared>>) offsets(%dma_start3A_198 : memref<128xi32, #tpu.memory_space<vmem>>) semaphore(%arg10 : memref<!tpu.dma_semaphore, #tpu.memory_space<semaphore_mem>>) {add = true}
    %dma_start3A_201 = arith.constant 25 : i32
    %dma_start3A_202 = arith.constant 0 : i32
    %dma_start3A_203 = tpu.memref_slice %arg6[%dma_start3A_201, %dma_start3A_202] : memref<40x128xi32, #tpu.memory_space<vmem>> -> memref<1x128xi32, #tpu.memory_space<vmem>>
    %dma_start3A_204 = tpu.memref_squeeze %dma_start3A_203 : memref<1x128xi32, #tpu.memory_space<vmem>> -> memref<128xi32, #tpu.memory_space<vmem>>
    %dma_start3A_205 = arith.constant 0 : i32
    %dma_start3A_206 = tpu.memref_slice %arg4[%dma_start3A_205] : memref<10240xf32, #tpu.memory_space<vmem_shared>> -> memref<10240xf32, #tpu.memory_space<vmem_shared>>
    tpu.enqueue_indirect_dma source(%arg8 : memref<128xf32, #tpu.memory_space<vmem>>) target(%dma_start3A_206 : memref<10240xf32, #tpu.memory_space<vmem_shared>>) offsets(%dma_start3A_204 : memref<128xi32, #tpu.memory_space<vmem>>) semaphore(%arg10 : memref<!tpu.dma_semaphore, #tpu.memory_space<semaphore_mem>>) {add = true}
    %dma_start3A_207 = arith.constant 26 : i32
    %dma_start3A_208 = arith.constant 0 : i32
    %dma_start3A_209 = tpu.memref_slice %arg6[%dma_start3A_207, %dma_start3A_208] : memref<40x128xi32, #tpu.memory_space<vmem>> -> memref<1x128xi32, #tpu.memory_space<vmem>>
    %dma_start3A_210 = tpu.memref_squeeze %dma_start3A_209 : memref<1x128xi32, #tpu.memory_space<vmem>> -> memref<128xi32, #tpu.memory_space<vmem>>
    %dma_start3A_211 = arith.constant 0 : i32
    %dma_start3A_212 = tpu.memref_slice %arg4[%dma_start3A_211] : memref<10240xf32, #tpu.memory_space<vmem_shared>> -> memref<10240xf32, #tpu.memory_space<vmem_shared>>
    tpu.enqueue_indirect_dma source(%arg8 : memref<128xf32, #tpu.memory_space<vmem>>) target(%dma_start3A_212 : memref<10240xf32, #tpu.memory_space<vmem_shared>>) offsets(%dma_start3A_210 : memref<128xi32, #tpu.memory_space<vmem>>) semaphore(%arg10 : memref<!tpu.dma_semaphore, #tpu.memory_space<semaphore_mem>>) {add = true}
    %dma_start3A_213 = arith.constant 27 : i32
    %dma_start3A_214 = arith.constant 0 : i32
    %dma_start3A_215 = tpu.memref_slice %arg6[%dma_start3A_213, %dma_start3A_214] : memref<40x128xi32, #tpu.memory_space<vmem>> -> memref<1x128xi32, #tpu.memory_space<vmem>>
    %dma_start3A_216 = tpu.memref_squeeze %dma_start3A_215 : memref<1x128xi32, #tpu.memory_space<vmem>> -> memref<128xi32, #tpu.memory_space<vmem>>
    %dma_start3A_217 = arith.constant 0 : i32
    %dma_start3A_218 = tpu.memref_slice %arg4[%dma_start3A_217] : memref<10240xf32, #tpu.memory_space<vmem_shared>> -> memref<10240xf32, #tpu.memory_space<vmem_shared>>
    tpu.enqueue_indirect_dma source(%arg8 : memref<128xf32, #tpu.memory_space<vmem>>) target(%dma_start3A_218 : memref<10240xf32, #tpu.memory_space<vmem_shared>>) offsets(%dma_start3A_216 : memref<128xi32, #tpu.memory_space<vmem>>) semaphore(%arg10 : memref<!tpu.dma_semaphore, #tpu.memory_space<semaphore_mem>>) {add = true}
    %dma_start3A_219 = arith.constant 28 : i32
    %dma_start3A_220 = arith.constant 0 : i32
    %dma_start3A_221 = tpu.memref_slice %arg6[%dma_start3A_219, %dma_start3A_220] : memref<40x128xi32, #tpu.memory_space<vmem>> -> memref<1x128xi32, #tpu.memory_space<vmem>>
    %dma_start3A_222 = tpu.memref_squeeze %dma_start3A_221 : memref<1x128xi32, #tpu.memory_space<vmem>> -> memref<128xi32, #tpu.memory_space<vmem>>
    %dma_start3A_223 = arith.constant 0 : i32
    %dma_start3A_224 = tpu.memref_slice %arg4[%dma_start3A_223] : memref<10240xf32, #tpu.memory_space<vmem_shared>> -> memref<10240xf32, #tpu.memory_space<vmem_shared>>
    tpu.enqueue_indirect_dma source(%arg8 : memref<128xf32, #tpu.memory_space<vmem>>) target(%dma_start3A_224 : memref<10240xf32, #tpu.memory_space<vmem_shared>>) offsets(%dma_start3A_222 : memref<128xi32, #tpu.memory_space<vmem>>) semaphore(%arg10 : memref<!tpu.dma_semaphore, #tpu.memory_space<semaphore_mem>>) {add = true}
    %dma_start3A_225 = arith.constant 29 : i32
    %dma_start3A_226 = arith.constant 0 : i32
    %dma_start3A_227 = tpu.memref_slice %arg6[%dma_start3A_225, %dma_start3A_226] : memref<40x128xi32, #tpu.memory_space<vmem>> -> memref<1x128xi32, #tpu.memory_space<vmem>>
    %dma_start3A_228 = tpu.memref_squeeze %dma_start3A_227 : memref<1x128xi32, #tpu.memory_space<vmem>> -> memref<128xi32, #tpu.memory_space<vmem>>
    %dma_start3A_229 = arith.constant 0 : i32
    %dma_start3A_230 = tpu.memref_slice %arg4[%dma_start3A_229] : memref<10240xf32, #tpu.memory_space<vmem_shared>> -> memref<10240xf32, #tpu.memory_space<vmem_shared>>
    tpu.enqueue_indirect_dma source(%arg8 : memref<128xf32, #tpu.memory_space<vmem>>) target(%dma_start3A_230 : memref<10240xf32, #tpu.memory_space<vmem_shared>>) offsets(%dma_start3A_228 : memref<128xi32, #tpu.memory_space<vmem>>) semaphore(%arg10 : memref<!tpu.dma_semaphore, #tpu.memory_space<semaphore_mem>>) {add = true}
    %dma_start3A_231 = arith.constant 30 : i32
    %dma_start3A_232 = arith.constant 0 : i32
    %dma_start3A_233 = tpu.memref_slice %arg6[%dma_start3A_231, %dma_start3A_232] : memref<40x128xi32, #tpu.memory_space<vmem>> -> memref<1x128xi32, #tpu.memory_space<vmem>>
    %dma_start3A_234 = tpu.memref_squeeze %dma_start3A_233 : memref<1x128xi32, #tpu.memory_space<vmem>> -> memref<128xi32, #tpu.memory_space<vmem>>
    %dma_start3A_235 = arith.constant 0 : i32
    %dma_start3A_236 = tpu.memref_slice %arg4[%dma_start3A_235] : memref<10240xf32, #tpu.memory_space<vmem_shared>> -> memref<10240xf32, #tpu.memory_space<vmem_shared>>
    tpu.enqueue_indirect_dma source(%arg8 : memref<128xf32, #tpu.memory_space<vmem>>) target(%dma_start3A_236 : memref<10240xf32, #tpu.memory_space<vmem_shared>>) offsets(%dma_start3A_234 : memref<128xi32, #tpu.memory_space<vmem>>) semaphore(%arg10 : memref<!tpu.dma_semaphore, #tpu.memory_space<semaphore_mem>>) {add = true}
    %dma_start3A_237 = arith.constant 31 : i32
    %dma_start3A_238 = arith.constant 0 : i32
    %dma_start3A_239 = tpu.memref_slice %arg6[%dma_start3A_237, %dma_start3A_238] : memref<40x128xi32, #tpu.memory_space<vmem>> -> memref<1x128xi32, #tpu.memory_space<vmem>>
    %dma_start3A_240 = tpu.memref_squeeze %dma_start3A_239 : memref<1x128xi32, #tpu.memory_space<vmem>> -> memref<128xi32, #tpu.memory_space<vmem>>
    %dma_start3A_241 = arith.constant 0 : i32
    %dma_start3A_242 = tpu.memref_slice %arg4[%dma_start3A_241] : memref<10240xf32, #tpu.memory_space<vmem_shared>> -> memref<10240xf32, #tpu.memory_space<vmem_shared>>
    tpu.enqueue_indirect_dma source(%arg8 : memref<128xf32, #tpu.memory_space<vmem>>) target(%dma_start3A_242 : memref<10240xf32, #tpu.memory_space<vmem_shared>>) offsets(%dma_start3A_240 : memref<128xi32, #tpu.memory_space<vmem>>) semaphore(%arg10 : memref<!tpu.dma_semaphore, #tpu.memory_space<semaphore_mem>>) {add = true}
    %dma_start3A_243 = arith.constant 32 : i32
    %dma_start3A_244 = arith.constant 0 : i32
    %dma_start3A_245 = tpu.memref_slice %arg6[%dma_start3A_243, %dma_start3A_244] : memref<40x128xi32, #tpu.memory_space<vmem>> -> memref<1x128xi32, #tpu.memory_space<vmem>>
    %dma_start3A_246 = tpu.memref_squeeze %dma_start3A_245 : memref<1x128xi32, #tpu.memory_space<vmem>> -> memref<128xi32, #tpu.memory_space<vmem>>
    %dma_start3A_247 = arith.constant 0 : i32
    %dma_start3A_248 = tpu.memref_slice %arg4[%dma_start3A_247] : memref<10240xf32, #tpu.memory_space<vmem_shared>> -> memref<10240xf32, #tpu.memory_space<vmem_shared>>
    tpu.enqueue_indirect_dma source(%arg8 : memref<128xf32, #tpu.memory_space<vmem>>) target(%dma_start3A_248 : memref<10240xf32, #tpu.memory_space<vmem_shared>>) offsets(%dma_start3A_246 : memref<128xi32, #tpu.memory_space<vmem>>) semaphore(%arg10 : memref<!tpu.dma_semaphore, #tpu.memory_space<semaphore_mem>>) {add = true}
    %dma_start3A_249 = arith.constant 33 : i32
    %dma_start3A_250 = arith.constant 0 : i32
    %dma_start3A_251 = tpu.memref_slice %arg6[%dma_start3A_249, %dma_start3A_250] : memref<40x128xi32, #tpu.memory_space<vmem>> -> memref<1x128xi32, #tpu.memory_space<vmem>>
    %dma_start3A_252 = tpu.memref_squeeze %dma_start3A_251 : memref<1x128xi32, #tpu.memory_space<vmem>> -> memref<128xi32, #tpu.memory_space<vmem>>
    %dma_start3A_253 = arith.constant 0 : i32
    %dma_start3A_254 = tpu.memref_slice %arg4[%dma_start3A_253] : memref<10240xf32, #tpu.memory_space<vmem_shared>> -> memref<10240xf32, #tpu.memory_space<vmem_shared>>
    tpu.enqueue_indirect_dma source(%arg8 : memref<128xf32, #tpu.memory_space<vmem>>) target(%dma_start3A_254 : memref<10240xf32, #tpu.memory_space<vmem_shared>>) offsets(%dma_start3A_252 : memref<128xi32, #tpu.memory_space<vmem>>) semaphore(%arg10 : memref<!tpu.dma_semaphore, #tpu.memory_space<semaphore_mem>>) {add = true}
    %dma_start3A_255 = arith.constant 34 : i32
    %dma_start3A_256 = arith.constant 0 : i32
    %dma_start3A_257 = tpu.memref_slice %arg6[%dma_start3A_255, %dma_start3A_256] : memref<40x128xi32, #tpu.memory_space<vmem>> -> memref<1x128xi32, #tpu.memory_space<vmem>>
    %dma_start3A_258 = tpu.memref_squeeze %dma_start3A_257 : memref<1x128xi32, #tpu.memory_space<vmem>> -> memref<128xi32, #tpu.memory_space<vmem>>
    %dma_start3A_259 = arith.constant 0 : i32
    %dma_start3A_260 = tpu.memref_slice %arg4[%dma_start3A_259] : memref<10240xf32, #tpu.memory_space<vmem_shared>> -> memref<10240xf32, #tpu.memory_space<vmem_shared>>
    tpu.enqueue_indirect_dma source(%arg8 : memref<128xf32, #tpu.memory_space<vmem>>) target(%dma_start3A_260 : memref<10240xf32, #tpu.memory_space<vmem_shared>>) offsets(%dma_start3A_258 : memref<128xi32, #tpu.memory_space<vmem>>) semaphore(%arg10 : memref<!tpu.dma_semaphore, #tpu.memory_space<semaphore_mem>>) {add = true}
    %dma_start3A_261 = arith.constant 35 : i32
    %dma_start3A_262 = arith.constant 0 : i32
    %dma_start3A_263 = tpu.memref_slice %arg6[%dma_start3A_261, %dma_start3A_262] : memref<40x128xi32, #tpu.memory_space<vmem>> -> memref<1x128xi32, #tpu.memory_space<vmem>>
    %dma_start3A_264 = tpu.memref_squeeze %dma_start3A_263 : memref<1x128xi32, #tpu.memory_space<vmem>> -> memref<128xi32, #tpu.memory_space<vmem>>
    %dma_start3A_265 = arith.constant 0 : i32
    %dma_start3A_266 = tpu.memref_slice %arg4[%dma_start3A_265] : memref<10240xf32, #tpu.memory_space<vmem_shared>> -> memref<10240xf32, #tpu.memory_space<vmem_shared>>
    tpu.enqueue_indirect_dma source(%arg8 : memref<128xf32, #tpu.memory_space<vmem>>) target(%dma_start3A_266 : memref<10240xf32, #tpu.memory_space<vmem_shared>>) offsets(%dma_start3A_264 : memref<128xi32, #tpu.memory_space<vmem>>) semaphore(%arg10 : memref<!tpu.dma_semaphore, #tpu.memory_space<semaphore_mem>>) {add = true}
    %dma_start3A_267 = arith.constant 36 : i32
    %dma_start3A_268 = arith.constant 0 : i32
    %dma_start3A_269 = tpu.memref_slice %arg6[%dma_start3A_267, %dma_start3A_268] : memref<40x128xi32, #tpu.memory_space<vmem>> -> memref<1x128xi32, #tpu.memory_space<vmem>>
    %dma_start3A_270 = tpu.memref_squeeze %dma_start3A_269 : memref<1x128xi32, #tpu.memory_space<vmem>> -> memref<128xi32, #tpu.memory_space<vmem>>
    %dma_start3A_271 = arith.constant 0 : i32
    %dma_start3A_272 = tpu.memref_slice %arg4[%dma_start3A_271] : memref<10240xf32, #tpu.memory_space<vmem_shared>> -> memref<10240xf32, #tpu.memory_space<vmem_shared>>
    tpu.enqueue_indirect_dma source(%arg8 : memref<128xf32, #tpu.memory_space<vmem>>) target(%dma_start3A_272 : memref<10240xf32, #tpu.memory_space<vmem_shared>>) offsets(%dma_start3A_270 : memref<128xi32, #tpu.memory_space<vmem>>) semaphore(%arg10 : memref<!tpu.dma_semaphore, #tpu.memory_space<semaphore_mem>>) {add = true}
    %dma_start3A_273 = arith.constant 37 : i32
    %dma_start3A_274 = arith.constant 0 : i32
    %dma_start3A_275 = tpu.memref_slice %arg6[%dma_start3A_273, %dma_start3A_274] : memref<40x128xi32, #tpu.memory_space<vmem>> -> memref<1x128xi32, #tpu.memory_space<vmem>>
    %dma_start3A_276 = tpu.memref_squeeze %dma_start3A_275 : memref<1x128xi32, #tpu.memory_space<vmem>> -> memref<128xi32, #tpu.memory_space<vmem>>
    %dma_start3A_277 = arith.constant 0 : i32
    %dma_start3A_278 = tpu.memref_slice %arg4[%dma_start3A_277] : memref<10240xf32, #tpu.memory_space<vmem_shared>> -> memref<10240xf32, #tpu.memory_space<vmem_shared>>
    tpu.enqueue_indirect_dma source(%arg8 : memref<128xf32, #tpu.memory_space<vmem>>) target(%dma_start3A_278 : memref<10240xf32, #tpu.memory_space<vmem_shared>>) offsets(%dma_start3A_276 : memref<128xi32, #tpu.memory_space<vmem>>) semaphore(%arg10 : memref<!tpu.dma_semaphore, #tpu.memory_space<semaphore_mem>>) {add = true}
    %dma_start3A_279 = arith.constant 38 : i32
    %dma_start3A_280 = arith.constant 0 : i32
    %dma_start3A_281 = tpu.memref_slice %arg6[%dma_start3A_279, %dma_start3A_280] : memref<40x128xi32, #tpu.memory_space<vmem>> -> memref<1x128xi32, #tpu.memory_space<vmem>>
    %dma_start3A_282 = tpu.memref_squeeze %dma_start3A_281 : memref<1x128xi32, #tpu.memory_space<vmem>> -> memref<128xi32, #tpu.memory_space<vmem>>
    %dma_start3A_283 = arith.constant 0 : i32
    %dma_start3A_284 = tpu.memref_slice %arg4[%dma_start3A_283] : memref<10240xf32, #tpu.memory_space<vmem_shared>> -> memref<10240xf32, #tpu.memory_space<vmem_shared>>
    tpu.enqueue_indirect_dma source(%arg8 : memref<128xf32, #tpu.memory_space<vmem>>) target(%dma_start3A_284 : memref<10240xf32, #tpu.memory_space<vmem_shared>>) offsets(%dma_start3A_282 : memref<128xi32, #tpu.memory_space<vmem>>) semaphore(%arg10 : memref<!tpu.dma_semaphore, #tpu.memory_space<semaphore_mem>>) {add = true}
    %lt3A = arith.constant 2 : i32
    %lt3A_285 = arith.cmpi slt, %add3A, %lt3A : i32
    %convert_element_type3A = arith.extui %lt3A_285 : i1 to i32
    %cond3A = arith.constant 0 : i32
    %cond3A_286 = arith.cmpi ne, %convert_element_type3A, %cond3A : i32
    scf.if %cond3A_286 {
      %add3A_524 = arith.constant 1248 : i32
      %add3A_525 = arith.addi %add3A_524, %add3A : i32
      %mul3A_526 = arith.constant 128 : i32
      %mul3A_527 = arith.muli %add3A_525, %mul3A_526 : i32
      "tpu.region"() ({
        %run_scoped3A_615 = tpu.sem_alloc : memref<!tpu.dma_semaphore, #tpu.memory_space<semaphore_mem>>
        %dma_start3A_616 = arith.constant 0 : i32
        %dma_start3A_617 = tpu.memref_slice %arg2[%dma_start3A_616, %mul3A_527] : memref<2x160000xi32, #tpu.memory_space<hbm>> -> memref<2x128xi32, #tpu.memory_space<hbm>>
        %dma_start3A_618 = arith.constant 0 : i32
        %dma_start3A_619 = tpu.memref_slice %arg2[%dma_start3A_618, %mul3A_527] : memref<2x160000xi32, #tpu.memory_space<hbm>> -> memref<2x128xi32, #tpu.memory_space<hbm>>
        tpu.enqueue_dma source(%dma_start3A_619 : memref<2x128xi32, #tpu.memory_space<hbm>>) target(%arg7 : memref<2x128xi32, #tpu.memory_space<vmem>>) target_semaphore(%run_scoped3A_615 : memref<!tpu.dma_semaphore, #tpu.memory_space<semaphore_mem>>)
        %dma_wait3A_620 = arith.constant 0 : i32
        %dma_wait3A_621 = tpu.memref_slice %arg2[%dma_wait3A_620, %mul3A_527] : memref<2x160000xi32, #tpu.memory_space<hbm>> -> memref<2x128xi32, #tpu.memory_space<hbm>>
        %dma_wait3A_622 = arith.constant 0 : i32
        %dma_wait3A_623 = tpu.memref_slice %arg2[%dma_wait3A_622, %mul3A_527] : memref<2x160000xi32, #tpu.memory_space<hbm>> -> memref<2x128xi32, #tpu.memory_space<hbm>>
        tpu.wait_dma2 semaphore(%run_scoped3A_615 : memref<!tpu.dma_semaphore, #tpu.memory_space<semaphore_mem>>) src(%dma_wait3A_623 : memref<2x128xi32, #tpu.memory_space<hbm>>) dst(%arg7 : memref<2x128xi32, #tpu.memory_space<vmem>>)
        tpu.yield
      }) : () -> ()
      %get3A = arith.constant 1 : i32
      %get3A_528 = arith.index_cast %get3A : i32 to index
      %get3A_529 = arith.constant 0 : index
      %get3A_530 = tpu.vector_load %arg7[%get3A_528, %get3A_529] {strides = array<i32>} : memref<2x128xi32, #tpu.memory_space<vmem>>, vector<1x16xi32>,
      %get3A_531 = vector.shape_cast %get3A_530 : vector<1x16xi32> to vector<16xi32>
      %swap3A_532 = arith.constant 39 : i32
      %swap3A_533 = arith.index_cast %swap3A_532 : i32 to index
      %swap3A_534 = arith.constant 0 : index
      %swap3A_535 = tpu.vector_load %arg6[%swap3A_533, %swap3A_534] {strides = array<i32>} : memref<40x128xi32, #tpu.memory_space<vmem>>, vector<1x16xi32>,
      %swap3A_536 = vector.shape_cast %swap3A_535 : vector<1x16xi32> to vector<16xi32>
      %swap3A_537 = vector.shape_cast %get3A_531 : vector<16xi32> to vector<1x16xi32>
      tpu.vector_store %arg6[%swap3A_533, %swap3A_534], %swap3A_537 {strides = array<i32>} : memref<40x128xi32, #tpu.memory_space<vmem>>, vector<1x16xi32>,
      %get3A_538 = arith.constant 1 : i32
      %get3A_539 = arith.index_cast %get3A_538 : i32 to index
      %get3A_540 = arith.constant 16 : index
      %get3A_541 = tpu.vector_load %arg7[%get3A_539, %get3A_540] {strides = array<i32>} : memref<2x128xi32, #tpu.memory_space<vmem>>, vector<1x16xi32>,
      %get3A_542 = vector.shape_cast %get3A_541 : vector<1x16xi32> to vector<16xi32>
      %swap3A_543 = arith.constant 39 : i32
      %swap3A_544 = arith.index_cast %swap3A_543 : i32 to index
      %swap3A_545 = arith.constant 16 : index
      %swap3A_546 = tpu.vector_load %arg6[%swap3A_544, %swap3A_545] {strides = array<i32>} : memref<40x128xi32, #tpu.memory_space<vmem>>, vector<1x16xi32>,
      %swap3A_547 = vector.shape_cast %swap3A_546 : vector<1x16xi32> to vector<16xi32>
      %swap3A_548 = vector.shape_cast %get3A_542 : vector<16xi32> to vector<1x16xi32>
      tpu.vector_store %arg6[%swap3A_544, %swap3A_545], %swap3A_548 {strides = array<i32>} : memref<40x128xi32, #tpu.memory_space<vmem>>, vector<1x16xi32>,
      %get3A_549 = arith.constant 1 : i32
      %get3A_550 = arith.index_cast %get3A_549 : i32 to index
      %get3A_551 = arith.constant 32 : index
      %get3A_552 = tpu.vector_load %arg7[%get3A_550, %get3A_551] {strides = array<i32>} : memref<2x128xi32, #tpu.memory_space<vmem>>, vector<1x16xi32>,
      %get3A_553 = vector.shape_cast %get3A_552 : vector<1x16xi32> to vector<16xi32>
      %swap3A_554 = arith.constant 39 : i32
      %swap3A_555 = arith.index_cast %swap3A_554 : i32 to index
      %swap3A_556 = arith.constant 32 : index
      %swap3A_557 = tpu.vector_load %arg6[%swap3A_555, %swap3A_556] {strides = array<i32>} : memref<40x128xi32, #tpu.memory_space<vmem>>, vector<1x16xi32>,
      %swap3A_558 = vector.shape_cast %swap3A_557 : vector<1x16xi32> to vector<16xi32>
      %swap3A_559 = vector.shape_cast %get3A_553 : vector<16xi32> to vector<1x16xi32>
      tpu.vector_store %arg6[%swap3A_555, %swap3A_556], %swap3A_559 {strides = array<i32>} : memref<40x128xi32, #tpu.memory_space<vmem>>, vector<1x16xi32>,
      %get3A_560 = arith.constant 1 : i32
      %get3A_561 = arith.index_cast %get3A_560 : i32 to index
      %get3A_562 = arith.constant 48 : index
      %get3A_563 = tpu.vector_load %arg7[%get3A_561, %get3A_562] {strides = array<i32>} : memref<2x128xi32, #tpu.memory_space<vmem>>, vector<1x16xi32>,
      %get3A_564 = vector.shape_cast %get3A_563 : vector<1x16xi32> to vector<16xi32>
      %swap3A_565 = arith.constant 39 : i32
      %swap3A_566 = arith.index_cast %swap3A_565 : i32 to index
      %swap3A_567 = arith.constant 48 : index
      %swap3A_568 = tpu.vector_load %arg6[%swap3A_566, %swap3A_567] {strides = array<i32>} : memref<40x128xi32, #tpu.memory_space<vmem>>, vector<1x16xi32>,
      %swap3A_569 = vector.shape_cast %swap3A_568 : vector<1x16xi32> to vector<16xi32>
      %swap3A_570 = vector.shape_cast %get3A_564 : vector<16xi32> to vector<1x16xi32>
      tpu.vector_store %arg6[%swap3A_566, %swap3A_567], %swap3A_570 {strides = array<i32>} : memref<40x128xi32, #tpu.memory_space<vmem>>, vector<1x16xi32>,
      %get3A_571 = arith.constant 1 : i32
      %get3A_572 = arith.index_cast %get3A_571 : i32 to index
      %get3A_573 = arith.constant 64 : index
      %get3A_574 = tpu.vector_load %arg7[%get3A_572, %get3A_573] {strides = array<i32>} : memref<2x128xi32, #tpu.memory_space<vmem>>, vector<1x16xi32>,
      %get3A_575 = vector.shape_cast %get3A_574 : vector<1x16xi32> to vector<16xi32>
      %swap3A_576 = arith.constant 39 : i32
      %swap3A_577 = arith.index_cast %swap3A_576 : i32 to index
      %swap3A_578 = arith.constant 64 : index
      %swap3A_579 = tpu.vector_load %arg6[%swap3A_577, %swap3A_578] {strides = array<i32>} : memref<40x128xi32, #tpu.memory_space<vmem>>, vector<1x16xi32>,
      %swap3A_580 = vector.shape_cast %swap3A_579 : vector<1x16xi32> to vector<16xi32>
      %swap3A_581 = vector.shape_cast %get3A_575 : vector<16xi32> to vector<1x16xi32>
      tpu.vector_store %arg6[%swap3A_577, %swap3A_578], %swap3A_581 {strides = array<i32>} : memref<40x128xi32, #tpu.memory_space<vmem>>, vector<1x16xi32>,
      %get3A_582 = arith.constant 1 : i32
      %get3A_583 = arith.index_cast %get3A_582 : i32 to index
      %get3A_584 = arith.constant 80 : index
      %get3A_585 = tpu.vector_load %arg7[%get3A_583, %get3A_584] {strides = array<i32>} : memref<2x128xi32, #tpu.memory_space<vmem>>, vector<1x16xi32>,
      %get3A_586 = vector.shape_cast %get3A_585 : vector<1x16xi32> to vector<16xi32>
      %swap3A_587 = arith.constant 39 : i32
      %swap3A_588 = arith.index_cast %swap3A_587 : i32 to index
      %swap3A_589 = arith.constant 80 : index
      %swap3A_590 = tpu.vector_load %arg6[%swap3A_588, %swap3A_589] {strides = array<i32>} : memref<40x128xi32, #tpu.memory_space<vmem>>, vector<1x16xi32>,
      %swap3A_591 = vector.shape_cast %swap3A_590 : vector<1x16xi32> to vector<16xi32>
      %swap3A_592 = vector.shape_cast %get3A_586 : vector<16xi32> to vector<1x16xi32>
      tpu.vector_store %arg6[%swap3A_588, %swap3A_589], %swap3A_592 {strides = array<i32>} : memref<40x128xi32, #tpu.memory_space<vmem>>, vector<1x16xi32>,
      %get3A_593 = arith.constant 1 : i32
      %get3A_594 = arith.index_cast %get3A_593 : i32 to index
      %get3A_595 = arith.constant 96 : index
      %get3A_596 = tpu.vector_load %arg7[%get3A_594, %get3A_595] {strides = array<i32>} : memref<2x128xi32, #tpu.memory_space<vmem>>, vector<1x16xi32>,
      %get3A_597 = vector.shape_cast %get3A_596 : vector<1x16xi32> to vector<16xi32>
      %swap3A_598 = arith.constant 39 : i32
      %swap3A_599 = arith.index_cast %swap3A_598 : i32 to index
      %swap3A_600 = arith.constant 96 : index
      %swap3A_601 = tpu.vector_load %arg6[%swap3A_599, %swap3A_600] {strides = array<i32>} : memref<40x128xi32, #tpu.memory_space<vmem>>, vector<1x16xi32>,
      %swap3A_602 = vector.shape_cast %swap3A_601 : vector<1x16xi32> to vector<16xi32>
      %swap3A_603 = vector.shape_cast %get3A_597 : vector<16xi32> to vector<1x16xi32>
      tpu.vector_store %arg6[%swap3A_599, %swap3A_600], %swap3A_603 {strides = array<i32>} : memref<40x128xi32, #tpu.memory_space<vmem>>, vector<1x16xi32>,
      %get3A_604 = arith.constant 1 : i32
      %get3A_605 = arith.index_cast %get3A_604 : i32 to index
      %get3A_606 = arith.constant 112 : index
      %get3A_607 = tpu.vector_load %arg7[%get3A_605, %get3A_606] {strides = array<i32>} : memref<2x128xi32, #tpu.memory_space<vmem>>, vector<1x16xi32>,
      %get3A_608 = vector.shape_cast %get3A_607 : vector<1x16xi32> to vector<16xi32>
      %swap3A_609 = arith.constant 39 : i32
      %swap3A_610 = arith.index_cast %swap3A_609 : i32 to index
      %swap3A_611 = arith.constant 112 : index
      %swap3A_612 = tpu.vector_load %arg6[%swap3A_610, %swap3A_611] {strides = array<i32>} : memref<40x128xi32, #tpu.memory_space<vmem>>, vector<1x16xi32>,
      %swap3A_613 = vector.shape_cast %swap3A_612 : vector<1x16xi32> to vector<16xi32>
      %swap3A_614 = vector.shape_cast %get3A_608 : vector<16xi32> to vector<1x16xi32>
      tpu.vector_store %arg6[%swap3A_610, %swap3A_611], %swap3A_614 {strides = array<i32>} : memref<40x128xi32, #tpu.memory_space<vmem>>, vector<1x16xi32>,
      %run_scoped3A = arith.constant 39 : i32
      "tpu.region"() ({
        %run_scoped3A_615 = tpu.sem_alloc : memref<!tpu.dma_semaphore, #tpu.memory_space<semaphore_mem>>
        %dma_start3A_616 = arith.constant 0 : i32
        %dma_start3A_617 = tpu.memref_slice %arg6[%run_scoped3A, %dma_start3A_616] : memref<40x128xi32, #tpu.memory_space<vmem>> -> memref<1x128xi32, #tpu.memory_space<vmem>>
        %dma_start3A_618 = tpu.memref_squeeze %dma_start3A_617 : memref<1x128xi32, #tpu.memory_space<vmem>> -> memref<128xi32, #tpu.memory_space<vmem>>
        %dma_start3A_619 = arith.constant 0 : i32
        %dma_start3A_620 = tpu.memref_slice %arg4[%dma_start3A_619] : memref<10240xf32, #tpu.memory_space<vmem_shared>> -> memref<10240xf32, #tpu.memory_space<vmem_shared>>
        tpu.enqueue_indirect_dma source(%arg8 : memref<128xf32, #tpu.memory_space<vmem>>) target(%dma_start3A_620 : memref<10240xf32, #tpu.memory_space<vmem_shared>>) offsets(%dma_start3A_618 : memref<128xi32, #tpu.memory_space<vmem>>) semaphore(%run_scoped3A_615 : memref<!tpu.dma_semaphore, #tpu.memory_space<semaphore_mem>>) {add = true}
        %dma_wait3A_621 = arith.constant 0 : i32
        %dma_wait3A_622 = tpu.memref_slice %arg6[%run_scoped3A, %dma_wait3A_621] : memref<40x128xi32, #tpu.memory_space<vmem>> -> memref<1x128xi32, #tpu.memory_space<vmem>>
        %dma_wait3A_623 = tpu.memref_squeeze %dma_wait3A_622 : memref<1x128xi32, #tpu.memory_space<vmem>> -> memref<128xi32, #tpu.memory_space<vmem>>
        %dma_wait3A_624 = arith.constant 0 : i32
        %dma_wait3A_625 = tpu.memref_slice %arg4[%dma_wait3A_624] : memref<10240xf32, #tpu.memory_space<vmem_shared>> -> memref<10240xf32, #tpu.memory_space<vmem_shared>>
        tpu.wait_indirect_dma semaphore(%run_scoped3A_615 : memref<!tpu.dma_semaphore, #tpu.memory_space<semaphore_mem>>) src(%arg8 : memref<128xf32, #tpu.memory_space<vmem>>) dst(%dma_wait3A_625 : memref<10240xf32, #tpu.memory_space<vmem_shared>>)
        tpu.yield
      }) : () -> ()
    } else {
    }
    %dma_wait3A = arith.constant 0 : i32
    %dma_wait3A_287 = arith.constant 0 : i32
    %dma_wait3A_288 = tpu.memref_slice %arg6[%dma_wait3A, %dma_wait3A_287] : memref<40x128xi32, #tpu.memory_space<vmem>> -> memref<1x128xi32, #tpu.memory_space<vmem>>
    %dma_wait3A_289 = tpu.memref_squeeze %dma_wait3A_288 : memref<1x128xi32, #tpu.memory_space<vmem>> -> memref<128xi32, #tpu.memory_space<vmem>>
    %dma_wait3A_290 = arith.constant 0 : i32
    %dma_wait3A_291 = tpu.memref_slice %arg4[%dma_wait3A_290] : memref<10240xf32, #tpu.memory_space<vmem_shared>> -> memref<10240xf32, #tpu.memory_space<vmem_shared>>
    tpu.wait_indirect_dma semaphore(%arg10 : memref<!tpu.dma_semaphore, #tpu.memory_space<semaphore_mem>>) src(%arg8 : memref<128xf32, #tpu.memory_space<vmem>>) dst(%dma_wait3A_291 : memref<10240xf32, #tpu.memory_space<vmem_shared>>)
    %dma_wait3A_292 = arith.constant 1 : i32
    %dma_wait3A_293 = arith.constant 0 : i32
    %dma_wait3A_294 = tpu.memref_slice %arg6[%dma_wait3A_292, %dma_wait3A_293] : memref<40x128xi32, #tpu.memory_space<vmem>> -> memref<1x128xi32, #tpu.memory_space<vmem>>
    %dma_wait3A_295 = tpu.memref_squeeze %dma_wait3A_294 : memref<1x128xi32, #tpu.memory_space<vmem>> -> memref<128xi32, #tpu.memory_space<vmem>>
    %dma_wait3A_296 = arith.constant 0 : i32
    %dma_wait3A_297 = tpu.memref_slice %arg4[%dma_wait3A_296] : memref<10240xf32, #tpu.memory_space<vmem_shared>> -> memref<10240xf32, #tpu.memory_space<vmem_shared>>
    tpu.wait_indirect_dma semaphore(%arg10 : memref<!tpu.dma_semaphore, #tpu.memory_space<semaphore_mem>>) src(%arg8 : memref<128xf32, #tpu.memory_space<vmem>>) dst(%dma_wait3A_297 : memref<10240xf32, #tpu.memory_space<vmem_shared>>)
    %dma_wait3A_298 = arith.constant 2 : i32
    %dma_wait3A_299 = arith.constant 0 : i32
    %dma_wait3A_300 = tpu.memref_slice %arg6[%dma_wait3A_298, %dma_wait3A_299] : memref<40x128xi32, #tpu.memory_space<vmem>> -> memref<1x128xi32, #tpu.memory_space<vmem>>
    %dma_wait3A_301 = tpu.memref_squeeze %dma_wait3A_300 : memref<1x128xi32, #tpu.memory_space<vmem>> -> memref<128xi32, #tpu.memory_space<vmem>>
    %dma_wait3A_302 = arith.constant 0 : i32
    %dma_wait3A_303 = tpu.memref_slice %arg4[%dma_wait3A_302] : memref<10240xf32, #tpu.memory_space<vmem_shared>> -> memref<10240xf32, #tpu.memory_space<vmem_shared>>
    tpu.wait_indirect_dma semaphore(%arg10 : memref<!tpu.dma_semaphore, #tpu.memory_space<semaphore_mem>>) src(%arg8 : memref<128xf32, #tpu.memory_space<vmem>>) dst(%dma_wait3A_303 : memref<10240xf32, #tpu.memory_space<vmem_shared>>)
    %dma_wait3A_304 = arith.constant 3 : i32
    %dma_wait3A_305 = arith.constant 0 : i32
    %dma_wait3A_306 = tpu.memref_slice %arg6[%dma_wait3A_304, %dma_wait3A_305] : memref<40x128xi32, #tpu.memory_space<vmem>> -> memref<1x128xi32, #tpu.memory_space<vmem>>
    %dma_wait3A_307 = tpu.memref_squeeze %dma_wait3A_306 : memref<1x128xi32, #tpu.memory_space<vmem>> -> memref<128xi32, #tpu.memory_space<vmem>>
    %dma_wait3A_308 = arith.constant 0 : i32
    %dma_wait3A_309 = tpu.memref_slice %arg4[%dma_wait3A_308] : memref<10240xf32, #tpu.memory_space<vmem_shared>> -> memref<10240xf32, #tpu.memory_space<vmem_shared>>
    tpu.wait_indirect_dma semaphore(%arg10 : memref<!tpu.dma_semaphore, #tpu.memory_space<semaphore_mem>>) src(%arg8 : memref<128xf32, #tpu.memory_space<vmem>>) dst(%dma_wait3A_309 : memref<10240xf32, #tpu.memory_space<vmem_shared>>)
    %dma_wait3A_310 = arith.constant 4 : i32
    %dma_wait3A_311 = arith.constant 0 : i32
    %dma_wait3A_312 = tpu.memref_slice %arg6[%dma_wait3A_310, %dma_wait3A_311] : memref<40x128xi32, #tpu.memory_space<vmem>> -> memref<1x128xi32, #tpu.memory_space<vmem>>
    %dma_wait3A_313 = tpu.memref_squeeze %dma_wait3A_312 : memref<1x128xi32, #tpu.memory_space<vmem>> -> memref<128xi32, #tpu.memory_space<vmem>>
    %dma_wait3A_314 = arith.constant 0 : i32
    %dma_wait3A_315 = tpu.memref_slice %arg4[%dma_wait3A_314] : memref<10240xf32, #tpu.memory_space<vmem_shared>> -> memref<10240xf32, #tpu.memory_space<vmem_shared>>
    tpu.wait_indirect_dma semaphore(%arg10 : memref<!tpu.dma_semaphore, #tpu.memory_space<semaphore_mem>>) src(%arg8 : memref<128xf32, #tpu.memory_space<vmem>>) dst(%dma_wait3A_315 : memref<10240xf32, #tpu.memory_space<vmem_shared>>)
    %dma_wait3A_316 = arith.constant 5 : i32
    %dma_wait3A_317 = arith.constant 0 : i32
    %dma_wait3A_318 = tpu.memref_slice %arg6[%dma_wait3A_316, %dma_wait3A_317] : memref<40x128xi32, #tpu.memory_space<vmem>> -> memref<1x128xi32, #tpu.memory_space<vmem>>
    %dma_wait3A_319 = tpu.memref_squeeze %dma_wait3A_318 : memref<1x128xi32, #tpu.memory_space<vmem>> -> memref<128xi32, #tpu.memory_space<vmem>>
    %dma_wait3A_320 = arith.constant 0 : i32
    %dma_wait3A_321 = tpu.memref_slice %arg4[%dma_wait3A_320] : memref<10240xf32, #tpu.memory_space<vmem_shared>> -> memref<10240xf32, #tpu.memory_space<vmem_shared>>
    tpu.wait_indirect_dma semaphore(%arg10 : memref<!tpu.dma_semaphore, #tpu.memory_space<semaphore_mem>>) src(%arg8 : memref<128xf32, #tpu.memory_space<vmem>>) dst(%dma_wait3A_321 : memref<10240xf32, #tpu.memory_space<vmem_shared>>)
    %dma_wait3A_322 = arith.constant 6 : i32
    %dma_wait3A_323 = arith.constant 0 : i32
    %dma_wait3A_324 = tpu.memref_slice %arg6[%dma_wait3A_322, %dma_wait3A_323] : memref<40x128xi32, #tpu.memory_space<vmem>> -> memref<1x128xi32, #tpu.memory_space<vmem>>
    %dma_wait3A_325 = tpu.memref_squeeze %dma_wait3A_324 : memref<1x128xi32, #tpu.memory_space<vmem>> -> memref<128xi32, #tpu.memory_space<vmem>>
    %dma_wait3A_326 = arith.constant 0 : i32
    %dma_wait3A_327 = tpu.memref_slice %arg4[%dma_wait3A_326] : memref<10240xf32, #tpu.memory_space<vmem_shared>> -> memref<10240xf32, #tpu.memory_space<vmem_shared>>
    tpu.wait_indirect_dma semaphore(%arg10 : memref<!tpu.dma_semaphore, #tpu.memory_space<semaphore_mem>>) src(%arg8 : memref<128xf32, #tpu.memory_space<vmem>>) dst(%dma_wait3A_327 : memref<10240xf32, #tpu.memory_space<vmem_shared>>)
    %dma_wait3A_328 = arith.constant 7 : i32
    %dma_wait3A_329 = arith.constant 0 : i32
    %dma_wait3A_330 = tpu.memref_slice %arg6[%dma_wait3A_328, %dma_wait3A_329] : memref<40x128xi32, #tpu.memory_space<vmem>> -> memref<1x128xi32, #tpu.memory_space<vmem>>
    %dma_wait3A_331 = tpu.memref_squeeze %dma_wait3A_330 : memref<1x128xi32, #tpu.memory_space<vmem>> -> memref<128xi32, #tpu.memory_space<vmem>>
    %dma_wait3A_332 = arith.constant 0 : i32
    %dma_wait3A_333 = tpu.memref_slice %arg4[%dma_wait3A_332] : memref<10240xf32, #tpu.memory_space<vmem_shared>> -> memref<10240xf32, #tpu.memory_space<vmem_shared>>
    tpu.wait_indirect_dma semaphore(%arg10 : memref<!tpu.dma_semaphore, #tpu.memory_space<semaphore_mem>>) src(%arg8 : memref<128xf32, #tpu.memory_space<vmem>>) dst(%dma_wait3A_333 : memref<10240xf32, #tpu.memory_space<vmem_shared>>)
    %dma_wait3A_334 = arith.constant 8 : i32
    %dma_wait3A_335 = arith.constant 0 : i32
    %dma_wait3A_336 = tpu.memref_slice %arg6[%dma_wait3A_334, %dma_wait3A_335] : memref<40x128xi32, #tpu.memory_space<vmem>> -> memref<1x128xi32, #tpu.memory_space<vmem>>
    %dma_wait3A_337 = tpu.memref_squeeze %dma_wait3A_336 : memref<1x128xi32, #tpu.memory_space<vmem>> -> memref<128xi32, #tpu.memory_space<vmem>>
    %dma_wait3A_338 = arith.constant 0 : i32
    %dma_wait3A_339 = tpu.memref_slice %arg4[%dma_wait3A_338] : memref<10240xf32, #tpu.memory_space<vmem_shared>> -> memref<10240xf32, #tpu.memory_space<vmem_shared>>
    tpu.wait_indirect_dma semaphore(%arg10 : memref<!tpu.dma_semaphore, #tpu.memory_space<semaphore_mem>>) src(%arg8 : memref<128xf32, #tpu.memory_space<vmem>>) dst(%dma_wait3A_339 : memref<10240xf32, #tpu.memory_space<vmem_shared>>)
    %dma_wait3A_340 = arith.constant 9 : i32
    %dma_wait3A_341 = arith.constant 0 : i32
    %dma_wait3A_342 = tpu.memref_slice %arg6[%dma_wait3A_340, %dma_wait3A_341] : memref<40x128xi32, #tpu.memory_space<vmem>> -> memref<1x128xi32, #tpu.memory_space<vmem>>
    %dma_wait3A_343 = tpu.memref_squeeze %dma_wait3A_342 : memref<1x128xi32, #tpu.memory_space<vmem>> -> memref<128xi32, #tpu.memory_space<vmem>>
    %dma_wait3A_344 = arith.constant 0 : i32
    %dma_wait3A_345 = tpu.memref_slice %arg4[%dma_wait3A_344] : memref<10240xf32, #tpu.memory_space<vmem_shared>> -> memref<10240xf32, #tpu.memory_space<vmem_shared>>
    tpu.wait_indirect_dma semaphore(%arg10 : memref<!tpu.dma_semaphore, #tpu.memory_space<semaphore_mem>>) src(%arg8 : memref<128xf32, #tpu.memory_space<vmem>>) dst(%dma_wait3A_345 : memref<10240xf32, #tpu.memory_space<vmem_shared>>)
    %dma_wait3A_346 = arith.constant 10 : i32
    %dma_wait3A_347 = arith.constant 0 : i32
    %dma_wait3A_348 = tpu.memref_slice %arg6[%dma_wait3A_346, %dma_wait3A_347] : memref<40x128xi32, #tpu.memory_space<vmem>> -> memref<1x128xi32, #tpu.memory_space<vmem>>
    %dma_wait3A_349 = tpu.memref_squeeze %dma_wait3A_348 : memref<1x128xi32, #tpu.memory_space<vmem>> -> memref<128xi32, #tpu.memory_space<vmem>>
    %dma_wait3A_350 = arith.constant 0 : i32
    %dma_wait3A_351 = tpu.memref_slice %arg4[%dma_wait3A_350] : memref<10240xf32, #tpu.memory_space<vmem_shared>> -> memref<10240xf32, #tpu.memory_space<vmem_shared>>
    tpu.wait_indirect_dma semaphore(%arg10 : memref<!tpu.dma_semaphore, #tpu.memory_space<semaphore_mem>>) src(%arg8 : memref<128xf32, #tpu.memory_space<vmem>>) dst(%dma_wait3A_351 : memref<10240xf32, #tpu.memory_space<vmem_shared>>)
    %dma_wait3A_352 = arith.constant 11 : i32
    %dma_wait3A_353 = arith.constant 0 : i32
    %dma_wait3A_354 = tpu.memref_slice %arg6[%dma_wait3A_352, %dma_wait3A_353] : memref<40x128xi32, #tpu.memory_space<vmem>> -> memref<1x128xi32, #tpu.memory_space<vmem>>
    %dma_wait3A_355 = tpu.memref_squeeze %dma_wait3A_354 : memref<1x128xi32, #tpu.memory_space<vmem>> -> memref<128xi32, #tpu.memory_space<vmem>>
    %dma_wait3A_356 = arith.constant 0 : i32
    %dma_wait3A_357 = tpu.memref_slice %arg4[%dma_wait3A_356] : memref<10240xf32, #tpu.memory_space<vmem_shared>> -> memref<10240xf32, #tpu.memory_space<vmem_shared>>
    tpu.wait_indirect_dma semaphore(%arg10 : memref<!tpu.dma_semaphore, #tpu.memory_space<semaphore_mem>>) src(%arg8 : memref<128xf32, #tpu.memory_space<vmem>>) dst(%dma_wait3A_357 : memref<10240xf32, #tpu.memory_space<vmem_shared>>)
    %dma_wait3A_358 = arith.constant 12 : i32
    %dma_wait3A_359 = arith.constant 0 : i32
    %dma_wait3A_360 = tpu.memref_slice %arg6[%dma_wait3A_358, %dma_wait3A_359] : memref<40x128xi32, #tpu.memory_space<vmem>> -> memref<1x128xi32, #tpu.memory_space<vmem>>
    %dma_wait3A_361 = tpu.memref_squeeze %dma_wait3A_360 : memref<1x128xi32, #tpu.memory_space<vmem>> -> memref<128xi32, #tpu.memory_space<vmem>>
    %dma_wait3A_362 = arith.constant 0 : i32
    %dma_wait3A_363 = tpu.memref_slice %arg4[%dma_wait3A_362] : memref<10240xf32, #tpu.memory_space<vmem_shared>> -> memref<10240xf32, #tpu.memory_space<vmem_shared>>
    tpu.wait_indirect_dma semaphore(%arg10 : memref<!tpu.dma_semaphore, #tpu.memory_space<semaphore_mem>>) src(%arg8 : memref<128xf32, #tpu.memory_space<vmem>>) dst(%dma_wait3A_363 : memref<10240xf32, #tpu.memory_space<vmem_shared>>)
    %dma_wait3A_364 = arith.constant 13 : i32
    %dma_wait3A_365 = arith.constant 0 : i32
    %dma_wait3A_366 = tpu.memref_slice %arg6[%dma_wait3A_364, %dma_wait3A_365] : memref<40x128xi32, #tpu.memory_space<vmem>> -> memref<1x128xi32, #tpu.memory_space<vmem>>
    %dma_wait3A_367 = tpu.memref_squeeze %dma_wait3A_366 : memref<1x128xi32, #tpu.memory_space<vmem>> -> memref<128xi32, #tpu.memory_space<vmem>>
    %dma_wait3A_368 = arith.constant 0 : i32
    %dma_wait3A_369 = tpu.memref_slice %arg4[%dma_wait3A_368] : memref<10240xf32, #tpu.memory_space<vmem_shared>> -> memref<10240xf32, #tpu.memory_space<vmem_shared>>
    tpu.wait_indirect_dma semaphore(%arg10 : memref<!tpu.dma_semaphore, #tpu.memory_space<semaphore_mem>>) src(%arg8 : memref<128xf32, #tpu.memory_space<vmem>>) dst(%dma_wait3A_369 : memref<10240xf32, #tpu.memory_space<vmem_shared>>)
    %dma_wait3A_370 = arith.constant 14 : i32
    %dma_wait3A_371 = arith.constant 0 : i32
    %dma_wait3A_372 = tpu.memref_slice %arg6[%dma_wait3A_370, %dma_wait3A_371] : memref<40x128xi32, #tpu.memory_space<vmem>> -> memref<1x128xi32, #tpu.memory_space<vmem>>
    %dma_wait3A_373 = tpu.memref_squeeze %dma_wait3A_372 : memref<1x128xi32, #tpu.memory_space<vmem>> -> memref<128xi32, #tpu.memory_space<vmem>>
    %dma_wait3A_374 = arith.constant 0 : i32
    %dma_wait3A_375 = tpu.memref_slice %arg4[%dma_wait3A_374] : memref<10240xf32, #tpu.memory_space<vmem_shared>> -> memref<10240xf32, #tpu.memory_space<vmem_shared>>
    tpu.wait_indirect_dma semaphore(%arg10 : memref<!tpu.dma_semaphore, #tpu.memory_space<semaphore_mem>>) src(%arg8 : memref<128xf32, #tpu.memory_space<vmem>>) dst(%dma_wait3A_375 : memref<10240xf32, #tpu.memory_space<vmem_shared>>)
    %dma_wait3A_376 = arith.constant 15 : i32
    %dma_wait3A_377 = arith.constant 0 : i32
    %dma_wait3A_378 = tpu.memref_slice %arg6[%dma_wait3A_376, %dma_wait3A_377] : memref<40x128xi32, #tpu.memory_space<vmem>> -> memref<1x128xi32, #tpu.memory_space<vmem>>
    %dma_wait3A_379 = tpu.memref_squeeze %dma_wait3A_378 : memref<1x128xi32, #tpu.memory_space<vmem>> -> memref<128xi32, #tpu.memory_space<vmem>>
    %dma_wait3A_380 = arith.constant 0 : i32
    %dma_wait3A_381 = tpu.memref_slice %arg4[%dma_wait3A_380] : memref<10240xf32, #tpu.memory_space<vmem_shared>> -> memref<10240xf32, #tpu.memory_space<vmem_shared>>
    tpu.wait_indirect_dma semaphore(%arg10 : memref<!tpu.dma_semaphore, #tpu.memory_space<semaphore_mem>>) src(%arg8 : memref<128xf32, #tpu.memory_space<vmem>>) dst(%dma_wait3A_381 : memref<10240xf32, #tpu.memory_space<vmem_shared>>)
    %dma_wait3A_382 = arith.constant 16 : i32
    %dma_wait3A_383 = arith.constant 0 : i32
    %dma_wait3A_384 = tpu.memref_slice %arg6[%dma_wait3A_382, %dma_wait3A_383] : memref<40x128xi32, #tpu.memory_space<vmem>> -> memref<1x128xi32, #tpu.memory_space<vmem>>
    %dma_wait3A_385 = tpu.memref_squeeze %dma_wait3A_384 : memref<1x128xi32, #tpu.memory_space<vmem>> -> memref<128xi32, #tpu.memory_space<vmem>>
    %dma_wait3A_386 = arith.constant 0 : i32
    %dma_wait3A_387 = tpu.memref_slice %arg4[%dma_wait3A_386] : memref<10240xf32, #tpu.memory_space<vmem_shared>> -> memref<10240xf32, #tpu.memory_space<vmem_shared>>
    tpu.wait_indirect_dma semaphore(%arg10 : memref<!tpu.dma_semaphore, #tpu.memory_space<semaphore_mem>>) src(%arg8 : memref<128xf32, #tpu.memory_space<vmem>>) dst(%dma_wait3A_387 : memref<10240xf32, #tpu.memory_space<vmem_shared>>)
    %dma_wait3A_388 = arith.constant 17 : i32
    %dma_wait3A_389 = arith.constant 0 : i32
    %dma_wait3A_390 = tpu.memref_slice %arg6[%dma_wait3A_388, %dma_wait3A_389] : memref<40x128xi32, #tpu.memory_space<vmem>> -> memref<1x128xi32, #tpu.memory_space<vmem>>
    %dma_wait3A_391 = tpu.memref_squeeze %dma_wait3A_390 : memref<1x128xi32, #tpu.memory_space<vmem>> -> memref<128xi32, #tpu.memory_space<vmem>>
    %dma_wait3A_392 = arith.constant 0 : i32
    %dma_wait3A_393 = tpu.memref_slice %arg4[%dma_wait3A_392] : memref<10240xf32, #tpu.memory_space<vmem_shared>> -> memref<10240xf32, #tpu.memory_space<vmem_shared>>
    tpu.wait_indirect_dma semaphore(%arg10 : memref<!tpu.dma_semaphore, #tpu.memory_space<semaphore_mem>>) src(%arg8 : memref<128xf32, #tpu.memory_space<vmem>>) dst(%dma_wait3A_393 : memref<10240xf32, #tpu.memory_space<vmem_shared>>)
    %dma_wait3A_394 = arith.constant 18 : i32
    %dma_wait3A_395 = arith.constant 0 : i32
    %dma_wait3A_396 = tpu.memref_slice %arg6[%dma_wait3A_394, %dma_wait3A_395] : memref<40x128xi32, #tpu.memory_space<vmem>> -> memref<1x128xi32, #tpu.memory_space<vmem>>
    %dma_wait3A_397 = tpu.memref_squeeze %dma_wait3A_396 : memref<1x128xi32, #tpu.memory_space<vmem>> -> memref<128xi32, #tpu.memory_space<vmem>>
    %dma_wait3A_398 = arith.constant 0 : i32
    %dma_wait3A_399 = tpu.memref_slice %arg4[%dma_wait3A_398] : memref<10240xf32, #tpu.memory_space<vmem_shared>> -> memref<10240xf32, #tpu.memory_space<vmem_shared>>
    tpu.wait_indirect_dma semaphore(%arg10 : memref<!tpu.dma_semaphore, #tpu.memory_space<semaphore_mem>>) src(%arg8 : memref<128xf32, #tpu.memory_space<vmem>>) dst(%dma_wait3A_399 : memref<10240xf32, #tpu.memory_space<vmem_shared>>)
    %dma_wait3A_400 = arith.constant 19 : i32
    %dma_wait3A_401 = arith.constant 0 : i32
    %dma_wait3A_402 = tpu.memref_slice %arg6[%dma_wait3A_400, %dma_wait3A_401] : memref<40x128xi32, #tpu.memory_space<vmem>> -> memref<1x128xi32, #tpu.memory_space<vmem>>
    %dma_wait3A_403 = tpu.memref_squeeze %dma_wait3A_402 : memref<1x128xi32, #tpu.memory_space<vmem>> -> memref<128xi32, #tpu.memory_space<vmem>>
    %dma_wait3A_404 = arith.constant 0 : i32
    %dma_wait3A_405 = tpu.memref_slice %arg4[%dma_wait3A_404] : memref<10240xf32, #tpu.memory_space<vmem_shared>> -> memref<10240xf32, #tpu.memory_space<vmem_shared>>
    tpu.wait_indirect_dma semaphore(%arg10 : memref<!tpu.dma_semaphore, #tpu.memory_space<semaphore_mem>>) src(%arg8 : memref<128xf32, #tpu.memory_space<vmem>>) dst(%dma_wait3A_405 : memref<10240xf32, #tpu.memory_space<vmem_shared>>)
    %dma_wait3A_406 = arith.constant 20 : i32
    %dma_wait3A_407 = arith.constant 0 : i32
    %dma_wait3A_408 = tpu.memref_slice %arg6[%dma_wait3A_406, %dma_wait3A_407] : memref<40x128xi32, #tpu.memory_space<vmem>> -> memref<1x128xi32, #tpu.memory_space<vmem>>
    %dma_wait3A_409 = tpu.memref_squeeze %dma_wait3A_408 : memref<1x128xi32, #tpu.memory_space<vmem>> -> memref<128xi32, #tpu.memory_space<vmem>>
    %dma_wait3A_410 = arith.constant 0 : i32
    %dma_wait3A_411 = tpu.memref_slice %arg4[%dma_wait3A_410] : memref<10240xf32, #tpu.memory_space<vmem_shared>> -> memref<10240xf32, #tpu.memory_space<vmem_shared>>
    tpu.wait_indirect_dma semaphore(%arg10 : memref<!tpu.dma_semaphore, #tpu.memory_space<semaphore_mem>>) src(%arg8 : memref<128xf32, #tpu.memory_space<vmem>>) dst(%dma_wait3A_411 : memref<10240xf32, #tpu.memory_space<vmem_shared>>)
    %dma_wait3A_412 = arith.constant 21 : i32
    %dma_wait3A_413 = arith.constant 0 : i32
    %dma_wait3A_414 = tpu.memref_slice %arg6[%dma_wait3A_412, %dma_wait3A_413] : memref<40x128xi32, #tpu.memory_space<vmem>> -> memref<1x128xi32, #tpu.memory_space<vmem>>
    %dma_wait3A_415 = tpu.memref_squeeze %dma_wait3A_414 : memref<1x128xi32, #tpu.memory_space<vmem>> -> memref<128xi32, #tpu.memory_space<vmem>>
    %dma_wait3A_416 = arith.constant 0 : i32
    %dma_wait3A_417 = tpu.memref_slice %arg4[%dma_wait3A_416] : memref<10240xf32, #tpu.memory_space<vmem_shared>> -> memref<10240xf32, #tpu.memory_space<vmem_shared>>
    tpu.wait_indirect_dma semaphore(%arg10 : memref<!tpu.dma_semaphore, #tpu.memory_space<semaphore_mem>>) src(%arg8 : memref<128xf32, #tpu.memory_space<vmem>>) dst(%dma_wait3A_417 : memref<10240xf32, #tpu.memory_space<vmem_shared>>)
    %dma_wait3A_418 = arith.constant 22 : i32
    %dma_wait3A_419 = arith.constant 0 : i32
    %dma_wait3A_420 = tpu.memref_slice %arg6[%dma_wait3A_418, %dma_wait3A_419] : memref<40x128xi32, #tpu.memory_space<vmem>> -> memref<1x128xi32, #tpu.memory_space<vmem>>
    %dma_wait3A_421 = tpu.memref_squeeze %dma_wait3A_420 : memref<1x128xi32, #tpu.memory_space<vmem>> -> memref<128xi32, #tpu.memory_space<vmem>>
    %dma_wait3A_422 = arith.constant 0 : i32
    %dma_wait3A_423 = tpu.memref_slice %arg4[%dma_wait3A_422] : memref<10240xf32, #tpu.memory_space<vmem_shared>> -> memref<10240xf32, #tpu.memory_space<vmem_shared>>
    tpu.wait_indirect_dma semaphore(%arg10 : memref<!tpu.dma_semaphore, #tpu.memory_space<semaphore_mem>>) src(%arg8 : memref<128xf32, #tpu.memory_space<vmem>>) dst(%dma_wait3A_423 : memref<10240xf32, #tpu.memory_space<vmem_shared>>)
    %dma_wait3A_424 = arith.constant 23 : i32
    %dma_wait3A_425 = arith.constant 0 : i32
    %dma_wait3A_426 = tpu.memref_slice %arg6[%dma_wait3A_424, %dma_wait3A_425] : memref<40x128xi32, #tpu.memory_space<vmem>> -> memref<1x128xi32, #tpu.memory_space<vmem>>
    %dma_wait3A_427 = tpu.memref_squeeze %dma_wait3A_426 : memref<1x128xi32, #tpu.memory_space<vmem>> -> memref<128xi32, #tpu.memory_space<vmem>>
    %dma_wait3A_428 = arith.constant 0 : i32
    %dma_wait3A_429 = tpu.memref_slice %arg4[%dma_wait3A_428] : memref<10240xf32, #tpu.memory_space<vmem_shared>> -> memref<10240xf32, #tpu.memory_space<vmem_shared>>
    tpu.wait_indirect_dma semaphore(%arg10 : memref<!tpu.dma_semaphore, #tpu.memory_space<semaphore_mem>>) src(%arg8 : memref<128xf32, #tpu.memory_space<vmem>>) dst(%dma_wait3A_429 : memref<10240xf32, #tpu.memory_space<vmem_shared>>)
    %dma_wait3A_430 = arith.constant 24 : i32
    %dma_wait3A_431 = arith.constant 0 : i32
    %dma_wait3A_432 = tpu.memref_slice %arg6[%dma_wait3A_430, %dma_wait3A_431] : memref<40x128xi32, #tpu.memory_space<vmem>> -> memref<1x128xi32, #tpu.memory_space<vmem>>
    %dma_wait3A_433 = tpu.memref_squeeze %dma_wait3A_432 : memref<1x128xi32, #tpu.memory_space<vmem>> -> memref<128xi32, #tpu.memory_space<vmem>>
    %dma_wait3A_434 = arith.constant 0 : i32
    %dma_wait3A_435 = tpu.memref_slice %arg4[%dma_wait3A_434] : memref<10240xf32, #tpu.memory_space<vmem_shared>> -> memref<10240xf32, #tpu.memory_space<vmem_shared>>
    tpu.wait_indirect_dma semaphore(%arg10 : memref<!tpu.dma_semaphore, #tpu.memory_space<semaphore_mem>>) src(%arg8 : memref<128xf32, #tpu.memory_space<vmem>>) dst(%dma_wait3A_435 : memref<10240xf32, #tpu.memory_space<vmem_shared>>)
    %dma_wait3A_436 = arith.constant 25 : i32
    %dma_wait3A_437 = arith.constant 0 : i32
    %dma_wait3A_438 = tpu.memref_slice %arg6[%dma_wait3A_436, %dma_wait3A_437] : memref<40x128xi32, #tpu.memory_space<vmem>> -> memref<1x128xi32, #tpu.memory_space<vmem>>
    %dma_wait3A_439 = tpu.memref_squeeze %dma_wait3A_438 : memref<1x128xi32, #tpu.memory_space<vmem>> -> memref<128xi32, #tpu.memory_space<vmem>>
    %dma_wait3A_440 = arith.constant 0 : i32
    %dma_wait3A_441 = tpu.memref_slice %arg4[%dma_wait3A_440] : memref<10240xf32, #tpu.memory_space<vmem_shared>> -> memref<10240xf32, #tpu.memory_space<vmem_shared>>
    tpu.wait_indirect_dma semaphore(%arg10 : memref<!tpu.dma_semaphore, #tpu.memory_space<semaphore_mem>>) src(%arg8 : memref<128xf32, #tpu.memory_space<vmem>>) dst(%dma_wait3A_441 : memref<10240xf32, #tpu.memory_space<vmem_shared>>)
    %dma_wait3A_442 = arith.constant 26 : i32
    %dma_wait3A_443 = arith.constant 0 : i32
    %dma_wait3A_444 = tpu.memref_slice %arg6[%dma_wait3A_442, %dma_wait3A_443] : memref<40x128xi32, #tpu.memory_space<vmem>> -> memref<1x128xi32, #tpu.memory_space<vmem>>
    %dma_wait3A_445 = tpu.memref_squeeze %dma_wait3A_444 : memref<1x128xi32, #tpu.memory_space<vmem>> -> memref<128xi32, #tpu.memory_space<vmem>>
    %dma_wait3A_446 = arith.constant 0 : i32
    %dma_wait3A_447 = tpu.memref_slice %arg4[%dma_wait3A_446] : memref<10240xf32, #tpu.memory_space<vmem_shared>> -> memref<10240xf32, #tpu.memory_space<vmem_shared>>
    tpu.wait_indirect_dma semaphore(%arg10 : memref<!tpu.dma_semaphore, #tpu.memory_space<semaphore_mem>>) src(%arg8 : memref<128xf32, #tpu.memory_space<vmem>>) dst(%dma_wait3A_447 : memref<10240xf32, #tpu.memory_space<vmem_shared>>)
    %dma_wait3A_448 = arith.constant 27 : i32
    %dma_wait3A_449 = arith.constant 0 : i32
    %dma_wait3A_450 = tpu.memref_slice %arg6[%dma_wait3A_448, %dma_wait3A_449] : memref<40x128xi32, #tpu.memory_space<vmem>> -> memref<1x128xi32, #tpu.memory_space<vmem>>
    %dma_wait3A_451 = tpu.memref_squeeze %dma_wait3A_450 : memref<1x128xi32, #tpu.memory_space<vmem>> -> memref<128xi32, #tpu.memory_space<vmem>>
    %dma_wait3A_452 = arith.constant 0 : i32
    %dma_wait3A_453 = tpu.memref_slice %arg4[%dma_wait3A_452] : memref<10240xf32, #tpu.memory_space<vmem_shared>> -> memref<10240xf32, #tpu.memory_space<vmem_shared>>
    tpu.wait_indirect_dma semaphore(%arg10 : memref<!tpu.dma_semaphore, #tpu.memory_space<semaphore_mem>>) src(%arg8 : memref<128xf32, #tpu.memory_space<vmem>>) dst(%dma_wait3A_453 : memref<10240xf32, #tpu.memory_space<vmem_shared>>)
    %dma_wait3A_454 = arith.constant 28 : i32
    %dma_wait3A_455 = arith.constant 0 : i32
    %dma_wait3A_456 = tpu.memref_slice %arg6[%dma_wait3A_454, %dma_wait3A_455] : memref<40x128xi32, #tpu.memory_space<vmem>> -> memref<1x128xi32, #tpu.memory_space<vmem>>
    %dma_wait3A_457 = tpu.memref_squeeze %dma_wait3A_456 : memref<1x128xi32, #tpu.memory_space<vmem>> -> memref<128xi32, #tpu.memory_space<vmem>>
    %dma_wait3A_458 = arith.constant 0 : i32
    %dma_wait3A_459 = tpu.memref_slice %arg4[%dma_wait3A_458] : memref<10240xf32, #tpu.memory_space<vmem_shared>> -> memref<10240xf32, #tpu.memory_space<vmem_shared>>
    tpu.wait_indirect_dma semaphore(%arg10 : memref<!tpu.dma_semaphore, #tpu.memory_space<semaphore_mem>>) src(%arg8 : memref<128xf32, #tpu.memory_space<vmem>>) dst(%dma_wait3A_459 : memref<10240xf32, #tpu.memory_space<vmem_shared>>)
    %dma_wait3A_460 = arith.constant 29 : i32
    %dma_wait3A_461 = arith.constant 0 : i32
    %dma_wait3A_462 = tpu.memref_slice %arg6[%dma_wait3A_460, %dma_wait3A_461] : memref<40x128xi32, #tpu.memory_space<vmem>> -> memref<1x128xi32, #tpu.memory_space<vmem>>
    %dma_wait3A_463 = tpu.memref_squeeze %dma_wait3A_462 : memref<1x128xi32, #tpu.memory_space<vmem>> -> memref<128xi32, #tpu.memory_space<vmem>>
    %dma_wait3A_464 = arith.constant 0 : i32
    %dma_wait3A_465 = tpu.memref_slice %arg4[%dma_wait3A_464] : memref<10240xf32, #tpu.memory_space<vmem_shared>> -> memref<10240xf32, #tpu.memory_space<vmem_shared>>
    tpu.wait_indirect_dma semaphore(%arg10 : memref<!tpu.dma_semaphore, #tpu.memory_space<semaphore_mem>>) src(%arg8 : memref<128xf32, #tpu.memory_space<vmem>>) dst(%dma_wait3A_465 : memref<10240xf32, #tpu.memory_space<vmem_shared>>)
    %dma_wait3A_466 = arith.constant 30 : i32
    %dma_wait3A_467 = arith.constant 0 : i32
    %dma_wait3A_468 = tpu.memref_slice %arg6[%dma_wait3A_466, %dma_wait3A_467] : memref<40x128xi32, #tpu.memory_space<vmem>> -> memref<1x128xi32, #tpu.memory_space<vmem>>
    %dma_wait3A_469 = tpu.memref_squeeze %dma_wait3A_468 : memref<1x128xi32, #tpu.memory_space<vmem>> -> memref<128xi32, #tpu.memory_space<vmem>>
    %dma_wait3A_470 = arith.constant 0 : i32
    %dma_wait3A_471 = tpu.memref_slice %arg4[%dma_wait3A_470] : memref<10240xf32, #tpu.memory_space<vmem_shared>> -> memref<10240xf32, #tpu.memory_space<vmem_shared>>
    tpu.wait_indirect_dma semaphore(%arg10 : memref<!tpu.dma_semaphore, #tpu.memory_space<semaphore_mem>>) src(%arg8 : memref<128xf32, #tpu.memory_space<vmem>>) dst(%dma_wait3A_471 : memref<10240xf32, #tpu.memory_space<vmem_shared>>)
    %dma_wait3A_472 = arith.constant 31 : i32
    %dma_wait3A_473 = arith.constant 0 : i32
    %dma_wait3A_474 = tpu.memref_slice %arg6[%dma_wait3A_472, %dma_wait3A_473] : memref<40x128xi32, #tpu.memory_space<vmem>> -> memref<1x128xi32, #tpu.memory_space<vmem>>
    %dma_wait3A_475 = tpu.memref_squeeze %dma_wait3A_474 : memref<1x128xi32, #tpu.memory_space<vmem>> -> memref<128xi32, #tpu.memory_space<vmem>>
    %dma_wait3A_476 = arith.constant 0 : i32
    %dma_wait3A_477 = tpu.memref_slice %arg4[%dma_wait3A_476] : memref<10240xf32, #tpu.memory_space<vmem_shared>> -> memref<10240xf32, #tpu.memory_space<vmem_shared>>
    tpu.wait_indirect_dma semaphore(%arg10 : memref<!tpu.dma_semaphore, #tpu.memory_space<semaphore_mem>>) src(%arg8 : memref<128xf32, #tpu.memory_space<vmem>>) dst(%dma_wait3A_477 : memref<10240xf32, #tpu.memory_space<vmem_shared>>)
    %dma_wait3A_478 = arith.constant 32 : i32
    %dma_wait3A_479 = arith.constant 0 : i32
    %dma_wait3A_480 = tpu.memref_slice %arg6[%dma_wait3A_478, %dma_wait3A_479] : memref<40x128xi32, #tpu.memory_space<vmem>> -> memref<1x128xi32, #tpu.memory_space<vmem>>
    %dma_wait3A_481 = tpu.memref_squeeze %dma_wait3A_480 : memref<1x128xi32, #tpu.memory_space<vmem>> -> memref<128xi32, #tpu.memory_space<vmem>>
    %dma_wait3A_482 = arith.constant 0 : i32
    %dma_wait3A_483 = tpu.memref_slice %arg4[%dma_wait3A_482] : memref<10240xf32, #tpu.memory_space<vmem_shared>> -> memref<10240xf32, #tpu.memory_space<vmem_shared>>
    tpu.wait_indirect_dma semaphore(%arg10 : memref<!tpu.dma_semaphore, #tpu.memory_space<semaphore_mem>>) src(%arg8 : memref<128xf32, #tpu.memory_space<vmem>>) dst(%dma_wait3A_483 : memref<10240xf32, #tpu.memory_space<vmem_shared>>)
    %dma_wait3A_484 = arith.constant 33 : i32
    %dma_wait3A_485 = arith.constant 0 : i32
    %dma_wait3A_486 = tpu.memref_slice %arg6[%dma_wait3A_484, %dma_wait3A_485] : memref<40x128xi32, #tpu.memory_space<vmem>> -> memref<1x128xi32, #tpu.memory_space<vmem>>
    %dma_wait3A_487 = tpu.memref_squeeze %dma_wait3A_486 : memref<1x128xi32, #tpu.memory_space<vmem>> -> memref<128xi32, #tpu.memory_space<vmem>>
    %dma_wait3A_488 = arith.constant 0 : i32
    %dma_wait3A_489 = tpu.memref_slice %arg4[%dma_wait3A_488] : memref<10240xf32, #tpu.memory_space<vmem_shared>> -> memref<10240xf32, #tpu.memory_space<vmem_shared>>
    tpu.wait_indirect_dma semaphore(%arg10 : memref<!tpu.dma_semaphore, #tpu.memory_space<semaphore_mem>>) src(%arg8 : memref<128xf32, #tpu.memory_space<vmem>>) dst(%dma_wait3A_489 : memref<10240xf32, #tpu.memory_space<vmem_shared>>)
    %dma_wait3A_490 = arith.constant 34 : i32
    %dma_wait3A_491 = arith.constant 0 : i32
    %dma_wait3A_492 = tpu.memref_slice %arg6[%dma_wait3A_490, %dma_wait3A_491] : memref<40x128xi32, #tpu.memory_space<vmem>> -> memref<1x128xi32, #tpu.memory_space<vmem>>
    %dma_wait3A_493 = tpu.memref_squeeze %dma_wait3A_492 : memref<1x128xi32, #tpu.memory_space<vmem>> -> memref<128xi32, #tpu.memory_space<vmem>>
    %dma_wait3A_494 = arith.constant 0 : i32
    %dma_wait3A_495 = tpu.memref_slice %arg4[%dma_wait3A_494] : memref<10240xf32, #tpu.memory_space<vmem_shared>> -> memref<10240xf32, #tpu.memory_space<vmem_shared>>
    tpu.wait_indirect_dma semaphore(%arg10 : memref<!tpu.dma_semaphore, #tpu.memory_space<semaphore_mem>>) src(%arg8 : memref<128xf32, #tpu.memory_space<vmem>>) dst(%dma_wait3A_495 : memref<10240xf32, #tpu.memory_space<vmem_shared>>)
    %dma_wait3A_496 = arith.constant 35 : i32
    %dma_wait3A_497 = arith.constant 0 : i32
    %dma_wait3A_498 = tpu.memref_slice %arg6[%dma_wait3A_496, %dma_wait3A_497] : memref<40x128xi32, #tpu.memory_space<vmem>> -> memref<1x128xi32, #tpu.memory_space<vmem>>
    %dma_wait3A_499 = tpu.memref_squeeze %dma_wait3A_498 : memref<1x128xi32, #tpu.memory_space<vmem>> -> memref<128xi32, #tpu.memory_space<vmem>>
    %dma_wait3A_500 = arith.constant 0 : i32
    %dma_wait3A_501 = tpu.memref_slice %arg4[%dma_wait3A_500] : memref<10240xf32, #tpu.memory_space<vmem_shared>> -> memref<10240xf32, #tpu.memory_space<vmem_shared>>
    tpu.wait_indirect_dma semaphore(%arg10 : memref<!tpu.dma_semaphore, #tpu.memory_space<semaphore_mem>>) src(%arg8 : memref<128xf32, #tpu.memory_space<vmem>>) dst(%dma_wait3A_501 : memref<10240xf32, #tpu.memory_space<vmem_shared>>)
    %dma_wait3A_502 = arith.constant 36 : i32
    %dma_wait3A_503 = arith.constant 0 : i32
    %dma_wait3A_504 = tpu.memref_slice %arg6[%dma_wait3A_502, %dma_wait3A_503] : memref<40x128xi32, #tpu.memory_space<vmem>> -> memref<1x128xi32, #tpu.memory_space<vmem>>
    %dma_wait3A_505 = tpu.memref_squeeze %dma_wait3A_504 : memref<1x128xi32, #tpu.memory_space<vmem>> -> memref<128xi32, #tpu.memory_space<vmem>>
    %dma_wait3A_506 = arith.constant 0 : i32
    %dma_wait3A_507 = tpu.memref_slice %arg4[%dma_wait3A_506] : memref<10240xf32, #tpu.memory_space<vmem_shared>> -> memref<10240xf32, #tpu.memory_space<vmem_shared>>
    tpu.wait_indirect_dma semaphore(%arg10 : memref<!tpu.dma_semaphore, #tpu.memory_space<semaphore_mem>>) src(%arg8 : memref<128xf32, #tpu.memory_space<vmem>>) dst(%dma_wait3A_507 : memref<10240xf32, #tpu.memory_space<vmem_shared>>)
    %dma_wait3A_508 = arith.constant 37 : i32
    %dma_wait3A_509 = arith.constant 0 : i32
    %dma_wait3A_510 = tpu.memref_slice %arg6[%dma_wait3A_508, %dma_wait3A_509] : memref<40x128xi32, #tpu.memory_space<vmem>> -> memref<1x128xi32, #tpu.memory_space<vmem>>
    %dma_wait3A_511 = tpu.memref_squeeze %dma_wait3A_510 : memref<1x128xi32, #tpu.memory_space<vmem>> -> memref<128xi32, #tpu.memory_space<vmem>>
    %dma_wait3A_512 = arith.constant 0 : i32
    %dma_wait3A_513 = tpu.memref_slice %arg4[%dma_wait3A_512] : memref<10240xf32, #tpu.memory_space<vmem_shared>> -> memref<10240xf32, #tpu.memory_space<vmem_shared>>
    tpu.wait_indirect_dma semaphore(%arg10 : memref<!tpu.dma_semaphore, #tpu.memory_space<semaphore_mem>>) src(%arg8 : memref<128xf32, #tpu.memory_space<vmem>>) dst(%dma_wait3A_513 : memref<10240xf32, #tpu.memory_space<vmem_shared>>)
    %dma_wait3A_514 = arith.constant 38 : i32
    %dma_wait3A_515 = arith.constant 0 : i32
    %dma_wait3A_516 = tpu.memref_slice %arg6[%dma_wait3A_514, %dma_wait3A_515] : memref<40x128xi32, #tpu.memory_space<vmem>> -> memref<1x128xi32, #tpu.memory_space<vmem>>
    %dma_wait3A_517 = tpu.memref_squeeze %dma_wait3A_516 : memref<1x128xi32, #tpu.memory_space<vmem>> -> memref<128xi32, #tpu.memory_space<vmem>>
    %dma_wait3A_518 = arith.constant 0 : i32
    %dma_wait3A_519 = tpu.memref_slice %arg4[%dma_wait3A_518] : memref<10240xf32, #tpu.memory_space<vmem_shared>> -> memref<10240xf32, #tpu.memory_space<vmem_shared>>
    tpu.wait_indirect_dma semaphore(%arg10 : memref<!tpu.dma_semaphore, #tpu.memory_space<semaphore_mem>>) src(%arg8 : memref<128xf32, #tpu.memory_space<vmem>>) dst(%dma_wait3A_519 : memref<10240xf32, #tpu.memory_space<vmem_shared>>)
    %barrier3A_520 = arith.constant 0 : index
    tpu.barrier barrier_id(%barrier3A_520)
    %mul3A_521 = arith.constant 10240 : i32
    %mul3A_522 = arith.muli %arg0, %mul3A_521 : i32
    %add3A_523 = arith.addi %mul3A_522, %mul3A_2 : i32
    "tpu.region"() ({
      %run_scoped3A = tpu.sem_alloc : memref<!tpu.dma_semaphore, #tpu.memory_space<semaphore_mem>>
      %dma_start3A_524 = tpu.memref_slice %arg3[%add3A_523] : memref<20480xf32, #tpu.memory_space<hbm>> -> memref<640xf32, #tpu.memory_space<hbm>>
      %dma_start3A_525 = tpu.memref_slice %arg4[%mul3A_2] : memref<10240xf32, #tpu.memory_space<vmem_shared>> -> memref<640xf32, #tpu.memory_space<vmem_shared>>
      tpu.enqueue_dma source(%dma_start3A_525 : memref<640xf32, #tpu.memory_space<vmem_shared>>) target(%dma_start3A_524 : memref<640xf32, #tpu.memory_space<hbm>>) target_semaphore(%run_scoped3A : memref<!tpu.dma_semaphore, #tpu.memory_space<semaphore_mem>>)
      %dma_wait3A_526 = tpu.memref_slice %arg3[%add3A_523] : memref<20480xf32, #tpu.memory_space<hbm>> -> memref<640xf32, #tpu.memory_space<hbm>>
      %dma_wait3A_527 = tpu.memref_slice %arg4[%mul3A_2] : memref<10240xf32, #tpu.memory_space<vmem_shared>> -> memref<640xf32, #tpu.memory_space<vmem_shared>>
      tpu.wait_dma2 semaphore(%run_scoped3A : memref<!tpu.dma_semaphore, #tpu.memory_space<semaphore_mem>>) src(%dma_wait3A_527 : memref<640xf32, #tpu.memory_space<vmem_shared>>) dst(%dma_wait3A_526 : memref<640xf32, #tpu.memory_space<hbm>>)
      tpu.yield
    }) : () -> ()
    return
  }
}

#map = affine_map<(d0, d1) -> (0, 0, 0)>
#map1 = affine_map<(d0, d1) -> (0, 0)>
module attributes {stable_mosaic.version = 14 : i64} {
  func.func @_agg_body(%arg0: i32, %arg1: i32, %arg2: memref<2x10240x128xf32, #tpu.memory_space<hbm>>, %arg3: memref<2x160000xi32, #tpu.memory_space<hbm>>, %arg4: memref<2x10240x128xf32, #tpu.memory_space<hbm>>, %arg5: memref<10240x128xf32, #tpu.memory_space<vmem_shared>>, %arg6: memref<2x2x256xi32, #tpu.memory_space<vmem>>, %arg7: memref<4x128xi32, #tpu.memory_space<vmem>>, %arg8: memref<2x128xi32, #tpu.memory_space<vmem>>, %arg9: memref<2x128x128xf32, #tpu.memory_space<vmem>>, %arg10: memref<!tpu.dma_semaphore, #tpu.memory_space<semaphore_mem>>, %arg11: memref<!tpu.dma_semaphore, #tpu.memory_space<semaphore_mem>>, %arg12: memref<!tpu.dma_semaphore, #tpu.memory_space<semaphore_mem>>) attributes {dimension_semantics = [#tpu.dimension_semantics<core_parallel>, #tpu.dimension_semantics<subcore_parallel>], iteration_bounds = array<i64: 2, 16>, scalar_prefetch = 0 : i64, scratch_operands = 8 : i64, tpu.core_type = #tpu.core_type<sc_vector_subcore>, window_params = [{transform_indices = #map}, {transform_indices = #map1}, {transform_indices = #map}]} {
    %mul3A = arith.constant 640 : i32
    %mul3A_0 = arith.muli %arg1, %mul3A : i32
    %mul3A_1 = arith.constant 78 : i32
    %mul3A_2 = arith.muli %arg1, %mul3A_1 : i32
    %dma_start3A = arith.constant 0 : i32
    %dma_start3A_3 = tpu.memref_slice %arg5[%mul3A_0, %dma_start3A] : memref<10240x128xf32, #tpu.memory_space<vmem_shared>> -> memref<640x128xf32, #tpu.memory_space<vmem_shared>>
    %dma_start3A_4 = arith.constant 0 : i32
    %dma_start3A_5 = tpu.memref_slice %arg2[%arg0, %mul3A_0, %dma_start3A_4] : memref<2x10240x128xf32, #tpu.memory_space<hbm>> -> memref<1x640x128xf32, #tpu.memory_space<hbm>>
    %dma_start3A_6 = tpu.memref_squeeze %dma_start3A_5 : memref<1x640x128xf32, #tpu.memory_space<hbm>> -> memref<640x128xf32, #tpu.memory_space<hbm>>
    tpu.enqueue_dma source(%dma_start3A_6 : memref<640x128xf32, #tpu.memory_space<hbm>>) target(%dma_start3A_3 : memref<640x128xf32, #tpu.memory_space<vmem_shared>>) target_semaphore(%arg12 : memref<!tpu.dma_semaphore, #tpu.memory_space<semaphore_mem>>)
    %mul3A_7 = arith.constant 128 : i32
    %mul3A_8 = arith.muli %mul3A_2, %mul3A_7 : i32
    %run_scoped3A = arith.constant 0 : i32
    "tpu.region"() ({
      %run_scoped3A_244 = tpu.sem_alloc : memref<!tpu.dma_semaphore, #tpu.memory_space<semaphore_mem>>
      %dma_start3A_245 = arith.constant 0 : i32
      %dma_start3A_246 = arith.constant 0 : i32
      %dma_start3A_247 = tpu.memref_slice %arg6[%run_scoped3A, %dma_start3A_245, %dma_start3A_246] : memref<2x2x256xi32, #tpu.memory_space<vmem>> -> memref<1x2x256xi32, #tpu.memory_space<vmem>>
      %dma_start3A_248 = tpu.memref_squeeze %dma_start3A_247 : memref<1x2x256xi32, #tpu.memory_space<vmem>> -> memref<2x256xi32, #tpu.memory_space<vmem>>
      %dma_start3A_249 = arith.constant 0 : i32
      %dma_start3A_250 = tpu.memref_slice %arg3[%dma_start3A_249, %mul3A_8] : memref<2x160000xi32, #tpu.memory_space<hbm>> -> memref<2x256xi32, #tpu.memory_space<hbm>>
      %dma_start3A_251 = arith.constant 0 : i32
      %dma_start3A_252 = arith.constant 0 : i32
      %dma_start3A_253 = tpu.memref_slice %arg6[%run_scoped3A, %dma_start3A_251, %dma_start3A_252] : memref<2x2x256xi32, #tpu.memory_space<vmem>> -> memref<1x2x256xi32, #tpu.memory_space<vmem>>
      %dma_start3A_254 = tpu.memref_squeeze %dma_start3A_253 : memref<1x2x256xi32, #tpu.memory_space<vmem>> -> memref<2x256xi32, #tpu.memory_space<vmem>>
      %dma_start3A_255 = arith.constant 0 : i32
      %dma_start3A_256 = tpu.memref_slice %arg3[%dma_start3A_255, %mul3A_8] : memref<2x160000xi32, #tpu.memory_space<hbm>> -> memref<2x256xi32, #tpu.memory_space<hbm>>
      tpu.enqueue_dma source(%dma_start3A_256 : memref<2x256xi32, #tpu.memory_space<hbm>>) target(%dma_start3A_254 : memref<2x256xi32, #tpu.memory_space<vmem>>) target_semaphore(%run_scoped3A_244 : memref<!tpu.dma_semaphore, #tpu.memory_space<semaphore_mem>>)
      %dma_wait3A_257 = arith.constant 0 : i32
      %dma_wait3A_258 = arith.constant 0 : i32
      %dma_wait3A_259 = tpu.memref_slice %arg6[%run_scoped3A, %dma_wait3A_257, %dma_wait3A_258] : memref<2x2x256xi32, #tpu.memory_space<vmem>> -> memref<1x2x256xi32, #tpu.memory_space<vmem>>
      %dma_wait3A_260 = tpu.memref_squeeze %dma_wait3A_259 : memref<1x2x256xi32, #tpu.memory_space<vmem>> -> memref<2x256xi32, #tpu.memory_space<vmem>>
      %dma_wait3A_261 = arith.constant 0 : i32
      %dma_wait3A_262 = tpu.memref_slice %arg3[%dma_wait3A_261, %mul3A_8] : memref<2x160000xi32, #tpu.memory_space<hbm>> -> memref<2x256xi32, #tpu.memory_space<hbm>>
      %dma_wait3A_263 = arith.constant 0 : i32
      %dma_wait3A_264 = arith.constant 0 : i32
      %dma_wait3A_265 = tpu.memref_slice %arg6[%run_scoped3A, %dma_wait3A_263, %dma_wait3A_264] : memref<2x2x256xi32, #tpu.memory_space<vmem>> -> memref<1x2x256xi32, #tpu.memory_space<vmem>>
      %dma_wait3A_266 = tpu.memref_squeeze %dma_wait3A_265 : memref<1x2x256xi32, #tpu.memory_space<vmem>> -> memref<2x256xi32, #tpu.memory_space<vmem>>
      %dma_wait3A_267 = arith.constant 0 : i32
      %dma_wait3A_268 = tpu.memref_slice %arg3[%dma_wait3A_267, %mul3A_8] : memref<2x160000xi32, #tpu.memory_space<hbm>> -> memref<2x256xi32, #tpu.memory_space<hbm>>
      tpu.wait_dma2 semaphore(%run_scoped3A_244 : memref<!tpu.dma_semaphore, #tpu.memory_space<semaphore_mem>>) src(%dma_wait3A_268 : memref<2x256xi32, #tpu.memory_space<hbm>>) dst(%dma_wait3A_266 : memref<2x256xi32, #tpu.memory_space<vmem>>)
      tpu.yield
    }) : () -> ()
    %get3A = arith.constant 0 : i32
    %get3A_9 = arith.constant 1 : i32
    %get3A_10 = arith.index_cast %get3A : i32 to index
    %get3A_11 = arith.index_cast %get3A_9 : i32 to index
    %get3A_12 = arith.constant 0 : index
    %get3A_13 = tpu.vector_load %arg6[%get3A_10, %get3A_11, %get3A_12] {strides = array<i32>} : memref<2x2x256xi32, #tpu.memory_space<vmem>>, vector<1x1x16xi32>,
    %get3A_14 = vector.shape_cast %get3A_13 : vector<1x1x16xi32> to vector<16xi32>
    %swap3A = arith.constant 0 : i32
    %swap3A_15 = arith.index_cast %swap3A : i32 to index
    %swap3A_16 = arith.constant 0 : index
    %swap3A_17 = tpu.vector_load %arg7[%swap3A_15, %swap3A_16] {strides = array<i32>} : memref<4x128xi32, #tpu.memory_space<vmem>>, vector<1x16xi32>,
    %swap3A_18 = vector.shape_cast %swap3A_17 : vector<1x16xi32> to vector<16xi32>
    %swap3A_19 = vector.shape_cast %get3A_14 : vector<16xi32> to vector<1x16xi32>
    tpu.vector_store %arg7[%swap3A_15, %swap3A_16], %swap3A_19 {strides = array<i32>} : memref<4x128xi32, #tpu.memory_space<vmem>>, vector<1x16xi32>,
    %get3A_20 = arith.constant 0 : i32
    %get3A_21 = arith.constant 1 : i32
    %get3A_22 = arith.index_cast %get3A_20 : i32 to index
    %get3A_23 = arith.index_cast %get3A_21 : i32 to index
    %get3A_24 = arith.constant 128 : index
    %get3A_25 = tpu.vector_load %arg6[%get3A_22, %get3A_23, %get3A_24] {strides = array<i32>} : memref<2x2x256xi32, #tpu.memory_space<vmem>>, vector<1x1x16xi32>,
    %get3A_26 = vector.shape_cast %get3A_25 : vector<1x1x16xi32> to vector<16xi32>
    %swap3A_27 = arith.constant 1 : i32
    %swap3A_28 = arith.index_cast %swap3A_27 : i32 to index
    %swap3A_29 = arith.constant 0 : index
    %swap3A_30 = tpu.vector_load %arg7[%swap3A_28, %swap3A_29] {strides = array<i32>} : memref<4x128xi32, #tpu.memory_space<vmem>>, vector<1x16xi32>,
    %swap3A_31 = vector.shape_cast %swap3A_30 : vector<1x16xi32> to vector<16xi32>
    %swap3A_32 = vector.shape_cast %get3A_26 : vector<16xi32> to vector<1x16xi32>
    tpu.vector_store %arg7[%swap3A_28, %swap3A_29], %swap3A_32 {strides = array<i32>} : memref<4x128xi32, #tpu.memory_space<vmem>>, vector<1x16xi32>,
    %get3A_33 = arith.constant 0 : i32
    %get3A_34 = arith.constant 1 : i32
    %get3A_35 = arith.index_cast %get3A_33 : i32 to index
    %get3A_36 = arith.index_cast %get3A_34 : i32 to index
    %get3A_37 = arith.constant 16 : index
    %get3A_38 = tpu.vector_load %arg6[%get3A_35, %get3A_36, %get3A_37] {strides = array<i32>} : memref<2x2x256xi32, #tpu.memory_space<vmem>>, vector<1x1x16xi32>,
    %get3A_39 = vector.shape_cast %get3A_38 : vector<1x1x16xi32> to vector<16xi32>
    %swap3A_40 = arith.constant 0 : i32
    %swap3A_41 = arith.index_cast %swap3A_40 : i32 to index
    %swap3A_42 = arith.constant 16 : index
    %swap3A_43 = tpu.vector_load %arg7[%swap3A_41, %swap3A_42] {strides = array<i32>} : memref<4x128xi32, #tpu.memory_space<vmem>>, vector<1x16xi32>,
    %swap3A_44 = vector.shape_cast %swap3A_43 : vector<1x16xi32> to vector<16xi32>
    %swap3A_45 = vector.shape_cast %get3A_39 : vector<16xi32> to vector<1x16xi32>
    tpu.vector_store %arg7[%swap3A_41, %swap3A_42], %swap3A_45 {strides = array<i32>} : memref<4x128xi32, #tpu.memory_space<vmem>>, vector<1x16xi32>,
    %get3A_46 = arith.constant 0 : i32
    %get3A_47 = arith.constant 1 : i32
    %get3A_48 = arith.index_cast %get3A_46 : i32 to index
    %get3A_49 = arith.index_cast %get3A_47 : i32 to index
    %get3A_50 = arith.constant 144 : index
    %get3A_51 = tpu.vector_load %arg6[%get3A_48, %get3A_49, %get3A_50] {strides = array<i32>} : memref<2x2x256xi32, #tpu.memory_space<vmem>>, vector<1x1x16xi32>,
    %get3A_52 = vector.shape_cast %get3A_51 : vector<1x1x16xi32> to vector<16xi32>
    %swap3A_53 = arith.constant 1 : i32
    %swap3A_54 = arith.index_cast %swap3A_53 : i32 to index
    %swap3A_55 = arith.constant 16 : index
    %swap3A_56 = tpu.vector_load %arg7[%swap3A_54, %swap3A_55] {strides = array<i32>} : memref<4x128xi32, #tpu.memory_space<vmem>>, vector<1x16xi32>,
    %swap3A_57 = vector.shape_cast %swap3A_56 : vector<1x16xi32> to vector<16xi32>
    %swap3A_58 = vector.shape_cast %get3A_52 : vector<16xi32> to vector<1x16xi32>
    tpu.vector_store %arg7[%swap3A_54, %swap3A_55], %swap3A_58 {strides = array<i32>} : memref<4x128xi32, #tpu.memory_space<vmem>>, vector<1x16xi32>,
    %get3A_59 = arith.constant 0 : i32
    %get3A_60 = arith.constant 1 : i32
    %get3A_61 = arith.index_cast %get3A_59 : i32 to index
    %get3A_62 = arith.index_cast %get3A_60 : i32 to index
    %get3A_63 = arith.constant 32 : index
    %get3A_64 = tpu.vector_load %arg6[%get3A_61, %get3A_62, %get3A_63] {strides = array<i32>} : memref<2x2x256xi32, #tpu.memory_space<vmem>>, vector<1x1x16xi32>,
    %get3A_65 = vector.shape_cast %get3A_64 : vector<1x1x16xi32> to vector<16xi32>
    %swap3A_66 = arith.constant 0 : i32
    %swap3A_67 = arith.index_cast %swap3A_66 : i32 to index
    %swap3A_68 = arith.constant 32 : index
    %swap3A_69 = tpu.vector_load %arg7[%swap3A_67, %swap3A_68] {strides = array<i32>} : memref<4x128xi32, #tpu.memory_space<vmem>>, vector<1x16xi32>,
    %swap3A_70 = vector.shape_cast %swap3A_69 : vector<1x16xi32> to vector<16xi32>
    %swap3A_71 = vector.shape_cast %get3A_65 : vector<16xi32> to vector<1x16xi32>
    tpu.vector_store %arg7[%swap3A_67, %swap3A_68], %swap3A_71 {strides = array<i32>} : memref<4x128xi32, #tpu.memory_space<vmem>>, vector<1x16xi32>,
    %get3A_72 = arith.constant 0 : i32
    %get3A_73 = arith.constant 1 : i32
    %get3A_74 = arith.index_cast %get3A_72 : i32 to index
    %get3A_75 = arith.index_cast %get3A_73 : i32 to index
    %get3A_76 = arith.constant 160 : index
    %get3A_77 = tpu.vector_load %arg6[%get3A_74, %get3A_75, %get3A_76] {strides = array<i32>} : memref<2x2x256xi32, #tpu.memory_space<vmem>>, vector<1x1x16xi32>,
    %get3A_78 = vector.shape_cast %get3A_77 : vector<1x1x16xi32> to vector<16xi32>
    %swap3A_79 = arith.constant 1 : i32
    %swap3A_80 = arith.index_cast %swap3A_79 : i32 to index
    %swap3A_81 = arith.constant 32 : index
    %swap3A_82 = tpu.vector_load %arg7[%swap3A_80, %swap3A_81] {strides = array<i32>} : memref<4x128xi32, #tpu.memory_space<vmem>>, vector<1x16xi32>,
    %swap3A_83 = vector.shape_cast %swap3A_82 : vector<1x16xi32> to vector<16xi32>
    %swap3A_84 = vector.shape_cast %get3A_78 : vector<16xi32> to vector<1x16xi32>
    tpu.vector_store %arg7[%swap3A_80, %swap3A_81], %swap3A_84 {strides = array<i32>} : memref<4x128xi32, #tpu.memory_space<vmem>>, vector<1x16xi32>,
    %get3A_85 = arith.constant 0 : i32
    %get3A_86 = arith.constant 1 : i32
    %get3A_87 = arith.index_cast %get3A_85 : i32 to index
    %get3A_88 = arith.index_cast %get3A_86 : i32 to index
    %get3A_89 = arith.constant 48 : index
    %get3A_90 = tpu.vector_load %arg6[%get3A_87, %get3A_88, %get3A_89] {strides = array<i32>} : memref<2x2x256xi32, #tpu.memory_space<vmem>>, vector<1x1x16xi32>,
    %get3A_91 = vector.shape_cast %get3A_90 : vector<1x1x16xi32> to vector<16xi32>
    %swap3A_92 = arith.constant 0 : i32
    %swap3A_93 = arith.index_cast %swap3A_92 : i32 to index
    %swap3A_94 = arith.constant 48 : index
    %swap3A_95 = tpu.vector_load %arg7[%swap3A_93, %swap3A_94] {strides = array<i32>} : memref<4x128xi32, #tpu.memory_space<vmem>>, vector<1x16xi32>,
    %swap3A_96 = vector.shape_cast %swap3A_95 : vector<1x16xi32> to vector<16xi32>
    %swap3A_97 = vector.shape_cast %get3A_91 : vector<16xi32> to vector<1x16xi32>
    tpu.vector_store %arg7[%swap3A_93, %swap3A_94], %swap3A_97 {strides = array<i32>} : memref<4x128xi32, #tpu.memory_space<vmem>>, vector<1x16xi32>,
    %get3A_98 = arith.constant 0 : i32
    %get3A_99 = arith.constant 1 : i32
    %get3A_100 = arith.index_cast %get3A_98 : i32 to index
    %get3A_101 = arith.index_cast %get3A_99 : i32 to index
    %get3A_102 = arith.constant 176 : index
    %get3A_103 = tpu.vector_load %arg6[%get3A_100, %get3A_101, %get3A_102] {strides = array<i32>} : memref<2x2x256xi32, #tpu.memory_space<vmem>>, vector<1x1x16xi32>,
    %get3A_104 = vector.shape_cast %get3A_103 : vector<1x1x16xi32> to vector<16xi32>
    %swap3A_105 = arith.constant 1 : i32
    %swap3A_106 = arith.index_cast %swap3A_105 : i32 to index
    %swap3A_107 = arith.constant 48 : index
    %swap3A_108 = tpu.vector_load %arg7[%swap3A_106, %swap3A_107] {strides = array<i32>} : memref<4x128xi32, #tpu.memory_space<vmem>>, vector<1x16xi32>,
    %swap3A_109 = vector.shape_cast %swap3A_108 : vector<1x16xi32> to vector<16xi32>
    %swap3A_110 = vector.shape_cast %get3A_104 : vector<16xi32> to vector<1x16xi32>
    tpu.vector_store %arg7[%swap3A_106, %swap3A_107], %swap3A_110 {strides = array<i32>} : memref<4x128xi32, #tpu.memory_space<vmem>>, vector<1x16xi32>,
    %get3A_111 = arith.constant 0 : i32
    %get3A_112 = arith.constant 1 : i32
    %get3A_113 = arith.index_cast %get3A_111 : i32 to index
    %get3A_114 = arith.index_cast %get3A_112 : i32 to index
    %get3A_115 = arith.constant 64 : index
    %get3A_116 = tpu.vector_load %arg6[%get3A_113, %get3A_114, %get3A_115] {strides = array<i32>} : memref<2x2x256xi32, #tpu.memory_space<vmem>>, vector<1x1x16xi32>,
    %get3A_117 = vector.shape_cast %get3A_116 : vector<1x1x16xi32> to vector<16xi32>
    %swap3A_118 = arith.constant 0 : i32
    %swap3A_119 = arith.index_cast %swap3A_118 : i32 to index
    %swap3A_120 = arith.constant 64 : index
    %swap3A_121 = tpu.vector_load %arg7[%swap3A_119, %swap3A_120] {strides = array<i32>} : memref<4x128xi32, #tpu.memory_space<vmem>>, vector<1x16xi32>,
    %swap3A_122 = vector.shape_cast %swap3A_121 : vector<1x16xi32> to vector<16xi32>
    %swap3A_123 = vector.shape_cast %get3A_117 : vector<16xi32> to vector<1x16xi32>
    tpu.vector_store %arg7[%swap3A_119, %swap3A_120], %swap3A_123 {strides = array<i32>} : memref<4x128xi32, #tpu.memory_space<vmem>>, vector<1x16xi32>,
    %get3A_124 = arith.constant 0 : i32
    %get3A_125 = arith.constant 1 : i32
    %get3A_126 = arith.index_cast %get3A_124 : i32 to index
    %get3A_127 = arith.index_cast %get3A_125 : i32 to index
    %get3A_128 = arith.constant 192 : index
    %get3A_129 = tpu.vector_load %arg6[%get3A_126, %get3A_127, %get3A_128] {strides = array<i32>} : memref<2x2x256xi32, #tpu.memory_space<vmem>>, vector<1x1x16xi32>,
    %get3A_130 = vector.shape_cast %get3A_129 : vector<1x1x16xi32> to vector<16xi32>
    %swap3A_131 = arith.constant 1 : i32
    %swap3A_132 = arith.index_cast %swap3A_131 : i32 to index
    %swap3A_133 = arith.constant 64 : index
    %swap3A_134 = tpu.vector_load %arg7[%swap3A_132, %swap3A_133] {strides = array<i32>} : memref<4x128xi32, #tpu.memory_space<vmem>>, vector<1x16xi32>,
    %swap3A_135 = vector.shape_cast %swap3A_134 : vector<1x16xi32> to vector<16xi32>
    %swap3A_136 = vector.shape_cast %get3A_130 : vector<16xi32> to vector<1x16xi32>
    tpu.vector_store %arg7[%swap3A_132, %swap3A_133], %swap3A_136 {strides = array<i32>} : memref<4x128xi32, #tpu.memory_space<vmem>>, vector<1x16xi32>,
    %get3A_137 = arith.constant 0 : i32
    %get3A_138 = arith.constant 1 : i32
    %get3A_139 = arith.index_cast %get3A_137 : i32 to index
    %get3A_140 = arith.index_cast %get3A_138 : i32 to index
    %get3A_141 = arith.constant 80 : index
    %get3A_142 = tpu.vector_load %arg6[%get3A_139, %get3A_140, %get3A_141] {strides = array<i32>} : memref<2x2x256xi32, #tpu.memory_space<vmem>>, vector<1x1x16xi32>,
    %get3A_143 = vector.shape_cast %get3A_142 : vector<1x1x16xi32> to vector<16xi32>
    %swap3A_144 = arith.constant 0 : i32
    %swap3A_145 = arith.index_cast %swap3A_144 : i32 to index
    %swap3A_146 = arith.constant 80 : index
    %swap3A_147 = tpu.vector_load %arg7[%swap3A_145, %swap3A_146] {strides = array<i32>} : memref<4x128xi32, #tpu.memory_space<vmem>>, vector<1x16xi32>,
    %swap3A_148 = vector.shape_cast %swap3A_147 : vector<1x16xi32> to vector<16xi32>
    %swap3A_149 = vector.shape_cast %get3A_143 : vector<16xi32> to vector<1x16xi32>
    tpu.vector_store %arg7[%swap3A_145, %swap3A_146], %swap3A_149 {strides = array<i32>} : memref<4x128xi32, #tpu.memory_space<vmem>>, vector<1x16xi32>,
    %get3A_150 = arith.constant 0 : i32
    %get3A_151 = arith.constant 1 : i32
    %get3A_152 = arith.index_cast %get3A_150 : i32 to index
    %get3A_153 = arith.index_cast %get3A_151 : i32 to index
    %get3A_154 = arith.constant 208 : index
    %get3A_155 = tpu.vector_load %arg6[%get3A_152, %get3A_153, %get3A_154] {strides = array<i32>} : memref<2x2x256xi32, #tpu.memory_space<vmem>>, vector<1x1x16xi32>,
    %get3A_156 = vector.shape_cast %get3A_155 : vector<1x1x16xi32> to vector<16xi32>
    %swap3A_157 = arith.constant 1 : i32
    %swap3A_158 = arith.index_cast %swap3A_157 : i32 to index
    %swap3A_159 = arith.constant 80 : index
    %swap3A_160 = tpu.vector_load %arg7[%swap3A_158, %swap3A_159] {strides = array<i32>} : memref<4x128xi32, #tpu.memory_space<vmem>>, vector<1x16xi32>,
    %swap3A_161 = vector.shape_cast %swap3A_160 : vector<1x16xi32> to vector<16xi32>
    %swap3A_162 = vector.shape_cast %get3A_156 : vector<16xi32> to vector<1x16xi32>
    tpu.vector_store %arg7[%swap3A_158, %swap3A_159], %swap3A_162 {strides = array<i32>} : memref<4x128xi32, #tpu.memory_space<vmem>>, vector<1x16xi32>,
    %get3A_163 = arith.constant 0 : i32
    %get3A_164 = arith.constant 1 : i32
    %get3A_165 = arith.index_cast %get3A_163 : i32 to index
    %get3A_166 = arith.index_cast %get3A_164 : i32 to index
    %get3A_167 = arith.constant 96 : index
    %get3A_168 = tpu.vector_load %arg6[%get3A_165, %get3A_166, %get3A_167] {strides = array<i32>} : memref<2x2x256xi32, #tpu.memory_space<vmem>>, vector<1x1x16xi32>,
    %get3A_169 = vector.shape_cast %get3A_168 : vector<1x1x16xi32> to vector<16xi32>
    %swap3A_170 = arith.constant 0 : i32
    %swap3A_171 = arith.index_cast %swap3A_170 : i32 to index
    %swap3A_172 = arith.constant 96 : index
    %swap3A_173 = tpu.vector_load %arg7[%swap3A_171, %swap3A_172] {strides = array<i32>} : memref<4x128xi32, #tpu.memory_space<vmem>>, vector<1x16xi32>,
    %swap3A_174 = vector.shape_cast %swap3A_173 : vector<1x16xi32> to vector<16xi32>
    %swap3A_175 = vector.shape_cast %get3A_169 : vector<16xi32> to vector<1x16xi32>
    tpu.vector_store %arg7[%swap3A_171, %swap3A_172], %swap3A_175 {strides = array<i32>} : memref<4x128xi32, #tpu.memory_space<vmem>>, vector<1x16xi32>,
    %get3A_176 = arith.constant 0 : i32
    %get3A_177 = arith.constant 1 : i32
    %get3A_178 = arith.index_cast %get3A_176 : i32 to index
    %get3A_179 = arith.index_cast %get3A_177 : i32 to index
    %get3A_180 = arith.constant 224 : index
    %get3A_181 = tpu.vector_load %arg6[%get3A_178, %get3A_179, %get3A_180] {strides = array<i32>} : memref<2x2x256xi32, #tpu.memory_space<vmem>>, vector<1x1x16xi32>,
    %get3A_182 = vector.shape_cast %get3A_181 : vector<1x1x16xi32> to vector<16xi32>
    %swap3A_183 = arith.constant 1 : i32
    %swap3A_184 = arith.index_cast %swap3A_183 : i32 to index
    %swap3A_185 = arith.constant 96 : index
    %swap3A_186 = tpu.vector_load %arg7[%swap3A_184, %swap3A_185] {strides = array<i32>} : memref<4x128xi32, #tpu.memory_space<vmem>>, vector<1x16xi32>,
    %swap3A_187 = vector.shape_cast %swap3A_186 : vector<1x16xi32> to vector<16xi32>
    %swap3A_188 = vector.shape_cast %get3A_182 : vector<16xi32> to vector<1x16xi32>
    tpu.vector_store %arg7[%swap3A_184, %swap3A_185], %swap3A_188 {strides = array<i32>} : memref<4x128xi32, #tpu.memory_space<vmem>>, vector<1x16xi32>,
    %get3A_189 = arith.constant 0 : i32
    %get3A_190 = arith.constant 1 : i32
    %get3A_191 = arith.index_cast %get3A_189 : i32 to index
    %get3A_192 = arith.index_cast %get3A_190 : i32 to index
    %get3A_193 = arith.constant 112 : index
    %get3A_194 = tpu.vector_load %arg6[%get3A_191, %get3A_192, %get3A_193] {strides = array<i32>} : memref<2x2x256xi32, #tpu.memory_space<vmem>>, vector<1x1x16xi32>,
    %get3A_195 = vector.shape_cast %get3A_194 : vector<1x1x16xi32> to vector<16xi32>
    %swap3A_196 = arith.constant 0 : i32
    %swap3A_197 = arith.index_cast %swap3A_196 : i32 to index
    %swap3A_198 = arith.constant 112 : index
    %swap3A_199 = tpu.vector_load %arg7[%swap3A_197, %swap3A_198] {strides = array<i32>} : memref<4x128xi32, #tpu.memory_space<vmem>>, vector<1x16xi32>,
    %swap3A_200 = vector.shape_cast %swap3A_199 : vector<1x16xi32> to vector<16xi32>
    %swap3A_201 = vector.shape_cast %get3A_195 : vector<16xi32> to vector<1x16xi32>
    tpu.vector_store %arg7[%swap3A_197, %swap3A_198], %swap3A_201 {strides = array<i32>} : memref<4x128xi32, #tpu.memory_space<vmem>>, vector<1x16xi32>,
    %get3A_202 = arith.constant 0 : i32
    %get3A_203 = arith.constant 1 : i32
    %get3A_204 = arith.index_cast %get3A_202 : i32 to index
    %get3A_205 = arith.index_cast %get3A_203 : i32 to index
    %get3A_206 = arith.constant 240 : index
    %get3A_207 = tpu.vector_load %arg6[%get3A_204, %get3A_205, %get3A_206] {strides = array<i32>} : memref<2x2x256xi32, #tpu.memory_space<vmem>>, vector<1x1x16xi32>,
    %get3A_208 = vector.shape_cast %get3A_207 : vector<1x1x16xi32> to vector<16xi32>
    %swap3A_209 = arith.constant 1 : i32
    %swap3A_210 = arith.index_cast %swap3A_209 : i32 to index
    %swap3A_211 = arith.constant 112 : index
    %swap3A_212 = tpu.vector_load %arg7[%swap3A_210, %swap3A_211] {strides = array<i32>} : memref<4x128xi32, #tpu.memory_space<vmem>>, vector<1x16xi32>,
    %swap3A_213 = vector.shape_cast %swap3A_212 : vector<1x16xi32> to vector<16xi32>
    %swap3A_214 = vector.shape_cast %get3A_208 : vector<16xi32> to vector<1x16xi32>
    tpu.vector_store %arg7[%swap3A_210, %swap3A_211], %swap3A_214 {strides = array<i32>} : memref<4x128xi32, #tpu.memory_space<vmem>>, vector<1x16xi32>,
    %dma_start3A_215 = arith.constant 0 : i32
    %dma_start3A_216 = arith.constant 0 : i32
    %dma_start3A_217 = arith.constant 0 : i32
    %dma_start3A_218 = arith.constant 0 : i32
    %dma_start3A_219 = arith.constant 0 : i32
    %dma_start3A_220 = tpu.memref_slice %arg9[%dma_start3A_217, %dma_start3A_218, %dma_start3A_219] : memref<2x128x128xf32, #tpu.memory_space<vmem>> -> memref<1x128x128xf32, #tpu.memory_space<vmem>>
    %dma_start3A_221 = tpu.memref_squeeze %dma_start3A_220 : memref<1x128x128xf32, #tpu.memory_space<vmem>> -> memref<128x128xf32, #tpu.memory_space<vmem>>
    %dma_start3A_222 = arith.constant 0 : i32
    %dma_start3A_223 = tpu.memref_slice %arg6[%dma_start3A_215, %dma_start3A_216, %dma_start3A_222] : memref<2x2x256xi32, #tpu.memory_space<vmem>> -> memref<1x1x128xi32, #tpu.memory_space<vmem>>
    %dma_start3A_224 = tpu.memref_squeeze %dma_start3A_223 : memref<1x1x128xi32, #tpu.memory_space<vmem>> -> memref<128xi32, #tpu.memory_space<vmem>>
    %dma_start3A_225 = arith.constant 0 : i32
    %dma_start3A_226 = arith.constant 0 : i32
    %dma_start3A_227 = tpu.memref_slice %arg2[%arg0, %dma_start3A_225, %dma_start3A_226] : memref<2x10240x128xf32, #tpu.memory_space<hbm>> -> memref<1x10240x128xf32, #tpu.memory_space<hbm>>
    %dma_start3A_228 = tpu.memref_squeeze %dma_start3A_227 : memref<1x10240x128xf32, #tpu.memory_space<hbm>> -> memref<10240x128xf32, #tpu.memory_space<hbm>>
    %dma_start3A_229 = arith.constant 0 : i32
    %dma_start3A_230 = arith.constant 0 : i32
    %dma_start3A_231 = tpu.memref_slice %dma_start3A_228[%dma_start3A_229, %dma_start3A_230] : memref<10240x128xf32, #tpu.memory_space<hbm>> -> memref<10240x128xf32, #tpu.memory_space<hbm>>
    tpu.enqueue_indirect_dma source(%dma_start3A_231 : memref<10240x128xf32, #tpu.memory_space<hbm>>) target(%dma_start3A_221 : memref<128x128xf32, #tpu.memory_space<vmem>>) offsets(%dma_start3A_224 : memref<128xi32, #tpu.memory_space<vmem>>) semaphore(%arg10 : memref<!tpu.dma_semaphore, #tpu.memory_space<semaphore_mem>>)
    %dma_wait3A = arith.constant 0 : i32
    %dma_wait3A_232 = tpu.memref_slice %arg5[%mul3A_0, %dma_wait3A] : memref<10240x128xf32, #tpu.memory_space<vmem_shared>> -> memref<640x128xf32, #tpu.memory_space<vmem_shared>>
    %dma_wait3A_233 = arith.constant 0 : i32
    %dma_wait3A_234 = tpu.memref_slice %arg2[%arg0, %mul3A_0, %dma_wait3A_233] : memref<2x10240x128xf32, #tpu.memory_space<hbm>> -> memref<1x640x128xf32, #tpu.memory_space<hbm>>
    %dma_wait3A_235 = tpu.memref_squeeze %dma_wait3A_234 : memref<1x640x128xf32, #tpu.memory_space<hbm>> -> memref<640x128xf32, #tpu.memory_space<hbm>>
    tpu.wait_dma2 semaphore(%arg12 : memref<!tpu.dma_semaphore, #tpu.memory_space<semaphore_mem>>) src(%dma_wait3A_235 : memref<640x128xf32, #tpu.memory_space<hbm>>) dst(%dma_wait3A_232 : memref<640x128xf32, #tpu.memory_space<vmem_shared>>)
    %barrier3A = arith.constant 0 : index
    tpu.barrier barrier_id(%barrier3A)
    %scan3A = arith.constant 0 : i32
    %scan3A_236 = arith.constant 0 : i32
    %scan3A_237 = arith.constant 39 : i32
    %scan3A_238 = arith.addi %scan3A_236, %scan3A_237 : i32
    %scan3A_239 = arith.constant 1 : i32
    scf.for %scan3A_244 = %scan3A_236 to %scan3A_238 step %scan3A_239  : i32 {
      %jit3A = arith.constant 2 : i32
      %eq3A = arith.constant 0 : i32
      %eq3A_245 = arith.cmpi eq, %jit3A, %eq3A : i32
      %jit3A_246 = arith.constant 1 : i32
      %select_n3A = arith.select %eq3A_245, %jit3A_246, %jit3A : i32
      %rem3A = arith.remsi %scan3A_244, %select_n3A : i32
      %ne3A = arith.constant 0 : i32
      %ne3A_247 = arith.cmpi ne, %rem3A, %ne3A : i32
      %lt3A_248 = arith.constant 0 : i32
      %lt3A_249 = arith.cmpi slt, %rem3A, %lt3A_248 : i32
      %lt3A_250 = arith.constant 0 : i32
      %lt3A_251 = arith.cmpi slt, %select_n3A, %lt3A_250 : i32
      %ne3A_252 = arith.xori %lt3A_249, %lt3A_251 : i1
      %and3A = arith.andi %ne3A_252, %ne3A_247 : i1
      %add3A = arith.addi %rem3A, %select_n3A : i32
      %select_n3A_253 = arith.select %and3A, %add3A, %rem3A : i32
      %sub3A = arith.constant 1 : i32
      %sub3A_254 = arith.subi %sub3A, %select_n3A_253 : i32
      %lt3A_255 = arith.constant 38 : i32
      %lt3A_256 = arith.cmpi slt, %scan3A_244, %lt3A_255 : i32
      %convert_element_type3A_257 = arith.extui %lt3A_256 : i1 to i32
      %cond3A_258 = arith.constant 0 : i32
      %cond3A_259 = arith.cmpi ne, %convert_element_type3A_257, %cond3A_258 : i32
      scf.if %cond3A_259 {
        %mul3A_321 = arith.constant 2 : i32
        %mul3A_322 = arith.muli %mul3A_321, %scan3A_244 : i32
        %add3A_323 = arith.addi %mul3A_2, %mul3A_322 : i32
        %add3A_324 = arith.constant 2 : i32
        %add3A_325 = arith.addi %add3A_323, %add3A_324 : i32
        %mul3A_326 = arith.constant 128 : i32
        %mul3A_327 = arith.muli %add3A_325, %mul3A_326 : i32
        %dma_start3A_328 = arith.constant 0 : i32
        %dma_start3A_329 = arith.constant 0 : i32
        %dma_start3A_330 = tpu.memref_slice %arg6[%sub3A_254, %dma_start3A_328, %dma_start3A_329] : memref<2x2x256xi32, #tpu.memory_space<vmem>> -> memref<1x2x256xi32, #tpu.memory_space<vmem>>
        %dma_start3A_331 = tpu.memref_squeeze %dma_start3A_330 : memref<1x2x256xi32, #tpu.memory_space<vmem>> -> memref<2x256xi32, #tpu.memory_space<vmem>>
        %dma_start3A_332 = arith.constant 0 : i32
        %dma_start3A_333 = tpu.memref_slice %arg3[%dma_start3A_332, %mul3A_327] : memref<2x160000xi32, #tpu.memory_space<hbm>> -> memref<2x256xi32, #tpu.memory_space<hbm>>
        %dma_start3A_334 = arith.constant 0 : i32
        %dma_start3A_335 = arith.constant 0 : i32
        %dma_start3A_336 = tpu.memref_slice %arg6[%sub3A_254, %dma_start3A_334, %dma_start3A_335] : memref<2x2x256xi32, #tpu.memory_space<vmem>> -> memref<1x2x256xi32, #tpu.memory_space<vmem>>
        %dma_start3A_337 = tpu.memref_squeeze %dma_start3A_336 : memref<1x2x256xi32, #tpu.memory_space<vmem>> -> memref<2x256xi32, #tpu.memory_space<vmem>>
        %dma_start3A_338 = arith.constant 0 : i32
        %dma_start3A_339 = tpu.memref_slice %arg3[%dma_start3A_338, %mul3A_327] : memref<2x160000xi32, #tpu.memory_space<hbm>> -> memref<2x256xi32, #tpu.memory_space<hbm>>
        tpu.enqueue_dma source(%dma_start3A_339 : memref<2x256xi32, #tpu.memory_space<hbm>>) target(%dma_start3A_337 : memref<2x256xi32, #tpu.memory_space<vmem>>) target_semaphore(%arg12 : memref<!tpu.dma_semaphore, #tpu.memory_space<semaphore_mem>>)
      } else {
      }
      %dma_start3A_260 = arith.constant 0 : i32
      %dma_start3A_261 = arith.constant 1 : i32
      %dma_start3A_262 = arith.constant 0 : i32
      %dma_start3A_263 = arith.constant 0 : i32
      %dma_start3A_264 = tpu.memref_slice %arg9[%dma_start3A_261, %dma_start3A_262, %dma_start3A_263] : memref<2x128x128xf32, #tpu.memory_space<vmem>> -> memref<1x128x128xf32, #tpu.memory_space<vmem>>
      %dma_start3A_265 = tpu.memref_squeeze %dma_start3A_264 : memref<1x128x128xf32, #tpu.memory_space<vmem>> -> memref<128x128xf32, #tpu.memory_space<vmem>>
      %dma_start3A_266 = arith.constant 128 : i32
      %dma_start3A_267 = tpu.memref_slice %arg6[%select_n3A_253, %dma_start3A_260, %dma_start3A_266] : memref<2x2x256xi32, #tpu.memory_space<vmem>> -> memref<1x1x128xi32, #tpu.memory_space<vmem>>
      %dma_start3A_268 = tpu.memref_squeeze %dma_start3A_267 : memref<1x1x128xi32, #tpu.memory_space<vmem>> -> memref<128xi32, #tpu.memory_space<vmem>>
      %dma_start3A_269 = arith.constant 0 : i32
      %dma_start3A_270 = arith.constant 0 : i32
      %dma_start3A_271 = tpu.memref_slice %arg2[%arg0, %dma_start3A_269, %dma_start3A_270] : memref<2x10240x128xf32, #tpu.memory_space<hbm>> -> memref<1x10240x128xf32, #tpu.memory_space<hbm>>
      %dma_start3A_272 = tpu.memref_squeeze %dma_start3A_271 : memref<1x10240x128xf32, #tpu.memory_space<hbm>> -> memref<10240x128xf32, #tpu.memory_space<hbm>>
      %dma_start3A_273 = arith.constant 0 : i32
      %dma_start3A_274 = arith.constant 0 : i32
      %dma_start3A_275 = tpu.memref_slice %dma_start3A_272[%dma_start3A_273, %dma_start3A_274] : memref<10240x128xf32, #tpu.memory_space<hbm>> -> memref<10240x128xf32, #tpu.memory_space<hbm>>
      tpu.enqueue_indirect_dma source(%dma_start3A_275 : memref<10240x128xf32, #tpu.memory_space<hbm>>) target(%dma_start3A_265 : memref<128x128xf32, #tpu.memory_space<vmem>>) offsets(%dma_start3A_268 : memref<128xi32, #tpu.memory_space<vmem>>) semaphore(%arg11 : memref<!tpu.dma_semaphore, #tpu.memory_space<semaphore_mem>>)
      %dma_wait3A_276 = arith.constant 0 : i32
      %dma_wait3A_277 = arith.constant 0 : i32
      %dma_wait3A_278 = arith.constant 0 : i32
      %dma_wait3A_279 = arith.constant 0 : i32
      %dma_wait3A_280 = tpu.memref_slice %arg9[%dma_wait3A_277, %dma_wait3A_278, %dma_wait3A_279] : memref<2x128x128xf32, #tpu.memory_space<vmem>> -> memref<1x128x128xf32, #tpu.memory_space<vmem>>
      %dma_wait3A_281 = tpu.memref_squeeze %dma_wait3A_280 : memref<1x128x128xf32, #tpu.memory_space<vmem>> -> memref<128x128xf32, #tpu.memory_space<vmem>>
      %dma_wait3A_282 = arith.constant 0 : i32
      %dma_wait3A_283 = tpu.memref_slice %arg6[%select_n3A_253, %dma_wait3A_276, %dma_wait3A_282] : memref<2x2x256xi32, #tpu.memory_space<vmem>> -> memref<1x1x128xi32, #tpu.memory_space<vmem>>
      %dma_wait3A_284 = tpu.memref_squeeze %dma_wait3A_283 : memref<1x1x128xi32, #tpu.memory_space<vmem>> -> memref<128xi32, #tpu.memory_space<vmem>>
      %dma_wait3A_285 = arith.constant 0 : i32
      %dma_wait3A_286 = arith.constant 0 : i32
      %dma_wait3A_287 = tpu.memref_slice %arg2[%arg0, %dma_wait3A_285, %dma_wait3A_286] : memref<2x10240x128xf32, #tpu.memory_space<hbm>> -> memref<1x10240x128xf32, #tpu.memory_space<hbm>>
      %dma_wait3A_288 = tpu.memref_squeeze %dma_wait3A_287 : memref<1x10240x128xf32, #tpu.memory_space<hbm>> -> memref<10240x128xf32, #tpu.memory_space<hbm>>
      %dma_wait3A_289 = arith.constant 0 : i32
      %dma_wait3A_290 = arith.constant 0 : i32
      %dma_wait3A_291 = tpu.memref_slice %dma_wait3A_288[%dma_wait3A_289, %dma_wait3A_290] : memref<10240x128xf32, #tpu.memory_space<hbm>> -> memref<10240x128xf32, #tpu.memory_space<hbm>>
      tpu.wait_indirect_dma semaphore(%arg10 : memref<!tpu.dma_semaphore, #tpu.memory_space<semaphore_mem>>) src(%dma_wait3A_291 : memref<10240x128xf32, #tpu.memory_space<hbm>>) dst(%dma_wait3A_281 : memref<128x128xf32, #tpu.memory_space<vmem>>)
      %mul3A_292 = arith.constant 2 : i32
      %mul3A_293 = arith.muli %mul3A_292, %select_n3A_253 : i32
      %run_scoped3A_294 = arith.constant 0 : i32
      "tpu.region"() ({
        %run_scoped3A_321 = tpu.sem_alloc : memref<!tpu.dma_semaphore, #tpu.memory_space<semaphore_mem>>
        %dma_start3A_322 = arith.constant 0 : i32
        %dma_start3A_323 = arith.constant 0 : i32
        %dma_start3A_324 = tpu.memref_slice %arg9[%run_scoped3A_294, %dma_start3A_322, %dma_start3A_323] : memref<2x128x128xf32, #tpu.memory_space<vmem>> -> memref<1x128x128xf32, #tpu.memory_space<vmem>>
        %dma_start3A_325 = tpu.memref_squeeze %dma_start3A_324 : memref<1x128x128xf32, #tpu.memory_space<vmem>> -> memref<128x128xf32, #tpu.memory_space<vmem>>
        %dma_start3A_326 = arith.constant 0 : i32
        %dma_start3A_327 = tpu.memref_slice %arg7[%mul3A_293, %dma_start3A_326] : memref<4x128xi32, #tpu.memory_space<vmem>> -> memref<1x128xi32, #tpu.memory_space<vmem>>
        %dma_start3A_328 = tpu.memref_squeeze %dma_start3A_327 : memref<1x128xi32, #tpu.memory_space<vmem>> -> memref<128xi32, #tpu.memory_space<vmem>>
        %dma_start3A_329 = arith.constant 0 : i32
        %dma_start3A_330 = arith.constant 0 : i32
        %dma_start3A_331 = tpu.memref_slice %arg5[%dma_start3A_329, %dma_start3A_330] : memref<10240x128xf32, #tpu.memory_space<vmem_shared>> -> memref<10240x128xf32, #tpu.memory_space<vmem_shared>>
        tpu.enqueue_indirect_dma source(%dma_start3A_325 : memref<128x128xf32, #tpu.memory_space<vmem>>) target(%dma_start3A_331 : memref<10240x128xf32, #tpu.memory_space<vmem_shared>>) offsets(%dma_start3A_328 : memref<128xi32, #tpu.memory_space<vmem>>) semaphore(%run_scoped3A_321 : memref<!tpu.dma_semaphore, #tpu.memory_space<semaphore_mem>>) {add = true}
        %dma_wait3A_332 = arith.constant 0 : i32
        %dma_wait3A_333 = arith.constant 0 : i32
        %dma_wait3A_334 = tpu.memref_slice %arg9[%run_scoped3A_294, %dma_wait3A_332, %dma_wait3A_333] : memref<2x128x128xf32, #tpu.memory_space<vmem>> -> memref<1x128x128xf32, #tpu.memory_space<vmem>>
        %dma_wait3A_335 = tpu.memref_squeeze %dma_wait3A_334 : memref<1x128x128xf32, #tpu.memory_space<vmem>> -> memref<128x128xf32, #tpu.memory_space<vmem>>
        %dma_wait3A_336 = arith.constant 0 : i32
        %dma_wait3A_337 = tpu.memref_slice %arg7[%mul3A_293, %dma_wait3A_336] : memref<4x128xi32, #tpu.memory_space<vmem>> -> memref<1x128xi32, #tpu.memory_space<vmem>>
        %dma_wait3A_338 = tpu.memref_squeeze %dma_wait3A_337 : memref<1x128xi32, #tpu.memory_space<vmem>> -> memref<128xi32, #tpu.memory_space<vmem>>
        %dma_wait3A_339 = arith.constant 0 : i32
        %dma_wait3A_340 = arith.constant 0 : i32
        %dma_wait3A_341 = tpu.memref_slice %arg5[%dma_wait3A_339, %dma_wait3A_340] : memref<10240x128xf32, #tpu.memory_space<vmem_shared>> -> memref<10240x128xf32, #tpu.memory_space<vmem_shared>>
        tpu.wait_indirect_dma semaphore(%run_scoped3A_321 : memref<!tpu.dma_semaphore, #tpu.memory_space<semaphore_mem>>) src(%dma_wait3A_335 : memref<128x128xf32, #tpu.memory_space<vmem>>) dst(%dma_wait3A_341 : memref<10240x128xf32, #tpu.memory_space<vmem_shared>>)
        tpu.yield
      }) : () -> ()
      %lt3A_295 = arith.constant 38 : i32
      %lt3A_296 = arith.cmpi slt, %scan3A_244, %lt3A_295 : i32
      %convert_element_type3A_297 = arith.extui %lt3A_296 : i1 to i32
      %cond3A_298 = arith.constant 0 : i32
      %cond3A_299 = arith.cmpi ne, %convert_element_type3A_297, %cond3A_298 : i32
      scf.if %cond3A_299 {
        %mul3A_321 = arith.constant 2 : i32
        %mul3A_322 = arith.muli %mul3A_321, %scan3A_244 : i32
        %add3A_323 = arith.addi %mul3A_2, %mul3A_322 : i32
        %add3A_324 = arith.constant 2 : i32
        %add3A_325 = arith.addi %add3A_323, %add3A_324 : i32
        %mul3A_326 = arith.constant 128 : i32
        %mul3A_327 = arith.muli %add3A_325, %mul3A_326 : i32
        %dma_wait3A_328 = arith.constant 0 : i32
        %dma_wait3A_329 = arith.constant 0 : i32
        %dma_wait3A_330 = tpu.memref_slice %arg6[%sub3A_254, %dma_wait3A_328, %dma_wait3A_329] : memref<2x2x256xi32, #tpu.memory_space<vmem>> -> memref<1x2x256xi32, #tpu.memory_space<vmem>>
        %dma_wait3A_331 = tpu.memref_squeeze %dma_wait3A_330 : memref<1x2x256xi32, #tpu.memory_space<vmem>> -> memref<2x256xi32, #tpu.memory_space<vmem>>
        %dma_wait3A_332 = arith.constant 0 : i32
        %dma_wait3A_333 = tpu.memref_slice %arg3[%dma_wait3A_332, %mul3A_327] : memref<2x160000xi32, #tpu.memory_space<hbm>> -> memref<2x256xi32, #tpu.memory_space<hbm>>
        %dma_wait3A_334 = arith.constant 0 : i32
        %dma_wait3A_335 = arith.constant 0 : i32
        %dma_wait3A_336 = tpu.memref_slice %arg6[%sub3A_254, %dma_wait3A_334, %dma_wait3A_335] : memref<2x2x256xi32, #tpu.memory_space<vmem>> -> memref<1x2x256xi32, #tpu.memory_space<vmem>>
        %dma_wait3A_337 = tpu.memref_squeeze %dma_wait3A_336 : memref<1x2x256xi32, #tpu.memory_space<vmem>> -> memref<2x256xi32, #tpu.memory_space<vmem>>
        %dma_wait3A_338 = arith.constant 0 : i32
        %dma_wait3A_339 = tpu.memref_slice %arg3[%dma_wait3A_338, %mul3A_327] : memref<2x160000xi32, #tpu.memory_space<hbm>> -> memref<2x256xi32, #tpu.memory_space<hbm>>
        tpu.wait_dma2 semaphore(%arg12 : memref<!tpu.dma_semaphore, #tpu.memory_space<semaphore_mem>>) src(%dma_wait3A_339 : memref<2x256xi32, #tpu.memory_space<hbm>>) dst(%dma_wait3A_337 : memref<2x256xi32, #tpu.memory_space<vmem>>)
        %get3A_340 = arith.constant 1 : i32
        %get3A_341 = arith.index_cast %sub3A_254 : i32 to index
        %get3A_342 = arith.index_cast %get3A_340 : i32 to index
        %get3A_343 = arith.constant 0 : index
        %get3A_344 = tpu.vector_load %arg6[%get3A_341, %get3A_342, %get3A_343] {strides = array<i32>} : memref<2x2x256xi32, #tpu.memory_space<vmem>>, vector<1x1x16xi32>,
        %get3A_345 = vector.shape_cast %get3A_344 : vector<1x1x16xi32> to vector<16xi32>
        %mul3A_346 = arith.constant 2 : i32
        %mul3A_347 = arith.muli %mul3A_346, %sub3A_254 : i32
        %swap3A_348 = arith.index_cast %mul3A_347 : i32 to index
        %swap3A_349 = arith.constant 0 : index
        %swap3A_350 = tpu.vector_load %arg7[%swap3A_348, %swap3A_349] {strides = array<i32>} : memref<4x128xi32, #tpu.memory_space<vmem>>, vector<1x16xi32>,
        %swap3A_351 = vector.shape_cast %swap3A_350 : vector<1x16xi32> to vector<16xi32>
        %swap3A_352 = vector.shape_cast %get3A_345 : vector<16xi32> to vector<1x16xi32>
        tpu.vector_store %arg7[%swap3A_348, %swap3A_349], %swap3A_352 {strides = array<i32>} : memref<4x128xi32, #tpu.memory_space<vmem>>, vector<1x16xi32>,
        %get3A_353 = arith.constant 1 : i32
        %get3A_354 = arith.index_cast %sub3A_254 : i32 to index
        %get3A_355 = arith.index_cast %get3A_353 : i32 to index
        %get3A_356 = arith.constant 128 : index
        %get3A_357 = tpu.vector_load %arg6[%get3A_354, %get3A_355, %get3A_356] {strides = array<i32>} : memref<2x2x256xi32, #tpu.memory_space<vmem>>, vector<1x1x16xi32>,
        %get3A_358 = vector.shape_cast %get3A_357 : vector<1x1x16xi32> to vector<16xi32>
        %mul3A_359 = arith.constant 2 : i32
        %mul3A_360 = arith.muli %mul3A_359, %sub3A_254 : i32
        %add3A_361 = arith.constant 1 : i32
        %add3A_362 = arith.addi %mul3A_360, %add3A_361 : i32
        %swap3A_363 = arith.index_cast %add3A_362 : i32 to index
        %swap3A_364 = arith.constant 0 : index
        %swap3A_365 = tpu.vector_load %arg7[%swap3A_363, %swap3A_364] {strides = array<i32>} : memref<4x128xi32, #tpu.memory_space<vmem>>, vector<1x16xi32>,
        %swap3A_366 = vector.shape_cast %swap3A_365 : vector<1x16xi32> to vector<16xi32>
        %swap3A_367 = vector.shape_cast %get3A_358 : vector<16xi32> to vector<1x16xi32>
        tpu.vector_store %arg7[%swap3A_363, %swap3A_364], %swap3A_367 {strides = array<i32>} : memref<4x128xi32, #tpu.memory_space<vmem>>, vector<1x16xi32>,
        %get3A_368 = arith.constant 1 : i32
        %get3A_369 = arith.index_cast %sub3A_254 : i32 to index
        %get3A_370 = arith.index_cast %get3A_368 : i32 to index
        %get3A_371 = arith.constant 16 : index
        %get3A_372 = tpu.vector_load %arg6[%get3A_369, %get3A_370, %get3A_371] {strides = array<i32>} : memref<2x2x256xi32, #tpu.memory_space<vmem>>, vector<1x1x16xi32>,
        %get3A_373 = vector.shape_cast %get3A_372 : vector<1x1x16xi32> to vector<16xi32>
        %mul3A_374 = arith.constant 2 : i32
        %mul3A_375 = arith.muli %mul3A_374, %sub3A_254 : i32
        %swap3A_376 = arith.index_cast %mul3A_375 : i32 to index
        %swap3A_377 = arith.constant 16 : index
        %swap3A_378 = tpu.vector_load %arg7[%swap3A_376, %swap3A_377] {strides = array<i32>} : memref<4x128xi32, #tpu.memory_space<vmem>>, vector<1x16xi32>,
        %swap3A_379 = vector.shape_cast %swap3A_378 : vector<1x16xi32> to vector<16xi32>
        %swap3A_380 = vector.shape_cast %get3A_373 : vector<16xi32> to vector<1x16xi32>
        tpu.vector_store %arg7[%swap3A_376, %swap3A_377], %swap3A_380 {strides = array<i32>} : memref<4x128xi32, #tpu.memory_space<vmem>>, vector<1x16xi32>,
        %get3A_381 = arith.constant 1 : i32
        %get3A_382 = arith.index_cast %sub3A_254 : i32 to index
        %get3A_383 = arith.index_cast %get3A_381 : i32 to index
        %get3A_384 = arith.constant 144 : index
        %get3A_385 = tpu.vector_load %arg6[%get3A_382, %get3A_383, %get3A_384] {strides = array<i32>} : memref<2x2x256xi32, #tpu.memory_space<vmem>>, vector<1x1x16xi32>,
        %get3A_386 = vector.shape_cast %get3A_385 : vector<1x1x16xi32> to vector<16xi32>
        %mul3A_387 = arith.constant 2 : i32
        %mul3A_388 = arith.muli %mul3A_387, %sub3A_254 : i32
        %add3A_389 = arith.constant 1 : i32
        %add3A_390 = arith.addi %mul3A_388, %add3A_389 : i32
        %swap3A_391 = arith.index_cast %add3A_390 : i32 to index
        %swap3A_392 = arith.constant 16 : index
        %swap3A_393 = tpu.vector_load %arg7[%swap3A_391, %swap3A_392] {strides = array<i32>} : memref<4x128xi32, #tpu.memory_space<vmem>>, vector<1x16xi32>,
        %swap3A_394 = vector.shape_cast %swap3A_393 : vector<1x16xi32> to vector<16xi32>
        %swap3A_395 = vector.shape_cast %get3A_386 : vector<16xi32> to vector<1x16xi32>
        tpu.vector_store %arg7[%swap3A_391, %swap3A_392], %swap3A_395 {strides = array<i32>} : memref<4x128xi32, #tpu.memory_space<vmem>>, vector<1x16xi32>,
        %get3A_396 = arith.constant 1 : i32
        %get3A_397 = arith.index_cast %sub3A_254 : i32 to index
        %get3A_398 = arith.index_cast %get3A_396 : i32 to index
        %get3A_399 = arith.constant 32 : index
        %get3A_400 = tpu.vector_load %arg6[%get3A_397, %get3A_398, %get3A_399] {strides = array<i32>} : memref<2x2x256xi32, #tpu.memory_space<vmem>>, vector<1x1x16xi32>,
        %get3A_401 = vector.shape_cast %get3A_400 : vector<1x1x16xi32> to vector<16xi32>
        %mul3A_402 = arith.constant 2 : i32
        %mul3A_403 = arith.muli %mul3A_402, %sub3A_254 : i32
        %swap3A_404 = arith.index_cast %mul3A_403 : i32 to index
        %swap3A_405 = arith.constant 32 : index
        %swap3A_406 = tpu.vector_load %arg7[%swap3A_404, %swap3A_405] {strides = array<i32>} : memref<4x128xi32, #tpu.memory_space<vmem>>, vector<1x16xi32>,
        %swap3A_407 = vector.shape_cast %swap3A_406 : vector<1x16xi32> to vector<16xi32>
        %swap3A_408 = vector.shape_cast %get3A_401 : vector<16xi32> to vector<1x16xi32>
        tpu.vector_store %arg7[%swap3A_404, %swap3A_405], %swap3A_408 {strides = array<i32>} : memref<4x128xi32, #tpu.memory_space<vmem>>, vector<1x16xi32>,
        %get3A_409 = arith.constant 1 : i32
        %get3A_410 = arith.index_cast %sub3A_254 : i32 to index
        %get3A_411 = arith.index_cast %get3A_409 : i32 to index
        %get3A_412 = arith.constant 160 : index
        %get3A_413 = tpu.vector_load %arg6[%get3A_410, %get3A_411, %get3A_412] {strides = array<i32>} : memref<2x2x256xi32, #tpu.memory_space<vmem>>, vector<1x1x16xi32>,
        %get3A_414 = vector.shape_cast %get3A_413 : vector<1x1x16xi32> to vector<16xi32>
        %mul3A_415 = arith.constant 2 : i32
        %mul3A_416 = arith.muli %mul3A_415, %sub3A_254 : i32
        %add3A_417 = arith.constant 1 : i32
        %add3A_418 = arith.addi %mul3A_416, %add3A_417 : i32
        %swap3A_419 = arith.index_cast %add3A_418 : i32 to index
        %swap3A_420 = arith.constant 32 : index
        %swap3A_421 = tpu.vector_load %arg7[%swap3A_419, %swap3A_420] {strides = array<i32>} : memref<4x128xi32, #tpu.memory_space<vmem>>, vector<1x16xi32>,
        %swap3A_422 = vector.shape_cast %swap3A_421 : vector<1x16xi32> to vector<16xi32>
        %swap3A_423 = vector.shape_cast %get3A_414 : vector<16xi32> to vector<1x16xi32>
        tpu.vector_store %arg7[%swap3A_419, %swap3A_420], %swap3A_423 {strides = array<i32>} : memref<4x128xi32, #tpu.memory_space<vmem>>, vector<1x16xi32>,
        %get3A_424 = arith.constant 1 : i32
        %get3A_425 = arith.index_cast %sub3A_254 : i32 to index
        %get3A_426 = arith.index_cast %get3A_424 : i32 to index
        %get3A_427 = arith.constant 48 : index
        %get3A_428 = tpu.vector_load %arg6[%get3A_425, %get3A_426, %get3A_427] {strides = array<i32>} : memref<2x2x256xi32, #tpu.memory_space<vmem>>, vector<1x1x16xi32>,
        %get3A_429 = vector.shape_cast %get3A_428 : vector<1x1x16xi32> to vector<16xi32>
        %mul3A_430 = arith.constant 2 : i32
        %mul3A_431 = arith.muli %mul3A_430, %sub3A_254 : i32
        %swap3A_432 = arith.index_cast %mul3A_431 : i32 to index
        %swap3A_433 = arith.constant 48 : index
        %swap3A_434 = tpu.vector_load %arg7[%swap3A_432, %swap3A_433] {strides = array<i32>} : memref<4x128xi32, #tpu.memory_space<vmem>>, vector<1x16xi32>,
        %swap3A_435 = vector.shape_cast %swap3A_434 : vector<1x16xi32> to vector<16xi32>
        %swap3A_436 = vector.shape_cast %get3A_429 : vector<16xi32> to vector<1x16xi32>
        tpu.vector_store %arg7[%swap3A_432, %swap3A_433], %swap3A_436 {strides = array<i32>} : memref<4x128xi32, #tpu.memory_space<vmem>>, vector<1x16xi32>,
        %get3A_437 = arith.constant 1 : i32
        %get3A_438 = arith.index_cast %sub3A_254 : i32 to index
        %get3A_439 = arith.index_cast %get3A_437 : i32 to index
        %get3A_440 = arith.constant 176 : index
        %get3A_441 = tpu.vector_load %arg6[%get3A_438, %get3A_439, %get3A_440] {strides = array<i32>} : memref<2x2x256xi32, #tpu.memory_space<vmem>>, vector<1x1x16xi32>,
        %get3A_442 = vector.shape_cast %get3A_441 : vector<1x1x16xi32> to vector<16xi32>
        %mul3A_443 = arith.constant 2 : i32
        %mul3A_444 = arith.muli %mul3A_443, %sub3A_254 : i32
        %add3A_445 = arith.constant 1 : i32
        %add3A_446 = arith.addi %mul3A_444, %add3A_445 : i32
        %swap3A_447 = arith.index_cast %add3A_446 : i32 to index
        %swap3A_448 = arith.constant 48 : index
        %swap3A_449 = tpu.vector_load %arg7[%swap3A_447, %swap3A_448] {strides = array<i32>} : memref<4x128xi32, #tpu.memory_space<vmem>>, vector<1x16xi32>,
        %swap3A_450 = vector.shape_cast %swap3A_449 : vector<1x16xi32> to vector<16xi32>
        %swap3A_451 = vector.shape_cast %get3A_442 : vector<16xi32> to vector<1x16xi32>
        tpu.vector_store %arg7[%swap3A_447, %swap3A_448], %swap3A_451 {strides = array<i32>} : memref<4x128xi32, #tpu.memory_space<vmem>>, vector<1x16xi32>,
        %get3A_452 = arith.constant 1 : i32
        %get3A_453 = arith.index_cast %sub3A_254 : i32 to index
        %get3A_454 = arith.index_cast %get3A_452 : i32 to index
        %get3A_455 = arith.constant 64 : index
        %get3A_456 = tpu.vector_load %arg6[%get3A_453, %get3A_454, %get3A_455] {strides = array<i32>} : memref<2x2x256xi32, #tpu.memory_space<vmem>>, vector<1x1x16xi32>,
        %get3A_457 = vector.shape_cast %get3A_456 : vector<1x1x16xi32> to vector<16xi32>
        %mul3A_458 = arith.constant 2 : i32
        %mul3A_459 = arith.muli %mul3A_458, %sub3A_254 : i32
        %swap3A_460 = arith.index_cast %mul3A_459 : i32 to index
        %swap3A_461 = arith.constant 64 : index
        %swap3A_462 = tpu.vector_load %arg7[%swap3A_460, %swap3A_461] {strides = array<i32>} : memref<4x128xi32, #tpu.memory_space<vmem>>, vector<1x16xi32>,
        %swap3A_463 = vector.shape_cast %swap3A_462 : vector<1x16xi32> to vector<16xi32>
        %swap3A_464 = vector.shape_cast %get3A_457 : vector<16xi32> to vector<1x16xi32>
        tpu.vector_store %arg7[%swap3A_460, %swap3A_461], %swap3A_464 {strides = array<i32>} : memref<4x128xi32, #tpu.memory_space<vmem>>, vector<1x16xi32>,
        %get3A_465 = arith.constant 1 : i32
        %get3A_466 = arith.index_cast %sub3A_254 : i32 to index
        %get3A_467 = arith.index_cast %get3A_465 : i32 to index
        %get3A_468 = arith.constant 192 : index
        %get3A_469 = tpu.vector_load %arg6[%get3A_466, %get3A_467, %get3A_468] {strides = array<i32>} : memref<2x2x256xi32, #tpu.memory_space<vmem>>, vector<1x1x16xi32>,
        %get3A_470 = vector.shape_cast %get3A_469 : vector<1x1x16xi32> to vector<16xi32>
        %mul3A_471 = arith.constant 2 : i32
        %mul3A_472 = arith.muli %mul3A_471, %sub3A_254 : i32
        %add3A_473 = arith.constant 1 : i32
        %add3A_474 = arith.addi %mul3A_472, %add3A_473 : i32
        %swap3A_475 = arith.index_cast %add3A_474 : i32 to index
        %swap3A_476 = arith.constant 64 : index
        %swap3A_477 = tpu.vector_load %arg7[%swap3A_475, %swap3A_476] {strides = array<i32>} : memref<4x128xi32, #tpu.memory_space<vmem>>, vector<1x16xi32>,
        %swap3A_478 = vector.shape_cast %swap3A_477 : vector<1x16xi32> to vector<16xi32>
        %swap3A_479 = vector.shape_cast %get3A_470 : vector<16xi32> to vector<1x16xi32>
        tpu.vector_store %arg7[%swap3A_475, %swap3A_476], %swap3A_479 {strides = array<i32>} : memref<4x128xi32, #tpu.memory_space<vmem>>, vector<1x16xi32>,
        %get3A_480 = arith.constant 1 : i32
        %get3A_481 = arith.index_cast %sub3A_254 : i32 to index
        %get3A_482 = arith.index_cast %get3A_480 : i32 to index
        %get3A_483 = arith.constant 80 : index
        %get3A_484 = tpu.vector_load %arg6[%get3A_481, %get3A_482, %get3A_483] {strides = array<i32>} : memref<2x2x256xi32, #tpu.memory_space<vmem>>, vector<1x1x16xi32>,
        %get3A_485 = vector.shape_cast %get3A_484 : vector<1x1x16xi32> to vector<16xi32>
        %mul3A_486 = arith.constant 2 : i32
        %mul3A_487 = arith.muli %mul3A_486, %sub3A_254 : i32
        %swap3A_488 = arith.index_cast %mul3A_487 : i32 to index
        %swap3A_489 = arith.constant 80 : index
        %swap3A_490 = tpu.vector_load %arg7[%swap3A_488, %swap3A_489] {strides = array<i32>} : memref<4x128xi32, #tpu.memory_space<vmem>>, vector<1x16xi32>,
        %swap3A_491 = vector.shape_cast %swap3A_490 : vector<1x16xi32> to vector<16xi32>
        %swap3A_492 = vector.shape_cast %get3A_485 : vector<16xi32> to vector<1x16xi32>
        tpu.vector_store %arg7[%swap3A_488, %swap3A_489], %swap3A_492 {strides = array<i32>} : memref<4x128xi32, #tpu.memory_space<vmem>>, vector<1x16xi32>,
        %get3A_493 = arith.constant 1 : i32
        %get3A_494 = arith.index_cast %sub3A_254 : i32 to index
        %get3A_495 = arith.index_cast %get3A_493 : i32 to index
        %get3A_496 = arith.constant 208 : index
        %get3A_497 = tpu.vector_load %arg6[%get3A_494, %get3A_495, %get3A_496] {strides = array<i32>} : memref<2x2x256xi32, #tpu.memory_space<vmem>>, vector<1x1x16xi32>,
        %get3A_498 = vector.shape_cast %get3A_497 : vector<1x1x16xi32> to vector<16xi32>
        %mul3A_499 = arith.constant 2 : i32
        %mul3A_500 = arith.muli %mul3A_499, %sub3A_254 : i32
        %add3A_501 = arith.constant 1 : i32
        %add3A_502 = arith.addi %mul3A_500, %add3A_501 : i32
        %swap3A_503 = arith.index_cast %add3A_502 : i32 to index
        %swap3A_504 = arith.constant 80 : index
        %swap3A_505 = tpu.vector_load %arg7[%swap3A_503, %swap3A_504] {strides = array<i32>} : memref<4x128xi32, #tpu.memory_space<vmem>>, vector<1x16xi32>,
        %swap3A_506 = vector.shape_cast %swap3A_505 : vector<1x16xi32> to vector<16xi32>
        %swap3A_507 = vector.shape_cast %get3A_498 : vector<16xi32> to vector<1x16xi32>
        tpu.vector_store %arg7[%swap3A_503, %swap3A_504], %swap3A_507 {strides = array<i32>} : memref<4x128xi32, #tpu.memory_space<vmem>>, vector<1x16xi32>,
        %get3A_508 = arith.constant 1 : i32
        %get3A_509 = arith.index_cast %sub3A_254 : i32 to index
        %get3A_510 = arith.index_cast %get3A_508 : i32 to index
        %get3A_511 = arith.constant 96 : index
        %get3A_512 = tpu.vector_load %arg6[%get3A_509, %get3A_510, %get3A_511] {strides = array<i32>} : memref<2x2x256xi32, #tpu.memory_space<vmem>>, vector<1x1x16xi32>,
        %get3A_513 = vector.shape_cast %get3A_512 : vector<1x1x16xi32> to vector<16xi32>
        %mul3A_514 = arith.constant 2 : i32
        %mul3A_515 = arith.muli %mul3A_514, %sub3A_254 : i32
        %swap3A_516 = arith.index_cast %mul3A_515 : i32 to index
        %swap3A_517 = arith.constant 96 : index
        %swap3A_518 = tpu.vector_load %arg7[%swap3A_516, %swap3A_517] {strides = array<i32>} : memref<4x128xi32, #tpu.memory_space<vmem>>, vector<1x16xi32>,
        %swap3A_519 = vector.shape_cast %swap3A_518 : vector<1x16xi32> to vector<16xi32>
        %swap3A_520 = vector.shape_cast %get3A_513 : vector<16xi32> to vector<1x16xi32>
        tpu.vector_store %arg7[%swap3A_516, %swap3A_517], %swap3A_520 {strides = array<i32>} : memref<4x128xi32, #tpu.memory_space<vmem>>, vector<1x16xi32>,
        %get3A_521 = arith.constant 1 : i32
        %get3A_522 = arith.index_cast %sub3A_254 : i32 to index
        %get3A_523 = arith.index_cast %get3A_521 : i32 to index
        %get3A_524 = arith.constant 224 : index
        %get3A_525 = tpu.vector_load %arg6[%get3A_522, %get3A_523, %get3A_524] {strides = array<i32>} : memref<2x2x256xi32, #tpu.memory_space<vmem>>, vector<1x1x16xi32>,
        %get3A_526 = vector.shape_cast %get3A_525 : vector<1x1x16xi32> to vector<16xi32>
        %mul3A_527 = arith.constant 2 : i32
        %mul3A_528 = arith.muli %mul3A_527, %sub3A_254 : i32
        %add3A_529 = arith.constant 1 : i32
        %add3A_530 = arith.addi %mul3A_528, %add3A_529 : i32
        %swap3A_531 = arith.index_cast %add3A_530 : i32 to index
        %swap3A_532 = arith.constant 96 : index
        %swap3A_533 = tpu.vector_load %arg7[%swap3A_531, %swap3A_532] {strides = array<i32>} : memref<4x128xi32, #tpu.memory_space<vmem>>, vector<1x16xi32>,
        %swap3A_534 = vector.shape_cast %swap3A_533 : vector<1x16xi32> to vector<16xi32>
        %swap3A_535 = vector.shape_cast %get3A_526 : vector<16xi32> to vector<1x16xi32>
        tpu.vector_store %arg7[%swap3A_531, %swap3A_532], %swap3A_535 {strides = array<i32>} : memref<4x128xi32, #tpu.memory_space<vmem>>, vector<1x16xi32>,
        %get3A_536 = arith.constant 1 : i32
        %get3A_537 = arith.index_cast %sub3A_254 : i32 to index
        %get3A_538 = arith.index_cast %get3A_536 : i32 to index
        %get3A_539 = arith.constant 112 : index
        %get3A_540 = tpu.vector_load %arg6[%get3A_537, %get3A_538, %get3A_539] {strides = array<i32>} : memref<2x2x256xi32, #tpu.memory_space<vmem>>, vector<1x1x16xi32>,
        %get3A_541 = vector.shape_cast %get3A_540 : vector<1x1x16xi32> to vector<16xi32>
        %mul3A_542 = arith.constant 2 : i32
        %mul3A_543 = arith.muli %mul3A_542, %sub3A_254 : i32
        %swap3A_544 = arith.index_cast %mul3A_543 : i32 to index
        %swap3A_545 = arith.constant 112 : index
        %swap3A_546 = tpu.vector_load %arg7[%swap3A_544, %swap3A_545] {strides = array<i32>} : memref<4x128xi32, #tpu.memory_space<vmem>>, vector<1x16xi32>,
        %swap3A_547 = vector.shape_cast %swap3A_546 : vector<1x16xi32> to vector<16xi32>
        %swap3A_548 = vector.shape_cast %get3A_541 : vector<16xi32> to vector<1x16xi32>
        tpu.vector_store %arg7[%swap3A_544, %swap3A_545], %swap3A_548 {strides = array<i32>} : memref<4x128xi32, #tpu.memory_space<vmem>>, vector<1x16xi32>,
        %get3A_549 = arith.constant 1 : i32
        %get3A_550 = arith.index_cast %sub3A_254 : i32 to index
        %get3A_551 = arith.index_cast %get3A_549 : i32 to index
        %get3A_552 = arith.constant 240 : index
        %get3A_553 = tpu.vector_load %arg6[%get3A_550, %get3A_551, %get3A_552] {strides = array<i32>} : memref<2x2x256xi32, #tpu.memory_space<vmem>>, vector<1x1x16xi32>,
        %get3A_554 = vector.shape_cast %get3A_553 : vector<1x1x16xi32> to vector<16xi32>
        %mul3A_555 = arith.constant 2 : i32
        %mul3A_556 = arith.muli %mul3A_555, %sub3A_254 : i32
        %add3A_557 = arith.constant 1 : i32
        %add3A_558 = arith.addi %mul3A_556, %add3A_557 : i32
        %swap3A_559 = arith.index_cast %add3A_558 : i32 to index
        %swap3A_560 = arith.constant 112 : index
        %swap3A_561 = tpu.vector_load %arg7[%swap3A_559, %swap3A_560] {strides = array<i32>} : memref<4x128xi32, #tpu.memory_space<vmem>>, vector<1x16xi32>,
        %swap3A_562 = vector.shape_cast %swap3A_561 : vector<1x16xi32> to vector<16xi32>
        %swap3A_563 = vector.shape_cast %get3A_554 : vector<16xi32> to vector<1x16xi32>
        tpu.vector_store %arg7[%swap3A_559, %swap3A_560], %swap3A_563 {strides = array<i32>} : memref<4x128xi32, #tpu.memory_space<vmem>>, vector<1x16xi32>,
        %dma_start3A_564 = arith.constant 0 : i32
        %dma_start3A_565 = arith.constant 0 : i32
        %dma_start3A_566 = arith.constant 0 : i32
        %dma_start3A_567 = arith.constant 0 : i32
        %dma_start3A_568 = tpu.memref_slice %arg9[%dma_start3A_565, %dma_start3A_566, %dma_start3A_567] : memref<2x128x128xf32, #tpu.memory_space<vmem>> -> memref<1x128x128xf32, #tpu.memory_space<vmem>>
        %dma_start3A_569 = tpu.memref_squeeze %dma_start3A_568 : memref<1x128x128xf32, #tpu.memory_space<vmem>> -> memref<128x128xf32, #tpu.memory_space<vmem>>
        %dma_start3A_570 = arith.constant 0 : i32
        %dma_start3A_571 = tpu.memref_slice %arg6[%sub3A_254, %dma_start3A_564, %dma_start3A_570] : memref<2x2x256xi32, #tpu.memory_space<vmem>> -> memref<1x1x128xi32, #tpu.memory_space<vmem>>
        %dma_start3A_572 = tpu.memref_squeeze %dma_start3A_571 : memref<1x1x128xi32, #tpu.memory_space<vmem>> -> memref<128xi32, #tpu.memory_space<vmem>>
        %dma_start3A_573 = arith.constant 0 : i32
        %dma_start3A_574 = arith.constant 0 : i32
        %dma_start3A_575 = tpu.memref_slice %arg2[%arg0, %dma_start3A_573, %dma_start3A_574] : memref<2x10240x128xf32, #tpu.memory_space<hbm>> -> memref<1x10240x128xf32, #tpu.memory_space<hbm>>
        %dma_start3A_576 = tpu.memref_squeeze %dma_start3A_575 : memref<1x10240x128xf32, #tpu.memory_space<hbm>> -> memref<10240x128xf32, #tpu.memory_space<hbm>>
        %dma_start3A_577 = arith.constant 0 : i32
        %dma_start3A_578 = arith.constant 0 : i32
        %dma_start3A_579 = tpu.memref_slice %dma_start3A_576[%dma_start3A_577, %dma_start3A_578] : memref<10240x128xf32, #tpu.memory_space<hbm>> -> memref<10240x128xf32, #tpu.memory_space<hbm>>
        tpu.enqueue_indirect_dma source(%dma_start3A_579 : memref<10240x128xf32, #tpu.memory_space<hbm>>) target(%dma_start3A_569 : memref<128x128xf32, #tpu.memory_space<vmem>>) offsets(%dma_start3A_572 : memref<128xi32, #tpu.memory_space<vmem>>) semaphore(%arg10 : memref<!tpu.dma_semaphore, #tpu.memory_space<semaphore_mem>>)
      } else {
      }
      %dma_wait3A_300 = arith.constant 0 : i32
      %dma_wait3A_301 = arith.constant 1 : i32
      %dma_wait3A_302 = arith.constant 0 : i32
      %dma_wait3A_303 = arith.constant 0 : i32
      %dma_wait3A_304 = tpu.memref_slice %arg9[%dma_wait3A_301, %dma_wait3A_302, %dma_wait3A_303] : memref<2x128x128xf32, #tpu.memory_space<vmem>> -> memref<1x128x128xf32, #tpu.memory_space<vmem>>
      %dma_wait3A_305 = tpu.memref_squeeze %dma_wait3A_304 : memref<1x128x128xf32, #tpu.memory_space<vmem>> -> memref<128x128xf32, #tpu.memory_space<vmem>>
      %dma_wait3A_306 = arith.constant 128 : i32
      %dma_wait3A_307 = tpu.memref_slice %arg6[%select_n3A_253, %dma_wait3A_300, %dma_wait3A_306] : memref<2x2x256xi32, #tpu.memory_space<vmem>> -> memref<1x1x128xi32, #tpu.memory_space<vmem>>
      %dma_wait3A_308 = tpu.memref_squeeze %dma_wait3A_307 : memref<1x1x128xi32, #tpu.memory_space<vmem>> -> memref<128xi32, #tpu.memory_space<vmem>>
      %dma_wait3A_309 = arith.constant 0 : i32
      %dma_wait3A_310 = arith.constant 0 : i32
      %dma_wait3A_311 = tpu.memref_slice %arg2[%arg0, %dma_wait3A_309, %dma_wait3A_310] : memref<2x10240x128xf32, #tpu.memory_space<hbm>> -> memref<1x10240x128xf32, #tpu.memory_space<hbm>>
      %dma_wait3A_312 = tpu.memref_squeeze %dma_wait3A_311 : memref<1x10240x128xf32, #tpu.memory_space<hbm>> -> memref<10240x128xf32, #tpu.memory_space<hbm>>
      %dma_wait3A_313 = arith.constant 0 : i32
      %dma_wait3A_314 = arith.constant 0 : i32
      %dma_wait3A_315 = tpu.memref_slice %dma_wait3A_312[%dma_wait3A_313, %dma_wait3A_314] : memref<10240x128xf32, #tpu.memory_space<hbm>> -> memref<10240x128xf32, #tpu.memory_space<hbm>>
      tpu.wait_indirect_dma semaphore(%arg11 : memref<!tpu.dma_semaphore, #tpu.memory_space<semaphore_mem>>) src(%dma_wait3A_315 : memref<10240x128xf32, #tpu.memory_space<hbm>>) dst(%dma_wait3A_305 : memref<128x128xf32, #tpu.memory_space<vmem>>)
      %mul3A_316 = arith.constant 2 : i32
      %mul3A_317 = arith.muli %mul3A_316, %select_n3A_253 : i32
      %add3A_318 = arith.constant 1 : i32
      %add3A_319 = arith.addi %mul3A_317, %add3A_318 : i32
      %run_scoped3A_320 = arith.constant 1 : i32
      "tpu.region"() ({
        %run_scoped3A_321 = tpu.sem_alloc : memref<!tpu.dma_semaphore, #tpu.memory_space<semaphore_mem>>
        %dma_start3A_322 = arith.constant 0 : i32
        %dma_start3A_323 = arith.constant 0 : i32
        %dma_start3A_324 = tpu.memref_slice %arg9[%run_scoped3A_320, %dma_start3A_322, %dma_start3A_323] : memref<2x128x128xf32, #tpu.memory_space<vmem>> -> memref<1x128x128xf32, #tpu.memory_space<vmem>>
        %dma_start3A_325 = tpu.memref_squeeze %dma_start3A_324 : memref<1x128x128xf32, #tpu.memory_space<vmem>> -> memref<128x128xf32, #tpu.memory_space<vmem>>
        %dma_start3A_326 = arith.constant 0 : i32
        %dma_start3A_327 = tpu.memref_slice %arg7[%add3A_319, %dma_start3A_326] : memref<4x128xi32, #tpu.memory_space<vmem>> -> memref<1x128xi32, #tpu.memory_space<vmem>>
        %dma_start3A_328 = tpu.memref_squeeze %dma_start3A_327 : memref<1x128xi32, #tpu.memory_space<vmem>> -> memref<128xi32, #tpu.memory_space<vmem>>
        %dma_start3A_329 = arith.constant 0 : i32
        %dma_start3A_330 = arith.constant 0 : i32
        %dma_start3A_331 = tpu.memref_slice %arg5[%dma_start3A_329, %dma_start3A_330] : memref<10240x128xf32, #tpu.memory_space<vmem_shared>> -> memref<10240x128xf32, #tpu.memory_space<vmem_shared>>
        tpu.enqueue_indirect_dma source(%dma_start3A_325 : memref<128x128xf32, #tpu.memory_space<vmem>>) target(%dma_start3A_331 : memref<10240x128xf32, #tpu.memory_space<vmem_shared>>) offsets(%dma_start3A_328 : memref<128xi32, #tpu.memory_space<vmem>>) semaphore(%run_scoped3A_321 : memref<!tpu.dma_semaphore, #tpu.memory_space<semaphore_mem>>) {add = true}
        %dma_wait3A_332 = arith.constant 0 : i32
        %dma_wait3A_333 = arith.constant 0 : i32
        %dma_wait3A_334 = tpu.memref_slice %arg9[%run_scoped3A_320, %dma_wait3A_332, %dma_wait3A_333] : memref<2x128x128xf32, #tpu.memory_space<vmem>> -> memref<1x128x128xf32, #tpu.memory_space<vmem>>
        %dma_wait3A_335 = tpu.memref_squeeze %dma_wait3A_334 : memref<1x128x128xf32, #tpu.memory_space<vmem>> -> memref<128x128xf32, #tpu.memory_space<vmem>>
        %dma_wait3A_336 = arith.constant 0 : i32
        %dma_wait3A_337 = tpu.memref_slice %arg7[%add3A_319, %dma_wait3A_336] : memref<4x128xi32, #tpu.memory_space<vmem>> -> memref<1x128xi32, #tpu.memory_space<vmem>>
        %dma_wait3A_338 = tpu.memref_squeeze %dma_wait3A_337 : memref<1x128xi32, #tpu.memory_space<vmem>> -> memref<128xi32, #tpu.memory_space<vmem>>
        %dma_wait3A_339 = arith.constant 0 : i32
        %dma_wait3A_340 = arith.constant 0 : i32
        %dma_wait3A_341 = tpu.memref_slice %arg5[%dma_wait3A_339, %dma_wait3A_340] : memref<10240x128xf32, #tpu.memory_space<vmem_shared>> -> memref<10240x128xf32, #tpu.memory_space<vmem_shared>>
        tpu.wait_indirect_dma semaphore(%run_scoped3A_321 : memref<!tpu.dma_semaphore, #tpu.memory_space<semaphore_mem>>) src(%dma_wait3A_335 : memref<128x128xf32, #tpu.memory_space<vmem>>) dst(%dma_wait3A_341 : memref<10240x128xf32, #tpu.memory_space<vmem_shared>>)
        tpu.yield
      }) : () -> ()
    }
    %scan3A_240 = arith.constant 39 : i32
    %lt3A = arith.constant 2 : i32
    %lt3A_241 = arith.cmpi slt, %arg1, %lt3A : i32
    %convert_element_type3A = arith.extui %lt3A_241 : i1 to i32
    %cond3A = arith.constant 0 : i32
    %cond3A_242 = arith.cmpi ne, %convert_element_type3A, %cond3A : i32
    scf.if %cond3A_242 {
      %add3A = arith.constant 1248 : i32
      %add3A_244 = arith.addi %add3A, %arg1 : i32
      %mul3A_245 = arith.constant 128 : i32
      %mul3A_246 = arith.muli %add3A_244, %mul3A_245 : i32
      "tpu.region"() ({
        %run_scoped3A_369 = tpu.sem_alloc : memref<!tpu.dma_semaphore, #tpu.memory_space<semaphore_mem>>
        %dma_start3A_370 = arith.constant 0 : i32
        %dma_start3A_371 = tpu.memref_slice %arg3[%dma_start3A_370, %mul3A_246] : memref<2x160000xi32, #tpu.memory_space<hbm>> -> memref<2x128xi32, #tpu.memory_space<hbm>>
        %dma_start3A_372 = arith.constant 0 : i32
        %dma_start3A_373 = tpu.memref_slice %arg3[%dma_start3A_372, %mul3A_246] : memref<2x160000xi32, #tpu.memory_space<hbm>> -> memref<2x128xi32, #tpu.memory_space<hbm>>
        tpu.enqueue_dma source(%dma_start3A_373 : memref<2x128xi32, #tpu.memory_space<hbm>>) target(%arg8 : memref<2x128xi32, #tpu.memory_space<vmem>>) target_semaphore(%run_scoped3A_369 : memref<!tpu.dma_semaphore, #tpu.memory_space<semaphore_mem>>)
        %dma_wait3A_374 = arith.constant 0 : i32
        %dma_wait3A_375 = tpu.memref_slice %arg3[%dma_wait3A_374, %mul3A_246] : memref<2x160000xi32, #tpu.memory_space<hbm>> -> memref<2x128xi32, #tpu.memory_space<hbm>>
        %dma_wait3A_376 = arith.constant 0 : i32
        %dma_wait3A_377 = tpu.memref_slice %arg3[%dma_wait3A_376, %mul3A_246] : memref<2x160000xi32, #tpu.memory_space<hbm>> -> memref<2x128xi32, #tpu.memory_space<hbm>>
        tpu.wait_dma2 semaphore(%run_scoped3A_369 : memref<!tpu.dma_semaphore, #tpu.memory_space<semaphore_mem>>) src(%dma_wait3A_377 : memref<2x128xi32, #tpu.memory_space<hbm>>) dst(%arg8 : memref<2x128xi32, #tpu.memory_space<vmem>>)
        tpu.yield
      }) : () -> ()
      %get3A_247 = arith.constant 1 : i32
      %get3A_248 = arith.index_cast %get3A_247 : i32 to index
      %get3A_249 = arith.constant 0 : index
      %get3A_250 = tpu.vector_load %arg8[%get3A_248, %get3A_249] {strides = array<i32>} : memref<2x128xi32, #tpu.memory_space<vmem>>, vector<1x16xi32>,
      %get3A_251 = vector.shape_cast %get3A_250 : vector<1x16xi32> to vector<16xi32>
      %swap3A_252 = arith.constant 0 : i32
      %swap3A_253 = arith.index_cast %swap3A_252 : i32 to index
      %swap3A_254 = arith.constant 0 : index
      %swap3A_255 = tpu.vector_load %arg7[%swap3A_253, %swap3A_254] {strides = array<i32>} : memref<4x128xi32, #tpu.memory_space<vmem>>, vector<1x16xi32>,
      %swap3A_256 = vector.shape_cast %swap3A_255 : vector<1x16xi32> to vector<16xi32>
      %swap3A_257 = vector.shape_cast %get3A_251 : vector<16xi32> to vector<1x16xi32>
      tpu.vector_store %arg7[%swap3A_253, %swap3A_254], %swap3A_257 {strides = array<i32>} : memref<4x128xi32, #tpu.memory_space<vmem>>, vector<1x16xi32>,
      %get3A_258 = arith.constant 1 : i32
      %get3A_259 = arith.index_cast %get3A_258 : i32 to index
      %get3A_260 = arith.constant 16 : index
      %get3A_261 = tpu.vector_load %arg8[%get3A_259, %get3A_260] {strides = array<i32>} : memref<2x128xi32, #tpu.memory_space<vmem>>, vector<1x16xi32>,
      %get3A_262 = vector.shape_cast %get3A_261 : vector<1x16xi32> to vector<16xi32>
      %swap3A_263 = arith.constant 0 : i32
      %swap3A_264 = arith.index_cast %swap3A_263 : i32 to index
      %swap3A_265 = arith.constant 16 : index
      %swap3A_266 = tpu.vector_load %arg7[%swap3A_264, %swap3A_265] {strides = array<i32>} : memref<4x128xi32, #tpu.memory_space<vmem>>, vector<1x16xi32>,
      %swap3A_267 = vector.shape_cast %swap3A_266 : vector<1x16xi32> to vector<16xi32>
      %swap3A_268 = vector.shape_cast %get3A_262 : vector<16xi32> to vector<1x16xi32>
      tpu.vector_store %arg7[%swap3A_264, %swap3A_265], %swap3A_268 {strides = array<i32>} : memref<4x128xi32, #tpu.memory_space<vmem>>, vector<1x16xi32>,
      %get3A_269 = arith.constant 1 : i32
      %get3A_270 = arith.index_cast %get3A_269 : i32 to index
      %get3A_271 = arith.constant 32 : index
      %get3A_272 = tpu.vector_load %arg8[%get3A_270, %get3A_271] {strides = array<i32>} : memref<2x128xi32, #tpu.memory_space<vmem>>, vector<1x16xi32>,
      %get3A_273 = vector.shape_cast %get3A_272 : vector<1x16xi32> to vector<16xi32>
      %swap3A_274 = arith.constant 0 : i32
      %swap3A_275 = arith.index_cast %swap3A_274 : i32 to index
      %swap3A_276 = arith.constant 32 : index
      %swap3A_277 = tpu.vector_load %arg7[%swap3A_275, %swap3A_276] {strides = array<i32>} : memref<4x128xi32, #tpu.memory_space<vmem>>, vector<1x16xi32>,
      %swap3A_278 = vector.shape_cast %swap3A_277 : vector<1x16xi32> to vector<16xi32>
      %swap3A_279 = vector.shape_cast %get3A_273 : vector<16xi32> to vector<1x16xi32>
      tpu.vector_store %arg7[%swap3A_275, %swap3A_276], %swap3A_279 {strides = array<i32>} : memref<4x128xi32, #tpu.memory_space<vmem>>, vector<1x16xi32>,
      %get3A_280 = arith.constant 1 : i32
      %get3A_281 = arith.index_cast %get3A_280 : i32 to index
      %get3A_282 = arith.constant 48 : index
      %get3A_283 = tpu.vector_load %arg8[%get3A_281, %get3A_282] {strides = array<i32>} : memref<2x128xi32, #tpu.memory_space<vmem>>, vector<1x16xi32>,
      %get3A_284 = vector.shape_cast %get3A_283 : vector<1x16xi32> to vector<16xi32>
      %swap3A_285 = arith.constant 0 : i32
      %swap3A_286 = arith.index_cast %swap3A_285 : i32 to index
      %swap3A_287 = arith.constant 48 : index
      %swap3A_288 = tpu.vector_load %arg7[%swap3A_286, %swap3A_287] {strides = array<i32>} : memref<4x128xi32, #tpu.memory_space<vmem>>, vector<1x16xi32>,
      %swap3A_289 = vector.shape_cast %swap3A_288 : vector<1x16xi32> to vector<16xi32>
      %swap3A_290 = vector.shape_cast %get3A_284 : vector<16xi32> to vector<1x16xi32>
      tpu.vector_store %arg7[%swap3A_286, %swap3A_287], %swap3A_290 {strides = array<i32>} : memref<4x128xi32, #tpu.memory_space<vmem>>, vector<1x16xi32>,
      %get3A_291 = arith.constant 1 : i32
      %get3A_292 = arith.index_cast %get3A_291 : i32 to index
      %get3A_293 = arith.constant 64 : index
      %get3A_294 = tpu.vector_load %arg8[%get3A_292, %get3A_293] {strides = array<i32>} : memref<2x128xi32, #tpu.memory_space<vmem>>, vector<1x16xi32>,
      %get3A_295 = vector.shape_cast %get3A_294 : vector<1x16xi32> to vector<16xi32>
      %swap3A_296 = arith.constant 0 : i32
      %swap3A_297 = arith.index_cast %swap3A_296 : i32 to index
      %swap3A_298 = arith.constant 64 : index
      %swap3A_299 = tpu.vector_load %arg7[%swap3A_297, %swap3A_298] {strides = array<i32>} : memref<4x128xi32, #tpu.memory_space<vmem>>, vector<1x16xi32>,
      %swap3A_300 = vector.shape_cast %swap3A_299 : vector<1x16xi32> to vector<16xi32>
      %swap3A_301 = vector.shape_cast %get3A_295 : vector<16xi32> to vector<1x16xi32>
      tpu.vector_store %arg7[%swap3A_297, %swap3A_298], %swap3A_301 {strides = array<i32>} : memref<4x128xi32, #tpu.memory_space<vmem>>, vector<1x16xi32>,
      %get3A_302 = arith.constant 1 : i32
      %get3A_303 = arith.index_cast %get3A_302 : i32 to index
      %get3A_304 = arith.constant 80 : index
      %get3A_305 = tpu.vector_load %arg8[%get3A_303, %get3A_304] {strides = array<i32>} : memref<2x128xi32, #tpu.memory_space<vmem>>, vector<1x16xi32>,
      %get3A_306 = vector.shape_cast %get3A_305 : vector<1x16xi32> to vector<16xi32>
      %swap3A_307 = arith.constant 0 : i32
      %swap3A_308 = arith.index_cast %swap3A_307 : i32 to index
      %swap3A_309 = arith.constant 80 : index
      %swap3A_310 = tpu.vector_load %arg7[%swap3A_308, %swap3A_309] {strides = array<i32>} : memref<4x128xi32, #tpu.memory_space<vmem>>, vector<1x16xi32>,
      %swap3A_311 = vector.shape_cast %swap3A_310 : vector<1x16xi32> to vector<16xi32>
      %swap3A_312 = vector.shape_cast %get3A_306 : vector<16xi32> to vector<1x16xi32>
      tpu.vector_store %arg7[%swap3A_308, %swap3A_309], %swap3A_312 {strides = array<i32>} : memref<4x128xi32, #tpu.memory_space<vmem>>, vector<1x16xi32>,
      %get3A_313 = arith.constant 1 : i32
      %get3A_314 = arith.index_cast %get3A_313 : i32 to index
      %get3A_315 = arith.constant 96 : index
      %get3A_316 = tpu.vector_load %arg8[%get3A_314, %get3A_315] {strides = array<i32>} : memref<2x128xi32, #tpu.memory_space<vmem>>, vector<1x16xi32>,
      %get3A_317 = vector.shape_cast %get3A_316 : vector<1x16xi32> to vector<16xi32>
      %swap3A_318 = arith.constant 0 : i32
      %swap3A_319 = arith.index_cast %swap3A_318 : i32 to index
      %swap3A_320 = arith.constant 96 : index
      %swap3A_321 = tpu.vector_load %arg7[%swap3A_319, %swap3A_320] {strides = array<i32>} : memref<4x128xi32, #tpu.memory_space<vmem>>, vector<1x16xi32>,
      %swap3A_322 = vector.shape_cast %swap3A_321 : vector<1x16xi32> to vector<16xi32>
      %swap3A_323 = vector.shape_cast %get3A_317 : vector<16xi32> to vector<1x16xi32>
      tpu.vector_store %arg7[%swap3A_319, %swap3A_320], %swap3A_323 {strides = array<i32>} : memref<4x128xi32, #tpu.memory_space<vmem>>, vector<1x16xi32>,
      %get3A_324 = arith.constant 1 : i32
      %get3A_325 = arith.index_cast %get3A_324 : i32 to index
      %get3A_326 = arith.constant 112 : index
      %get3A_327 = tpu.vector_load %arg8[%get3A_325, %get3A_326] {strides = array<i32>} : memref<2x128xi32, #tpu.memory_space<vmem>>, vector<1x16xi32>,
      %get3A_328 = vector.shape_cast %get3A_327 : vector<1x16xi32> to vector<16xi32>
      %swap3A_329 = arith.constant 0 : i32
      %swap3A_330 = arith.index_cast %swap3A_329 : i32 to index
      %swap3A_331 = arith.constant 112 : index
      %swap3A_332 = tpu.vector_load %arg7[%swap3A_330, %swap3A_331] {strides = array<i32>} : memref<4x128xi32, #tpu.memory_space<vmem>>, vector<1x16xi32>,
      %swap3A_333 = vector.shape_cast %swap3A_332 : vector<1x16xi32> to vector<16xi32>
      %swap3A_334 = vector.shape_cast %get3A_328 : vector<16xi32> to vector<1x16xi32>
      tpu.vector_store %arg7[%swap3A_330, %swap3A_331], %swap3A_334 {strides = array<i32>} : memref<4x128xi32, #tpu.memory_space<vmem>>, vector<1x16xi32>,
      %dma_start3A_335 = arith.constant 0 : i32
      %dma_start3A_336 = arith.constant 0 : i32
      %dma_start3A_337 = arith.constant 0 : i32
      %dma_start3A_338 = arith.constant 0 : i32
      %dma_start3A_339 = tpu.memref_slice %arg9[%dma_start3A_336, %dma_start3A_337, %dma_start3A_338] : memref<2x128x128xf32, #tpu.memory_space<vmem>> -> memref<1x128x128xf32, #tpu.memory_space<vmem>>
      %dma_start3A_340 = tpu.memref_squeeze %dma_start3A_339 : memref<1x128x128xf32, #tpu.memory_space<vmem>> -> memref<128x128xf32, #tpu.memory_space<vmem>>
      %dma_start3A_341 = arith.constant 0 : i32
      %dma_start3A_342 = tpu.memref_slice %arg8[%dma_start3A_335, %dma_start3A_341] : memref<2x128xi32, #tpu.memory_space<vmem>> -> memref<1x128xi32, #tpu.memory_space<vmem>>
      %dma_start3A_343 = tpu.memref_squeeze %dma_start3A_342 : memref<1x128xi32, #tpu.memory_space<vmem>> -> memref<128xi32, #tpu.memory_space<vmem>>
      %dma_start3A_344 = arith.constant 0 : i32
      %dma_start3A_345 = arith.constant 0 : i32
      %dma_start3A_346 = tpu.memref_slice %arg2[%arg0, %dma_start3A_344, %dma_start3A_345] : memref<2x10240x128xf32, #tpu.memory_space<hbm>> -> memref<1x10240x128xf32, #tpu.memory_space<hbm>>
      %dma_start3A_347 = tpu.memref_squeeze %dma_start3A_346 : memref<1x10240x128xf32, #tpu.memory_space<hbm>> -> memref<10240x128xf32, #tpu.memory_space<hbm>>
      %dma_start3A_348 = arith.constant 0 : i32
      %dma_start3A_349 = arith.constant 0 : i32
      %dma_start3A_350 = tpu.memref_slice %dma_start3A_347[%dma_start3A_348, %dma_start3A_349] : memref<10240x128xf32, #tpu.memory_space<hbm>> -> memref<10240x128xf32, #tpu.memory_space<hbm>>
      tpu.enqueue_indirect_dma source(%dma_start3A_350 : memref<10240x128xf32, #tpu.memory_space<hbm>>) target(%dma_start3A_340 : memref<128x128xf32, #tpu.memory_space<vmem>>) offsets(%dma_start3A_343 : memref<128xi32, #tpu.memory_space<vmem>>) semaphore(%arg10 : memref<!tpu.dma_semaphore, #tpu.memory_space<semaphore_mem>>)
      %dma_wait3A_351 = arith.constant 0 : i32
      %dma_wait3A_352 = arith.constant 0 : i32
      %dma_wait3A_353 = arith.constant 0 : i32
      %dma_wait3A_354 = arith.constant 0 : i32
      %dma_wait3A_355 = tpu.memref_slice %arg9[%dma_wait3A_352, %dma_wait3A_353, %dma_wait3A_354] : memref<2x128x128xf32, #tpu.memory_space<vmem>> -> memref<1x128x128xf32, #tpu.memory_space<vmem>>
      %dma_wait3A_356 = tpu.memref_squeeze %dma_wait3A_355 : memref<1x128x128xf32, #tpu.memory_space<vmem>> -> memref<128x128xf32, #tpu.memory_space<vmem>>
      %dma_wait3A_357 = arith.constant 0 : i32
      %dma_wait3A_358 = tpu.memref_slice %arg8[%dma_wait3A_351, %dma_wait3A_357] : memref<2x128xi32, #tpu.memory_space<vmem>> -> memref<1x128xi32, #tpu.memory_space<vmem>>
      %dma_wait3A_359 = tpu.memref_squeeze %dma_wait3A_358 : memref<1x128xi32, #tpu.memory_space<vmem>> -> memref<128xi32, #tpu.memory_space<vmem>>
      %dma_wait3A_360 = arith.constant 0 : i32
      %dma_wait3A_361 = arith.constant 0 : i32
      %dma_wait3A_362 = tpu.memref_slice %arg2[%arg0, %dma_wait3A_360, %dma_wait3A_361] : memref<2x10240x128xf32, #tpu.memory_space<hbm>> -> memref<1x10240x128xf32, #tpu.memory_space<hbm>>
      %dma_wait3A_363 = tpu.memref_squeeze %dma_wait3A_362 : memref<1x10240x128xf32, #tpu.memory_space<hbm>> -> memref<10240x128xf32, #tpu.memory_space<hbm>>
      %dma_wait3A_364 = arith.constant 0 : i32
      %dma_wait3A_365 = arith.constant 0 : i32
      %dma_wait3A_366 = tpu.memref_slice %dma_wait3A_363[%dma_wait3A_364, %dma_wait3A_365] : memref<10240x128xf32, #tpu.memory_space<hbm>> -> memref<10240x128xf32, #tpu.memory_space<hbm>>
      tpu.wait_indirect_dma semaphore(%arg10 : memref<!tpu.dma_semaphore, #tpu.memory_space<semaphore_mem>>) src(%dma_wait3A_366 : memref<10240x128xf32, #tpu.memory_space<hbm>>) dst(%dma_wait3A_356 : memref<128x128xf32, #tpu.memory_space<vmem>>)
      %run_scoped3A_367 = arith.constant 0 : i32
      %run_scoped3A_368 = arith.constant 0 : i32
      "tpu.region"() ({
        %run_scoped3A_369 = tpu.sem_alloc : memref<!tpu.dma_semaphore, #tpu.memory_space<semaphore_mem>>
        %dma_start3A_370 = arith.constant 0 : i32
        %dma_start3A_371 = arith.constant 0 : i32
        %dma_start3A_372 = tpu.memref_slice %arg9[%run_scoped3A_367, %dma_start3A_370, %dma_start3A_371] : memref<2x128x128xf32, #tpu.memory_space<vmem>> -> memref<1x128x128xf32, #tpu.memory_space<vmem>>
        %dma_start3A_373 = tpu.memref_squeeze %dma_start3A_372 : memref<1x128x128xf32, #tpu.memory_space<vmem>> -> memref<128x128xf32, #tpu.memory_space<vmem>>
        %dma_start3A_374 = arith.constant 0 : i32
        %dma_start3A_375 = tpu.memref_slice %arg7[%run_scoped3A_368, %dma_start3A_374] : memref<4x128xi32, #tpu.memory_space<vmem>> -> memref<1x128xi32, #tpu.memory_space<vmem>>
        %dma_start3A_376 = tpu.memref_squeeze %dma_start3A_375 : memref<1x128xi32, #tpu.memory_space<vmem>> -> memref<128xi32, #tpu.memory_space<vmem>>
        %dma_start3A_377 = arith.constant 0 : i32
        %dma_start3A_378 = arith.constant 0 : i32
        %dma_start3A_379 = tpu.memref_slice %arg5[%dma_start3A_377, %dma_start3A_378] : memref<10240x128xf32, #tpu.memory_space<vmem_shared>> -> memref<10240x128xf32, #tpu.memory_space<vmem_shared>>
        tpu.enqueue_indirect_dma source(%dma_start3A_373 : memref<128x128xf32, #tpu.memory_space<vmem>>) target(%dma_start3A_379 : memref<10240x128xf32, #tpu.memory_space<vmem_shared>>) offsets(%dma_start3A_376 : memref<128xi32, #tpu.memory_space<vmem>>) semaphore(%run_scoped3A_369 : memref<!tpu.dma_semaphore, #tpu.memory_space<semaphore_mem>>) {add = true}
        %dma_wait3A_380 = arith.constant 0 : i32
        %dma_wait3A_381 = arith.constant 0 : i32
        %dma_wait3A_382 = tpu.memref_slice %arg9[%run_scoped3A_367, %dma_wait3A_380, %dma_wait3A_381] : memref<2x128x128xf32, #tpu.memory_space<vmem>> -> memref<1x128x128xf32, #tpu.memory_space<vmem>>
        %dma_wait3A_383 = tpu.memref_squeeze %dma_wait3A_382 : memref<1x128x128xf32, #tpu.memory_space<vmem>> -> memref<128x128xf32, #tpu.memory_space<vmem>>
        %dma_wait3A_384 = arith.constant 0 : i32
        %dma_wait3A_385 = tpu.memref_slice %arg7[%run_scoped3A_368, %dma_wait3A_384] : memref<4x128xi32, #tpu.memory_space<vmem>> -> memref<1x128xi32, #tpu.memory_space<vmem>>
        %dma_wait3A_386 = tpu.memref_squeeze %dma_wait3A_385 : memref<1x128xi32, #tpu.memory_space<vmem>> -> memref<128xi32, #tpu.memory_space<vmem>>
        %dma_wait3A_387 = arith.constant 0 : i32
        %dma_wait3A_388 = arith.constant 0 : i32
        %dma_wait3A_389 = tpu.memref_slice %arg5[%dma_wait3A_387, %dma_wait3A_388] : memref<10240x128xf32, #tpu.memory_space<vmem_shared>> -> memref<10240x128xf32, #tpu.memory_space<vmem_shared>>
        tpu.wait_indirect_dma semaphore(%run_scoped3A_369 : memref<!tpu.dma_semaphore, #tpu.memory_space<semaphore_mem>>) src(%dma_wait3A_383 : memref<128x128xf32, #tpu.memory_space<vmem>>) dst(%dma_wait3A_389 : memref<10240x128xf32, #tpu.memory_space<vmem_shared>>)
        tpu.yield
      }) : () -> ()
    } else {
    }
    %barrier3A_243 = arith.constant 0 : index
    tpu.barrier barrier_id(%barrier3A_243)
    "tpu.region"() ({
      %run_scoped3A_244 = tpu.sem_alloc : memref<!tpu.dma_semaphore, #tpu.memory_space<semaphore_mem>>
      %dma_start3A_245 = arith.constant 0 : i32
      %dma_start3A_246 = tpu.memref_slice %arg4[%arg0, %mul3A_0, %dma_start3A_245] : memref<2x10240x128xf32, #tpu.memory_space<hbm>> -> memref<1x640x128xf32, #tpu.memory_space<hbm>>
      %dma_start3A_247 = tpu.memref_squeeze %dma_start3A_246 : memref<1x640x128xf32, #tpu.memory_space<hbm>> -> memref<640x128xf32, #tpu.memory_space<hbm>>
      %dma_start3A_248 = arith.constant 0 : i32
      %dma_start3A_249 = tpu.memref_slice %arg5[%mul3A_0, %dma_start3A_248] : memref<10240x128xf32, #tpu.memory_space<vmem_shared>> -> memref<640x128xf32, #tpu.memory_space<vmem_shared>>
      tpu.enqueue_dma source(%dma_start3A_249 : memref<640x128xf32, #tpu.memory_space<vmem_shared>>) target(%dma_start3A_247 : memref<640x128xf32, #tpu.memory_space<hbm>>) target_semaphore(%run_scoped3A_244 : memref<!tpu.dma_semaphore, #tpu.memory_space<semaphore_mem>>)
      %dma_wait3A_250 = arith.constant 0 : i32
      %dma_wait3A_251 = tpu.memref_slice %arg4[%arg0, %mul3A_0, %dma_wait3A_250] : memref<2x10240x128xf32, #tpu.memory_space<hbm>> -> memref<1x640x128xf32, #tpu.memory_space<hbm>>
      %dma_wait3A_252 = tpu.memref_squeeze %dma_wait3A_251 : memref<1x640x128xf32, #tpu.memory_space<hbm>> -> memref<640x128xf32, #tpu.memory_space<hbm>>
      %dma_wait3A_253 = arith.constant 0 : i32
      %dma_wait3A_254 = tpu.memref_slice %arg5[%mul3A_0, %dma_wait3A_253] : memref<10240x128xf32, #tpu.memory_space<vmem_shared>> -> memref<640x128xf32, #tpu.memory_space<vmem_shared>>
      tpu.wait_dma2 semaphore(%run_scoped3A_244 : memref<!tpu.dma_semaphore, #tpu.memory_space<semaphore_mem>>) src(%dma_wait3A_254 : memref<640x128xf32, #tpu.memory_space<vmem_shared>>) dst(%dma_wait3A_252 : memref<640x128xf32, #tpu.memory_space<hbm>>)
      tpu.yield
    }) : () -> ()
    return
  }
}

module attributes {stable_mosaic.version = 14 : i64} {
  func.func @_mm_body(%arg0: i32, %arg1: memref<2048x256xf32, #tpu.memory_space<vmem>>, %arg2: memref<256x256xf32, #tpu.memory_space<vmem>>, %arg3: memref<2048xf32, #tpu.memory_space<vmem>>, %arg4: memref<2048xf32, #tpu.memory_space<vmem>>, %arg5: memref<2x2048x128xf32, #tpu.memory_space<vmem>>) attributes {dimension_semantics = [#tpu.dimension_semantics<arbitrary>], iteration_bounds = array<i64: 5>, scalar_prefetch = 0 : i64, scratch_operands = 0 : i64, tpu.core_type = #tpu.core_type<tc>, window_params = [{transform_indices = @transform_0, window_bounds = array<i64: 2048, 256>}, {pipeline_mode = #tpu.pipeline_mode<synchronous>, transform_indices = @transform_1, window_bounds = array<i64: 256, 256>}, {transform_indices = @transform_2, window_bounds = array<i64: 2048>}, {transform_indices = @transform_3, window_bounds = array<i64: 2048>}, {transform_indices = @transform_4, window_bounds = array<i64: 2, 2048, 128>}]} {
    %get3A = arith.constant 0 : index
    %get3A_0 = vector.load %arg3[%get3A] : memref<2048xf32, #tpu.memory_space<vmem>>, vector<2048xf32>
    %get3A_1 = arith.constant 0 : index
    %get3A_2 = vector.load %arg4[%get3A_1] : memref<2048xf32, #tpu.memory_space<vmem>>, vector<2048xf32>
    %add3A = arith.addf %get3A_0, %get3A_2 : vector<2048xf32>
    %reshape3A = vector.shape_cast %add3A : vector<2048xf32> to vector<2048x1xf32>
    %add3A_3 = arith.constant 1.000000e+00 : f32
    %add3A_4 = vector.broadcast %add3A_3 : f32 to vector<2048x1xf32>
    %add3A_5 = arith.addf %add3A_4, %reshape3A : vector<2048x1xf32>
    %rsqrt3A = math.rsqrt %add3A_5 : vector<2048x1xf32>
    %get3A_6 = arith.constant 0 : index
    %get3A_7 = arith.constant 0 : index
    %get3A_8 = vector.load %arg1[%get3A_6, %get3A_7] : memref<2048x256xf32, #tpu.memory_space<vmem>>, vector<2048x256xf32>
    %get3A_9 = arith.constant 0 : index
    %get3A_10 = arith.constant 0 : index
    %get3A_11 = vector.load %arg2[%get3A_9, %get3A_10] : memref<256x256xf32, #tpu.memory_space<vmem>>, vector<256x256xf32>
    %dot_general3A = arith.constant dense<0.000000e+00> : vector<2048x256xf32>
    %dot_general3A_12 = tpu.matmul %get3A_8, %get3A_11, %dot_general3A {dimension_numbers = #tpu.dot_dimension_numbers<[1], [0], [0], [1], [0, 0, 1, 1], [], []>, transpose_lhs_hint = false} : vector<2048x256xf32>, vector<256x256xf32>, vector<2048x256xf32> -> vector<2048x256xf32>
    %slice3A = vector.extract_strided_slice %dot_general3A_12 {offsets = [0, 0], sizes = [2048, 128], strides = [1, 1]} : vector<2048x256xf32> to vector<2048x128xf32>
    %mul3A = vector.broadcast %rsqrt3A : vector<2048x1xf32> to vector<2048x128xf32>
    %mul3A_13 = arith.mulf %slice3A, %mul3A : vector<2048x128xf32>
    %swap3A = arith.constant 0 : index
    %swap3A_14 = arith.constant 0 : index
    %swap3A_15 = arith.constant 0 : index
    %swap3A_16 = vector.load %arg5[%swap3A, %swap3A_14, %swap3A_15] : memref<2x2048x128xf32, #tpu.memory_space<vmem>>, vector<1x2048x128xf32>
    %swap3A_17 = vector.shape_cast %swap3A_16 : vector<1x2048x128xf32> to vector<2048x128xf32>
    %swap3A_18 = vector.shape_cast %mul3A_13 : vector<2048x128xf32> to vector<1x2048x128xf32>
    tpu.vector_store %arg5[%swap3A, %swap3A_14, %swap3A_15], %swap3A_18 {strides = array<i32>} : memref<2x2048x128xf32, #tpu.memory_space<vmem>>, vector<1x2048x128xf32>,
    %slice3A_19 = vector.extract_strided_slice %dot_general3A_12 {offsets = [0, 128], sizes = [2048, 128], strides = [1, 1]} : vector<2048x256xf32> to vector<2048x128xf32>
    %mul3A_20 = vector.broadcast %rsqrt3A : vector<2048x1xf32> to vector<2048x128xf32>
    %mul3A_21 = arith.mulf %slice3A_19, %mul3A_20 : vector<2048x128xf32>
    %swap3A_22 = arith.constant 1 : index
    %swap3A_23 = arith.constant 0 : index
    %swap3A_24 = arith.constant 0 : index
    %swap3A_25 = vector.load %arg5[%swap3A_22, %swap3A_23, %swap3A_24] : memref<2x2048x128xf32, #tpu.memory_space<vmem>>, vector<1x2048x128xf32>
    %swap3A_26 = vector.shape_cast %swap3A_25 : vector<1x2048x128xf32> to vector<2048x128xf32>
    %swap3A_27 = vector.shape_cast %mul3A_21 : vector<2048x128xf32> to vector<1x2048x128xf32>
    tpu.vector_store %arg5[%swap3A_22, %swap3A_23, %swap3A_24], %swap3A_27 {strides = array<i32>} : memref<2x2048x128xf32, #tpu.memory_space<vmem>>, vector<1x2048x128xf32>,
    return
  }
  func.func @transform_0(%arg0: i32) -> (i32, i32) {
    %c0_i32 = arith.constant 0 : i32
    %c0_i32_0 = arith.constant 0 : i32
    return %arg0, %c0_i32 : i32, i32
  }
  func.func @transform_1(%arg0: i32) -> (i32, i32) {
    %c0_i32 = arith.constant 0 : i32
    %c0_i32_0 = arith.constant 0 : i32
    %c0_i32_1 = arith.constant 0 : i32
    return %c0_i32, %c0_i32_0 : i32, i32
  }
  func.func @transform_2(%arg0: i32) -> i32 {
    %c0_i32 = arith.constant 0 : i32
    return %arg0 : i32
  }
  func.func @transform_3(%arg0: i32) -> i32 {
    %add3A = arith.constant 5 : i32
    %add3A_0 = arith.addi %arg0, %add3A : i32
    %c0_i32 = arith.constant 0 : i32
    return %add3A_0 : i32
  }
  func.func @transform_4(%arg0: i32) -> (i32, i32, i32) {
    %c0_i32 = arith.constant 0 : i32
    %c0_i32_0 = arith.constant 0 : i32
    %c0_i32_1 = arith.constant 0 : i32
    return %c0_i32, %arg0, %c0_i32_0 : i32, i32, i32
  }
}

module attributes {stable_mosaic.version = 14 : i64} {
  func.func @_post_body(%arg0: i32, %arg1: memref<1x2048x128xf32, #tpu.memory_space<vmem>>, %arg2: memref<1x2048x128xf32, #tpu.memory_space<vmem>>, %arg3: memref<2048xf32, #tpu.memory_space<vmem>>, %arg4: memref<2048xf32, #tpu.memory_space<vmem>>, %arg5: memref<1x256xf32, #tpu.memory_space<vmem>>, %arg6: memref<2048x256xf32, #tpu.memory_space<vmem>>) attributes {dimension_semantics = [#tpu.dimension_semantics<arbitrary>], iteration_bounds = array<i64: 5>, scalar_prefetch = 0 : i64, scratch_operands = 0 : i64, tpu.core_type = #tpu.core_type<tc>, window_params = [{transform_indices = @transform_0, window_bounds = array<i64: 1, 2048, 128>}, {transform_indices = @transform_1, window_bounds = array<i64: 1, 2048, 128>}, {transform_indices = @transform_2, window_bounds = array<i64: 2048>}, {transform_indices = @transform_3, window_bounds = array<i64: 2048>}, {pipeline_mode = #tpu.pipeline_mode<synchronous>, transform_indices = @transform_4, window_bounds = array<i64: 1, 256>}, {transform_indices = @transform_5, window_bounds = array<i64: 2048, 256>}]} {
    %get3A = arith.constant 0 : index
    %get3A_0 = vector.load %arg3[%get3A] : memref<2048xf32, #tpu.memory_space<vmem>>, vector<2048xf32>
    %get3A_1 = arith.constant 0 : index
    %get3A_2 = vector.load %arg4[%get3A_1] : memref<2048xf32, #tpu.memory_space<vmem>>, vector<2048xf32>
    %add3A = arith.addf %get3A_0, %get3A_2 : vector<2048xf32>
    %reshape3A = vector.shape_cast %add3A : vector<2048xf32> to vector<2048x1xf32>
    %add3A_3 = arith.constant 1.000000e+00 : f32
    %add3A_4 = vector.broadcast %add3A_3 : f32 to vector<2048x1xf32>
    %add3A_5 = arith.addf %add3A_4, %reshape3A : vector<2048x1xf32>
    %rsqrt3A = math.rsqrt %add3A_5 : vector<2048x1xf32>
    %get3A_6 = arith.constant 0 : index
    %get3A_7 = arith.constant 0 : index
    %get3A_8 = arith.constant 0 : index
    %get3A_9 = vector.load %arg1[%get3A_6, %get3A_7, %get3A_8] : memref<1x2048x128xf32, #tpu.memory_space<vmem>>, vector<1x2048x128xf32>
    %get3A_10 = vector.shape_cast %get3A_9 : vector<1x2048x128xf32> to vector<2048x128xf32>
    %mul3A = vector.broadcast %rsqrt3A : vector<2048x1xf32> to vector<2048x128xf32>
    %mul3A_11 = arith.mulf %get3A_10, %mul3A : vector<2048x128xf32>
    %get3A_12 = arith.constant 0 : index
    %get3A_13 = arith.constant 0 : index
    %get3A_14 = arith.constant 0 : index
    %get3A_15 = vector.load %arg2[%get3A_12, %get3A_13, %get3A_14] : memref<1x2048x128xf32, #tpu.memory_space<vmem>>, vector<1x2048x128xf32>
    %get3A_16 = vector.shape_cast %get3A_15 : vector<1x2048x128xf32> to vector<2048x128xf32>
    %mul3A_17 = vector.broadcast %rsqrt3A : vector<2048x1xf32> to vector<2048x128xf32>
    %mul3A_18 = arith.mulf %get3A_16, %mul3A_17 : vector<2048x128xf32>
    %concatenate3A = tpu.concatenate %mul3A_11, %mul3A_18 in 1 : vector<2048x128xf32>, vector<2048x128xf32> -> vector<2048x256xf32>
    %get3A_19 = arith.constant 0 : index
    %get3A_20 = arith.constant 0 : index
    %get3A_21 = vector.load %arg5[%get3A_19, %get3A_20] : memref<1x256xf32, #tpu.memory_space<vmem>>, vector<1x256xf32>
    %add3A_22 = vector.broadcast %get3A_21 : vector<1x256xf32> to vector<2048x256xf32>
    %add3A_23 = arith.addf %concatenate3A, %add3A_22 : vector<2048x256xf32>
    %swap3A = arith.constant 0 : index
    %swap3A_24 = arith.constant 0 : index
    %swap3A_25 = vector.load %arg6[%swap3A, %swap3A_24] : memref<2048x256xf32, #tpu.memory_space<vmem>>, vector<2048x256xf32>
    tpu.vector_store %arg6[%swap3A, %swap3A_24], %add3A_23 {strides = array<i32>} : memref<2048x256xf32, #tpu.memory_space<vmem>>, vector<2048x256xf32>,
    return
  }
  func.func @transform_0(%arg0: i32) -> (i32, i32, i32) {
    %c0_i32 = arith.constant 0 : i32
    %c0_i32_0 = arith.constant 0 : i32
    %c0_i32_1 = arith.constant 0 : i32
    return %c0_i32, %arg0, %c0_i32_0 : i32, i32, i32
  }
  func.func @transform_1(%arg0: i32) -> (i32, i32, i32) {
    %c1_i32 = arith.constant 1 : i32
    %c0_i32 = arith.constant 0 : i32
    %c0_i32_0 = arith.constant 0 : i32
    return %c1_i32, %arg0, %c0_i32 : i32, i32, i32
  }
  func.func @transform_2(%arg0: i32) -> i32 {
    %c0_i32 = arith.constant 0 : i32
    return %arg0 : i32
  }
  func.func @transform_3(%arg0: i32) -> i32 {
    %add3A = arith.constant 5 : i32
    %add3A_0 = arith.addi %arg0, %add3A : i32
    %c0_i32 = arith.constant 0 : i32
    return %add3A_0 : i32
  }
  func.func @transform_4(%arg0: i32) -> (i32, i32) {
    %c0_i32 = arith.constant 0 : i32
    %c0_i32_0 = arith.constant 0 : i32
    %c0_i32_1 = arith.constant 0 : i32
    return %c0_i32, %c0_i32_0 : i32, i32
  }
  func.func @transform_5(%arg0: i32) -> (i32, i32) {
    %c0_i32 = arith.constant 0 : i32
    %c0_i32_0 = arith.constant 0 : i32
    return %arg0, %c0_i32 : i32, i32
  }
}

</mosaic_0001>

<sc_bundles>
// kernel: kernel.6.cloned.1.call-start
scs
__scs_entry_jumppad:
0x0: {  	(pc) =	sbr.rel $0x88, $3  }
0x1: {  	(tag) =	ssettag $0x0;
	lr =	simm.s32 $0x1  }
0x2: {  	[smem:$0x3F9D] =	sst lr;
	_ =	strace $0xD0000000  }
0x3: {  	_ = 	snop  }
0x4: {  	_ = 	snop  }
0x5: {  	_ = 	snop  }
0x6: {  	_ = 	snop  }
0x7: {  	_ = 	snop  }
__scs_overlays_trampoline_lowered:
0x8: {  	[smem:$0x3FAC] =	sst s0  }
0x9: {  	[smem:$0x3FAD] =	sst s1  }
0xa: {  	[smem:$0x3FAE] =	sst s2  }
0xb: {  	[smem:$0x3FAF] =	sst s3  }
0xc: {  	[smem:$0x3FB0] =	sst s4  }
0xd: {  	[smem:$0x3FB1] =	sst s5  }
0xe: {  	[smem:$0x3FB2] =	sst s6  }
0xf: {  	[smem:$0x3FB3] =	sst s7  }
0x10: {  	[smem:$0x3FB4] =	sst s8  }
0x11: {  	[smem:$0x3FB5] =	sst s9;
	s0 =	simm.s32 @!p0 $0x0  }
0x12: {  	s1 =	sld [smem:$0x3F9B];
	s0 =	simm.s32 @p0 $0x1  }
0x13: {  	[smem:$0x3FB6] =	sst s0;
	s0 =	simm.s32 @!p1 $0x0  }
0x14: {  	s2 =	sld [smem:$0x3F9A];
	s0 =	simm.s32 @p1 $0x1  }
0x15: {  	[smem:$0x3FB7] =	sst s0;
	s0 =	simm.s32 @!p2 $0x0  }
0x16: {  	s3 =	sld [smem:$0x3FDB];
	s0 =	simm.s32 @p2 $0x1  }
0x17: {  	s4 =	simm.s32 $0x1BF5;
	[smem:$0x3FB9] =	sst s0  }
0x18: {  	s0 =	sld [smem:$0x3F9C];
	_ =	swait.ge [sflag:s4], $0x0  }
0x19: {  	s7 =	sld [smem:$0x3F9D]  }
0x1a: {  	s8 =	sadd.s32 $0xFFFFE003, lr  }
0x1b: {  	s9 =	sadd.s32 $0xFFFFFEF7, lr;
	s5 =	simm.s32 $0xFFFFFFFF;
	p2 =	slt.u32 s8, $0xFFFFF086  }
0x1c: {  	p1 =	slt.u32 s9, $0xF7A;
	s5 =	simm.s32 @!p2 $0x0  }
0x1d: {  	s5 =	simm.s32 @p1 $0x1;
	p0 =	seq.s32 s7, s2  }
0x1e: {  	s7 =	smul.u32 @!p0 $0xF7A, s2;
	p2 =	seq.s32 @!p0 s5, $0x0  }
0x1f: {  	s9 =	smul.u32 $0xF7A, s1;
	s8 =	simm.s32 @!p0 $0x1BF5;
	p2 =	por !p2, p0  }
0x20: {  	[sflag:s8] =	ssyncset.s32 @!p0 $0xFFFFF086;
	s6 =	sadd.s32 @!p0 s3, s7;
	s7 =	simm.s32 @!p0 $0x108  }
0x21: {  	s3 =	sadd.s32 s3, s9;
	s6 =	sadd.s32 @!p0 $0x88, s6;
	s7 =	simm.s32 @p2 $0x1082  }
0x22: {  	[simem:s7], [sflag:s8] =	dma.local @!p0 [hbm:s6], $0xF7A  }
0x23: {  	s9 =	sor.u32 $0xD0000000, s2;
	s6 =	simm.s32 $0x108;
	_ =	swait.ge @!p0 [sflag:s8], $0x0  }
0x24: {  	s3 =	sadd.s32 $0x88, s3;
	s6 =	simm.s32 @!p1 $0x1082;
	[sflag:s4] =	ssyncset.s32 $0xFFFFF086  }
0x25: {  	[simem:s6], [sflag:s4] =	dma.local [hbm:s3], $0xF7A  }
0x26: {  	[smem:$0x3F9D] =	sst s1;
	(tag) =	ssettag s2;
	_ =	strace s9  }
0x27: {  	s1 =	sld [smem:$0x3FAD]  }
0x28: {  	s2 =	sld [smem:$0x3FAE]  }
0x29: {  	s4 =	sld [smem:$0x3FB0]  }
0x2a: {  	p0 =	seq.s32 s5, $0x0;
	s5 =	sld [smem:$0x3FB1]  }
0x2b: {  	s6 =	sld [smem:$0x3FB2]  }
0x2c: {  	s7 =	sld [smem:$0x3FB3]  }
0x2d: {  	s3 =	simm.s32 $0x108;
	s8 =	sld [smem:$0x3FB4]  }
0x2e: {  	s3 =	simm.s32 @!p0 $0x1082;
	s9 =	sld [smem:$0x3FB5]  }
0x2f: {  	lr =	sadd.s32 s0, s3;
	s0 =	sld [smem:$0x3FAC]  }
0x30: {  	s3 =	sld [smem:$0x3FAF]  }
0x31: {  	[smem:$0x3FB8] =	sst s10  }
0x32: {  	s10 =	sld [smem:$0x3FB6];
	_ =	sdelay $0x3  }
0x33: {  	p0 =	seq.s32 s10, $0x1;
	s10 =	sld [smem:$0x3FB8];
	_ =	sdelay $0x3  }
0x34: {  	[smem:$0x3FB8] =	sst s10  }
0x35: {  	s10 =	sld [smem:$0x3FB7];
	_ =	sdelay $0x3  }
0x36: {  	p1 =	seq.s32 s10, $0x1;
	s10 =	sld [smem:$0x3FB8];
	_ =	sdelay $0x3  }
0x37: {  	[smem:$0x3FB8] =	sst s10  }
0x38: {  	s10 =	sld [smem:$0x3FB9]  }
0x39: {  	_ = 	snop;
	(pc) =	sbr.ind lr, $3  }
0x3a: {  	_ = 	snop  }
0x3b: {  	_ = 	snop  }
0x3c: {  	p2 =	seq.s32 s10, $0x1;
	s10 =	sld [smem:$0x3FB8]  }
0x3d: {  	_ =	shalt  }
0x3e: {  	_ =	shalt  }
0x3f: {  	_ =	shalt  }
0x40: {  	_ =	shalt  }
0x41: {  	_ =	shalt  }
0x42: {  	_ =	shalt  }
0x43: {  	_ =	shalt  }
0x44: {  	_ =	shalt  }
0x45: {  	_ =	shalt  }
0x46: {  	_ =	shalt  }
0x47: {  	_ =	shalt  }
0x48: {  	_ =	shalt  }
0x49: {  	_ =	shalt  }
0x4a: {  	_ =	shalt  }
0x4b: {  	_ =	shalt  }
0x4c: {  	_ =	shalt  }
0x4d: {  	_ =	shalt  }
0x4e: {  	_ =	shalt  }
0x4f: {  	_ =	shalt  }
0x50: {  	_ =	shalt  }
0x51: {  	_ =	shalt  }
0x52: {  	_ =	shalt  }
0x53: {  	_ =	shalt  }
0x54: {  	_ =	shalt  }
0x55: {  	_ =	shalt  }
0x56: {  	_ =	shalt  }
0x57: {  	_ =	shalt  }
0x58: {  	_ =	shalt  }
0x59: {  	_ =	shalt  }
0x5a: {  	_ =	shalt  }
0x5b: {  	_ =	shalt  }
0x5c: {  	_ =	shalt  }
0x5d: {  	_ =	shalt  }
0x5e: {  	_ =	shalt  }
0x5f: {  	_ =	shalt  }
0x60: {  	_ =	shalt  }
0x61: {  	_ =	shalt  }
0x62: {  	_ =	shalt  }
0x63: {  	_ =	shalt  }
0x64: {  	_ =	shalt  }
0x65: {  	_ =	shalt  }
0x66: {  	_ =	shalt  }
0x67: {  	_ =	shalt  }
0x68: {  	_ =	shalt  }
0x69: {  	_ =	shalt  }
0x6a: {  	_ =	shalt  }
0x6b: {  	_ =	shalt  }
0x6c: {  	_ =	shalt  }
0x6d: {  	_ =	shalt  }
0x6e: {  	_ =	shalt  }
0x6f: {  	_ =	shalt  }
0x70: {  	_ =	shalt  }
0x71: {  	_ =	shalt  }
0x72: {  	_ =	shalt  }
0x73: {  	_ =	shalt  }
0x74: {  	_ =	shalt  }
0x75: {  	_ =	shalt  }
0x76: {  	_ =	shalt  }
0x77: {  	_ =	shalt  }
0x78: {  	_ =	shalt  }
0x79: {  	_ =	shalt  }
0x7a: {  	_ =	shalt  }
0x7b: {  	_ =	shalt  }
0x7c: {  	_ =	shalt  }
0x7d: {  	_ =	shalt  }
0x7e: {  	_ =	shalt  }
0x7f: {  	_ =	shalt  }
0x80: {  	_ =	shalt  }
0x81: {  	_ =	shalt  }
0x82: {  	_ =	shalt  }
0x83: {  	_ =	shalt  }
0x84: {  	_ =	shalt  }
0x85: {  	_ =	shalt  }
0x86: {  	_ =	shalt  }
0x87: {  	_ =	shalt  }
.Lfunc_end0:
.L_simem_size_0:
called_computation_lowered:
.L_overlay_start_0:
0x88: {  	s2 =	sld [smem:$0x3FD9]  }
0x89: {  	s3 =	sld [smem:$0x3FFE];
	_ =	sdelay $0x1  }
0x8a: {  	s1 =	srdreg.scid  }
0x8b: {  	s0 =	sand.u32 $0x1, s1  }
0x8c: {  	s15 =	sshll.u32 s0, $0xA;
	s2 =	sadd.s32 s3, s2  }
0x8d: {  	s2 =	sadd.s32 s2, s15  }
0x8e: {  	[smem:$0x3FC4] =	sst s2  }
0x8f: {  	_ = 	snop  }
0x90: {  	s2 =	sld [smem:$0x3FD0];
	_ =	sdelay $0x2  }
0x91: {  	s4 =	simm.s32 $0xA;
	s5 =	simm.s32 $0x10;
	s16 =	sld [smem:$0x3FC8]  }
0x92: {  	[smem:s5], [sflag:s4] =	dma.local [hbm:s2], $0x1  }
0x93: {  	_ =	swait.eq [sflag:s4], $0x1  }
0x94: {  	[sflag:s4] =	ssyncset.done $0x0  }
0x95: {  	[sflag:s4] =	ssyncadd.s32 $0xFFFFFFFF  }
0x96: {  	s17 =	sld [smem:$0x11];
	(tm) =	ssettm $0x1  }
0x97: {  	s18 =	sld [smem:$0x3FFB];
	_ =	sdelay $0x3  }
0x98: {  	_ =	strace s18  }
0x99: {  	s4 =	sld [smem:$0x3FFC];
	_ =	sdelay $0x3  }
0x9a: {  	_ =	strace s4  }
0x9b: {  	s4 =	sld [smem:$0x3FFD];
	_ =	sdelay $0x3  }
0x9c: {  	_ =	strace s4  }
0x9d: {  	_ =	strace $0x8FFFFFFF  }
0x9e: {  	s19 =	sld [smem:$0x3FDB];
	_ =	sdelay $0x1  }
0x9f: {  	s20 =	simm.s32 $_scs_section_size  }
0xa0: {  	s6 =	simm.s32 $_size__tile_overlayer_lowered;
	s7 =	simm.s32 $_tile_overlayer_lowered  }
0xa1: {  	s23 =	simm.s32 $0x1BFF;
	s22 =	sshll.u32 s7, $0x1;
	s4 =	sadd.s32 s20, s19  }
0xa2: {  	s8 =	simm.s32 $0x0;
	s21 =	sshll.u32 s6, $0x1;
	s6 =	sadd.s32 s22, s4  }
0xa3: {  	[timem:s8], [sflag:s23] =	dma.local [hbm:s6], s21  }
0xa4: {  	_ =	swait.ge [sflag:s23], s21  }
0xa5: {  	s5 =	ssub.s32 $0x0, s21;
	[sflag:s23] =	ssyncset.done $0x0  }
0xa6: {  	[sflag:s23] =	ssyncadd.s32 s5;
	_ =	sdelay $0x1  }
0xa7: {  	s24 =	simm.s32 $0x1B8B  }
0xa8: {  	_ =	swait.ge [sflag:s24], $0x1  }
0xa9: {  	[sflag:s24] =	ssyncset.done $0x0  }
0xaa: {  	s25 =	simm.s32 $0x1B8E;
	[sflag:s24] =	ssyncadd.s32 $0xFFFFFFFF  }
0xab: {  	s26 =	simm.s32 $execute0_lowered;
	[smem:$0x3FD2] =	sst s25  }
0xac: {  	s5 =	sshll.u32 s26, $0x1;
	_ =	strace $0x80000046;
	[dreg:$0x1] =	wrdreg $0xFFFFFFFF  }
0xad: {  	s28 =	simm.s32 $_size_execute0_lowered;
	s4 =	sadd.s32 s4, s5;
	[dreg:$0x0] =	wrdreg $0x0  }
0xae: {  	s5 =	sshll.u32 s28, $0x1;
	[dreg:$0x2] =	wrdreg s4  }
0xaf: {  	[dreg:$0x3] =	wrdreg s5  }
0xb0: {  	[dreg:$0x4] =	wrdreg $0xC0  }
0xb1: {  	_ =	task [dreg:s8], $0x5FFFF  }
0xb2: {  	[dreg:$0x1] =	wrdreg $0xFFFFFFFF  }
0xb3: {  	[dreg:$0x0] =	wrdreg $0x60  }
0xb4: {  	[dreg:$0x2] =	wrdreg s16  }
0xb5: {  	[dreg:$0x3] =	wrdreg s17  }
0xb6: {  	[dreg:$0x4] =	wrdreg $0x0  }
0xb7: {  	[dreg:$0x5] =	wrdreg $0x9  }
0xb8: {  	_ =	task.clear_ibuf [dreg:s8], $0x6FFFF;
	_ =	strace $0x90000046  }
0xb9: {  	s29 =	simm.s32 $0x9;
	_ =	strace $0x80000048  }
0xba: {  	_ =	swait.ge [sflag:s29], $0x1  }
0xbb: {  	[sflag:s29] =	ssyncadd.s32 $0xFFFFFFFF  }
0xbc: {  	_ =	strace $0x90000048  }
0xbd: {  	_ =	sfence  }
0xbe: {  	s30 =	sld [smem:$0x0];
	_ =	sdelay $0x2  }
0xbf: {  	s31 =	sshll.u32 s1, $0xD;
	s1 =	sshrl.u32 s1, $0x2  }
0xc0: {  	s3 =	sand.u32 $0x4000, s31;
	s1 =	sadd.s32 s1, s30  }
0xc1: {  	s0 =	sor.u32 s3, s0;
	s1 =	sshll.u32 s1, $0x11  }
0xc2: {  	s0 =	sor.u32 s1, s0  }
0xc3: {  	s0 =	sadd.s32 $0x8F2B, s0  }
0xc4: {  	[sflag:s0] =	ssyncadd.remote.s32 $0x1  }
0xc5: {  	_ =	sfence.sel $0xFFFF  }
0xc6: {  	[dreg:$0x0] =	wrdreg $0xFFFFFFFF;
	(pc) =	sbr.abs _section_cstart, $3  }
0xc7: {  	[dreg:$0x1] =	wrdreg $0xFFFFFFFF  }
0xc8: {  	_ =	task.clear_ibuf [dreg:s8], $0x2FFFF;
	_ =	strace $0x9FFFFFFF  }
0xc9: {  	(tm) =	ssettm $0x7FFFFFFF  }
tec
execute0_lowered:
.L_overlay_start_1:
0x0: {  	(tag) =	ssettag $0x1  }
0x1: {  	s0 =	rddreg [dreg:$0x0]  }
0x2: {  	s1 =	rddreg [dreg:$0x1]  }
0x3: {  	s2 =	rddreg [dreg:$0x2]  }
0x4: {  	s3 =	srdreg.scid;
	s4 =	simm.s32 $0x0;
	s10 =	stileid.u32  }
0x5: {  	s12 =	simm.s32 $0x80;
	s14 =	simm.s32 $0x3E80;
	s16 =	simm.s32 $0x3500  }
0x6: {  	s17 =	simm.s32 $0x3580;
	s18 =	simm.s32 $0x3600;
	s19 =	simm.s32 $0x3680  }
0x7: {  	s20 =	simm.s32 $0x3700;
	s21 =	simm.s32 $0x3780;
	s22 =	simm.s32 $0x3800  }
0x8: {  	s23 =	simm.s32 $0x3880;
	s28 =	simm.s32 $0x3A80;
	s29 =	simm.s32 $0x3B00  }
0x9: {  	s30 =	simm.s32 $0x3B80;
	s31 =	simm.s32 $0x3C00;
	s3 =	sand.u32 $0x1, s3  }
0xa: {  	[smem:$0x7FF] =	sst s4;
	s5 =	smul.u32 $0x280, s10;
	s26 =	sshll.u32 s10, $0x5  }
0xb: {  	s24 =	sshll.u32 s3, $0x4;
	s6 =	ssub.s32 $0x2, s3;
	s3 =	smul.u32 $0x2800, s3  }
0xc: {  	_ =	strace $0x80000047;
	s9 =	sor.u32 s10, s24;
	s25 =	sshrl.u32 s6, $0x1  }
0xd: {  	s10 =	simm.s32 $0x2;
	s24 =	simm.s32 $0x3900;
	s7 =	smul.u32 $0x4E0, s9  }
0xe: {  	s8 =	ssub.s32 s6, s25;
	s3 =	sadd.s32 s5, s3;
	s5 =	sadd.s32 s5, s2  }
0xf: {  	p0 =	sgt.u32 s9, $0x1;
	s25 =	simm.s32 $0x3980;
	s9 =	simm.s32 $0x0  }
0x10: {  	s3 =	sshrl.u32 s3, $0x3;
	s8 =	smax.u32 s8, $0x1;
	s4 =	sadd.s32 s0, s7  }
0x11: {  	s0 =	sadd.s32 s26, s0;
	s7 =	sadd.s32 s1, s3;
	s26 =	simm.s32 $0x3A00  }
0x12: {  	v0 =	vimm.f32 $1.000000000e+00;
	v1 =	vimm.f32 $0.0e+00;
	s3 =	simm.s32 $0x1;
	s6 =	sadd.s32 $0x9C00, s0;
	s0 =	simm.s32 $0x3C80  }
.LBB2_1:
0x13: {  	[tilespmem:$0x3E80] =	vst v0  }
0x14: {  	[tilespmem:$0x3E90] =	vst v0  }
0x15: {  	[tilespmem:$0x3EA0] =	vst v0  }
0x16: {  	[tilespmem:$0x3EB0] =	vst v0  }
0x17: {  	[tilespmem:$0x3EC0] =	vst v0  }
0x18: {  	[tilespmem:$0x3ED0] =	vst v0  }
0x19: {  	[tilespmem:$0x3EE0] =	vst v0  }
0x1a: {  	[tilespmem:$0x3EF0] =	vst v0  }
0x1b: {  	[tilespmem:$0x3F00] =	vst v1  }
0x1c: {  	[tilespmem:$0x3F10] =	vst v1  }
0x1d: {  	[tilespmem:$0x3F20] =	vst v1  }
0x1e: {  	[tilespmem:$0x3F30] =	vst v1  }
0x1f: {  	[tilespmem:$0x3F40] =	vst v1  }
0x20: {  	[tilespmem:$0x3F50] =	vst v1  }
0x21: {  	[tilespmem:$0x3F60] =	vst v1  }
0x22: {  	[tilespmem:$0x3F70] =	vst v1  }
0x23: {  	[tilespmem:$0x3F80] =	vst v1  }
0x24: {  	[tilespmem:$0x3F90] =	vst v1  }
0x25: {  	[tilespmem:$0x3FA0] =	vst v1  }
0x26: {  	[tilespmem:$0x3FB0] =	vst v1  }
0x27: {  	[tilespmem:$0x3FC0] =	vst v1  }
0x28: {  	[tilespmem:$0x3FD0] =	vst v1  }
0x29: {  	[tilespmem:$0x3FE0] =	vst v1  }
0x2a: {  	[tilespmem:$0x3FF0] =	vst v1  }
0x2b: {  	[tilespmem:$0x4000] =	vst v1  }
0x2c: {  	[tilespmem:$0x4010] =	vst v1  }
0x2d: {  	[tilespmem:$0x4020] =	vst v1  }
0x2e: {  	[tilespmem:$0x4030] =	vst v1  }
0x2f: {  	[tilespmem:$0x4040] =	vst v1  }
0x30: {  	[tilespmem:$0x4050] =	vst v1  }
0x31: {  	[tilespmem:$0x4060] =	vst v1  }
0x32: {  	[tilespmem:$0x4070] =	vst v1  }
0x33: {  	[tilespmem:$0x4080] =	vst v1  }
0x34: {  	[tilespmem:$0x4090] =	vst v1  }
0x35: {  	[tilespmem:$0x40A0] =	vst v1  }
0x36: {  	[tilespmem:$0x40B0] =	vst v1  }
0x37: {  	[tilespmem:$0x40C0] =	vst v1  }
0x38: {  	[tilespmem:$0x40D0] =	vst v1  }
0x39: {  	[tilespmem:$0x40E0] =	vst v1  }
0x3a: {  	[tilespmem:$0x40F0] =	vst v1  }
0x3b: {  	[tilespmem:$0x4100] =	vst v1  }
0x3c: {  	[tilespmem:$0x4110] =	vst v1  }
0x3d: {  	[tilespmem:$0x4120] =	vst v1  }
0x3e: {  	[tilespmem:$0x4130] =	vst v1  }
0x3f: {  	[tilespmem:$0x4140] =	vst v1  }
0x40: {  	[tilespmem:$0x4150] =	vst v1  }
0x41: {  	[tilespmem:$0x4160] =	vst v1  }
0x42: {  	[tilespmem:$0x4170] =	vst v1;
	s1 =	simm.s32 $0x0;
	s11 =	simm.s32 $0x280  }
0x43: {  	[tilespmem:s11], [sflag:$0x2] =	stream.linear.gather [hbm4b:s4+s1], $0x2700, $0x38;
	[tilespmem:$0x4180] =	vst v63  }
0x44: {  	_ =	swait.ge [sflag:s10], $0x2700  }
0x45: {  	[sflag:s10] =	ssyncset.done $0x0  }
0x46: {  	s13 =	simm.s32 $0x3F00;
	[sflag:s10] =	ssyncadd.s32 $0xFFFFD900  }
0x47: {  	[spmem:s5] =	stream.linear.scatter [tilespmem:s13], [sflag:$0x2], $0x280, $0x38;
	[tilespmem:$0x4180] =	vst v63  }
0x48: {  	_ =	swait.ge [sflag:s10], $0x280  }
0x49: {  	[sflag:s10] =	ssyncset.done $0x0  }
0x4a: {  	s15 =	simm.s32 $0x0;
	[sflag:s10] =	ssyncadd.s32 $0xFFFFFD80  }
0x4b: {  	v2 =	vld [tilespmem:s15+$0x300];
	_ =	sdelay $0x3  }
0x4c: {  	s1 =	simm.s32 $0x29C0  }
0x4d: {  	[tilespmem:s1+$0xFFFFFFC0] =	vst v2  }
0x4e: {  	v2 =	vld [tilespmem:s15+$0x310];
	_ =	sdelay $0x4  }
0x4f: {  	[tilespmem:s1+$0xFFFFFFD0] =	vst v2  }
0x50: {  	v2 =	vld [tilespmem:s15+$0x320];
	_ =	sdelay $0x4  }
0x51: {  	[tilespmem:s1+$0xFFFFFFE0] =	vst v2  }
0x52: {  	v2 =	vld [tilespmem:s15+$0x330];
	_ =	sdelay $0x4  }
0x53: {  	[tilespmem:s1+$0xFFFFFFF0] =	vst v2  }
0x54: {  	v2 =	vld [tilespmem:s15+$0x340];
	_ =	sdelay $0x4  }
0x55: {  	[tilespmem:s1+$0x0] =	vst v2  }
0x56: {  	v2 =	vld [tilespmem:s15+$0x350];
	_ =	sdelay $0x4  }
0x57: {  	[tilespmem:s1+$0x10] =	vst v2  }
0x58: {  	v2 =	vld [tilespmem:s15+$0x360];
	_ =	sdelay $0x4  }
0x59: {  	[tilespmem:s1+$0x20] =	vst v2  }
0x5a: {  	v2 =	vld [tilespmem:s15+$0x370];
	_ =	sdelay $0x4  }
0x5b: {  	s11 =	simm.s32 $0x100;
	s13 =	simm.s32 $0x800;
	[tilespmem:s1+$0x30] =	vst v2  }
.LBB2_2:
0x5c: {  	p1 =	sne.s32 s13, $0x9800;
	v2 =	vld [tilespmem:s11+$0x300];
	_ =	sdelay $0x3  }
0x5d: {  	s1 =	sadd.s32 $0x80, s1  }
0x5e: {  	[tilespmem:s1+$0xFFFFFFC0] =	vst v2  }
0x5f: {  	v2 =	vld [tilespmem:s11+$0x310];
	_ =	sdelay $0x4  }
0x60: {  	[tilespmem:s1+$0xFFFFFFD0] =	vst v2  }
0x61: {  	v2 =	vld [tilespmem:s11+$0x320];
	_ =	sdelay $0x4  }
0x62: {  	[tilespmem:s1+$0xFFFFFFE0] =	vst v2  }
0x63: {  	v2 =	vld [tilespmem:s11+$0x330];
	_ =	sdelay $0x4  }
0x64: {  	[tilespmem:s1+$0xFFFFFFF0] =	vst v2  }
0x65: {  	v2 =	vld [tilespmem:s11+$0x340];
	_ =	sdelay $0x4  }
0x66: {  	[tilespmem:s1+$0x0] =	vst v2  }
0x67: {  	v2 =	vld [tilespmem:s11+$0x350];
	_ =	sdelay $0x4  }
0x68: {  	[tilespmem:s1+$0x10] =	vst v2  }
0x69: {  	v2 =	vld [tilespmem:s11+$0x360];
	_ =	sdelay $0x4  }
0x6a: {  	[tilespmem:s1+$0x20] =	vst v2  }
0x6b: {  	v2 =	vld [tilespmem:s11+$0x370]  }
.Ltmp0:
0x6c: {  	(pc) =	sbr.rel @p1 .LBB2_2-.Ltmp0, $2  }
0x6d: {  	_ =	sdelay $0x2  }
0x6e: {  	s11 =	sshra.s32 s13, $0x2;
	s13 =	sadd.s32 $0x400, s13;
	[tilespmem:s1+$0x30] =	vst v2  }
0x6f: {  	v2 =	vld [tilespmem:s11+$0x300];
	_ =	sdelay $0x3  }
0x70: {  	s1 =	sadd.s32 $0x80, s1  }
0x71: {  	[tilespmem:s1+$0xFFFFFFC0] =	vst v2  }
0x72: {  	v2 =	vld [tilespmem:s11+$0x310];
	_ =	sdelay $0x4  }
0x73: {  	[tilespmem:s1+$0xFFFFFFD0] =	vst v2  }
0x74: {  	v2 =	vld [tilespmem:s11+$0x320];
	_ =	sdelay $0x4  }
0x75: {  	[tilespmem:s1+$0xFFFFFFE0] =	vst v2  }
0x76: {  	v2 =	vld [tilespmem:s11+$0x330];
	_ =	sdelay $0x4  }
0x77: {  	[tilespmem:s1+$0xFFFFFFF0] =	vst v2  }
0x78: {  	v2 =	vld [tilespmem:s11+$0x340];
	_ =	sdelay $0x4  }
0x79: {  	[tilespmem:s1+$0x0] =	vst v2  }
0x7a: {  	v2 =	vld [tilespmem:s11+$0x350];
	_ =	sdelay $0x4  }
0x7b: {  	[tilespmem:s1+$0x10] =	vst v2  }
0x7c: {  	v2 =	vld [tilespmem:s11+$0x360];
	_ =	sdelay $0x4  }
0x7d: {  	[tilespmem:s1+$0x20] =	vst v2  }
0x7e: {  	v2 =	vld [tilespmem:s11+$0x370];
	_ =	sdelay $0x4  }
0x7f: {  	[tilespmem:s1+$0x30] =	vst v2  }
0x80: {  	s15 =	simm.s32 $0x2980;
	[bflag:$0x0] =	sbarrier.arrive $0xFFFF  }
0x81: {  	[spmem:s2] =	stream.indirect.scatter.add.f32 [tilespmem:s14], [sflag:$0x1], $0x1, s15, s12, $0xb8;
	[tilespmem:$0x4180] =	vst v63  }
0x82: {  	s11 =	simm.s32 $0x2A00  }
0x83: {  	[spmem:s2] =	stream.indirect.scatter.add.f32 [tilespmem:s14], [sflag:$0x1], $0x1, s11, s12, $0xb8;
	[tilespmem:$0x4180] =	vst v63  }
0x84: {  	s13 =	simm.s32 $0x2A80  }
0x85: {  	[spmem:s2] =	stream.indirect.scatter.add.f32 [tilespmem:s14], [sflag:$0x1], $0x1, s13, s12, $0xb8;
	[tilespmem:$0x4180] =	vst v63  }
0x86: {  	s15 =	simm.s32 $0x2B00  }
0x87: {  	[spmem:s2] =	stream.indirect.scatter.add.f32 [tilespmem:s14], [sflag:$0x1], $0x1, s15, s12, $0xb8;
	[tilespmem:$0x4180] =	vst v63  }
0x88: {  	s11 =	simm.s32 $0x2B80  }
0x89: {  	[spmem:s2] =	stream.indirect.scatter.add.f32 [tilespmem:s14], [sflag:$0x1], $0x1, s11, s12, $0xb8;
	[tilespmem:$0x4180] =	vst v63  }
0x8a: {  	s13 =	simm.s32 $0x2C00  }
0x8b: {  	[spmem:s2] =	stream.indirect.scatter.add.f32 [tilespmem:s14], [sflag:$0x1], $0x1, s13, s12, $0xb8;
	[tilespmem:$0x4180] =	vst v63  }
0x8c: {  	s15 =	simm.s32 $0x2C80  }
0x8d: {  	[spmem:s2] =	stream.indirect.scatter.add.f32 [tilespmem:s14], [sflag:$0x1], $0x1, s15, s12, $0xb8;
	[tilespmem:$0x4180] =	vst v63  }
0x8e: {  	s11 =	simm.s32 $0x2D00  }
0x8f: {  	[spmem:s2] =	stream.indirect.scatter.add.f32 [tilespmem:s14], [sflag:$0x1], $0x1, s11, s12, $0xb8;
	[tilespmem:$0x4180] =	vst v63  }
0x90: {  	s13 =	simm.s32 $0x2D80  }
0x91: {  	[spmem:s2] =	stream.indirect.scatter.add.f32 [tilespmem:s14], [sflag:$0x1], $0x1, s13, s12, $0xb8;
	[tilespmem:$0x4180] =	vst v63  }
0x92: {  	s15 =	simm.s32 $0x2E00  }
0x93: {  	[spmem:s2] =	stream.indirect.scatter.add.f32 [tilespmem:s14], [sflag:$0x1], $0x1, s15, s12, $0xb8;
	[tilespmem:$0x4180] =	vst v63  }
0x94: {  	s11 =	simm.s32 $0x2E80  }
0x95: {  	[spmem:s2] =	stream.indirect.scatter.add.f32 [tilespmem:s14], [sflag:$0x1], $0x1, s11, s12, $0xb8;
	[tilespmem:$0x4180] =	vst v63  }
0x96: {  	s13 =	simm.s32 $0x2F00  }
0x97: {  	[spmem:s2] =	stream.indirect.scatter.add.f32 [tilespmem:s14], [sflag:$0x1], $0x1, s13, s12, $0xb8;
	[tilespmem:$0x4180] =	vst v63  }
0x98: {  	s15 =	simm.s32 $0x2F80  }
0x99: {  	[spmem:s2] =	stream.indirect.scatter.add.f32 [tilespmem:s14], [sflag:$0x1], $0x1, s15, s12, $0xb8;
	[tilespmem:$0x4180] =	vst v63  }
0x9a: {  	s11 =	simm.s32 $0x3000  }
0x9b: {  	[spmem:s2] =	stream.indirect.scatter.add.f32 [tilespmem:s14], [sflag:$0x1], $0x1, s11, s12, $0xb8;
	[tilespmem:$0x4180] =	vst v63  }
0x9c: {  	s13 =	simm.s32 $0x3080  }
0x9d: {  	[spmem:s2] =	stream.indirect.scatter.add.f32 [tilespmem:s14], [sflag:$0x1], $0x1, s13, s12, $0xb8;
	[tilespmem:$0x4180] =	vst v63  }
0x9e: {  	s15 =	simm.s32 $0x3100  }
0x9f: {  	[spmem:s2] =	stream.indirect.scatter.add.f32 [tilespmem:s14], [sflag:$0x1], $0x1, s15, s12, $0xb8;
	[tilespmem:$0x4180] =	vst v63  }
0xa0: {  	s11 =	simm.s32 $0x3180  }
0xa1: {  	[spmem:s2] =	stream.indirect.scatter.add.f32 [tilespmem:s14], [sflag:$0x1], $0x1, s11, s12, $0xb8;
	[tilespmem:$0x4180] =	vst v63  }
0xa2: {  	s13 =	simm.s32 $0x3200  }
0xa3: {  	[spmem:s2] =	stream.indirect.scatter.add.f32 [tilespmem:s14], [sflag:$0x1], $0x1, s13, s12, $0xb8;
	[tilespmem:$0x4180] =	vst v63  }
0xa4: {  	s15 =	simm.s32 $0x3280  }
0xa5: {  	[spmem:s2] =	stream.indirect.scatter.add.f32 [tilespmem:s14], [sflag:$0x1], $0x1, s15, s12, $0xb8;
	[tilespmem:$0x4180] =	vst v63  }
0xa6: {  	s11 =	simm.s32 $0x3300  }
0xa7: {  	[spmem:s2] =	stream.indirect.scatter.add.f32 [tilespmem:s14], [sflag:$0x1], $0x1, s11, s12, $0xb8;
	[tilespmem:$0x4180] =	vst v63  }
0xa8: {  	s13 =	simm.s32 $0x3380  }
0xa9: {  	[spmem:s2] =	stream.indirect.scatter.add.f32 [tilespmem:s14], [sflag:$0x1], $0x1, s13, s12, $0xb8;
	[tilespmem:$0x4180] =	vst v63  }
0xaa: {  	s15 =	simm.s32 $0x3400  }
0xab: {  	[spmem:s2] =	stream.indirect.scatter.add.f32 [tilespmem:s14], [sflag:$0x1], $0x1, s15, s12, $0xb8;
	[tilespmem:$0x4180] =	vst v63  }
0xac: {  	s11 =	simm.s32 $0x3480  }
0xad: {  	[spmem:s2] =	stream.indirect.scatter.add.f32 [tilespmem:s14], [sflag:$0x1], $0x1, s11, s12, $0xb8;
	[tilespmem:$0x4180] =	vst v63  }
0xae: {  	_ = 	snop  }
0xaf: {  	[spmem:s2] =	stream.indirect.scatter.add.f32 [tilespmem:s14], [sflag:$0x1], $0x1, s16, s12, $0xb8;
	[tilespmem:$0x4180] =	vst v63  }
0xb0: {  	_ = 	snop  }
0xb1: {  	[spmem:s2] =	stream.indirect.scatter.add.f32 [tilespmem:s14], [sflag:$0x1], $0x1, s17, s12, $0xb8;
	[tilespmem:$0x4180] =	vst v63  }
0xb2: {  	_ = 	snop  }
0xb3: {  	[spmem:s2] =	stream.indirect.scatter.add.f32 [tilespmem:s14], [sflag:$0x1], $0x1, s18, s12, $0xb8;
	[tilespmem:$0x4180] =	vst v63  }
0xb4: {  	_ = 	snop  }
0xb5: {  	[spmem:s2] =	stream.indirect.scatter.add.f32 [tilespmem:s14], [sflag:$0x1], $0x1, s19, s12, $0xb8;
	[tilespmem:$0x4180] =	vst v63  }
0xb6: {  	_ = 	snop  }
0xb7: {  	[spmem:s2] =	stream.indirect.scatter.add.f32 [tilespmem:s14], [sflag:$0x1], $0x1, s20, s12, $0xb8;
	[tilespmem:$0x4180] =	vst v63  }
0xb8: {  	_ = 	snop  }
0xb9: {  	[spmem:s2] =	stream.indirect.scatter.add.f32 [tilespmem:s14], [sflag:$0x1], $0x1, s21, s12, $0xb8;
	[tilespmem:$0x4180] =	vst v63  }
0xba: {  	_ = 	snop  }
0xbb: {  	[spmem:s2] =	stream.indirect.scatter.add.f32 [tilespmem:s14], [sflag:$0x1], $0x1, s22, s12, $0xb8;
	[tilespmem:$0x4180] =	vst v63  }
0xbc: {  	_ = 	snop  }
0xbd: {  	[spmem:s2] =	stream.indirect.scatter.add.f32 [tilespmem:s14], [sflag:$0x1], $0x1, s23, s12, $0xb8;
	[tilespmem:$0x4180] =	vst v63  }
0xbe: {  	_ = 	snop  }
0xbf: {  	[spmem:s2] =	stream.indirect.scatter.add.f32 [tilespmem:s14], [sflag:$0x1], $0x1, s24, s12, $0xb8;
	[tilespmem:$0x4180] =	vst v63  }
0xc0: {  	_ = 	snop  }
0xc1: {  	[spmem:s2] =	stream.indirect.scatter.add.f32 [tilespmem:s14], [sflag:$0x1], $0x1, s25, s12, $0xb8;
	[tilespmem:$0x4180] =	vst v63  }
0xc2: {  	_ = 	snop  }
0xc3: {  	[spmem:s2] =	stream.indirect.scatter.add.f32 [tilespmem:s14], [sflag:$0x1], $0x1, s26, s12, $0xb8;
	[tilespmem:$0x4180] =	vst v63  }
0xc4: {  	_ = 	snop  }
0xc5: {  	[spmem:s2] =	stream.indirect.scatter.add.f32 [tilespmem:s14], [sflag:$0x1], $0x1, s28, s12, $0xb8;
	[tilespmem:$0x4180] =	vst v63  }
0xc6: {  	_ = 	snop  }
0xc7: {  	[spmem:s2] =	stream.indirect.scatter.add.f32 [tilespmem:s14], [sflag:$0x1], $0x1, s29, s12, $0xb8;
	[tilespmem:$0x4180] =	vst v63  }
0xc8: {  	_ = 	snop  }
0xc9: {  	[spmem:s2] =	stream.indirect.scatter.add.f32 [tilespmem:s14], [sflag:$0x1], $0x1, s30, s12, $0xb8;
	[tilespmem:$0x4180] =	vst v63  }
0xca: {  	_ = 	snop  }
0xcb: {  	[spmem:s2] =	stream.indirect.scatter.add.f32 [tilespmem:s14], [sflag:$0x1], $0x1, s31, s12, $0xb8;
	[tilespmem:$0x4180] =	vst v63  }
0xcc: {  	_ = 	snop  }
0xcd: {  	[spmem:s2] =	stream.indirect.scatter.add.f32 [tilespmem:s14], [sflag:$0x1], $0x1, s0, s12, $0xb8;
	[tilespmem:$0x4180] =	vst v63  }
0xce: {  	s1 =	simm.s32 @!p0 $0x0;
	s11 =	simm.s32 @!p0 $0x3D80  }
0xcf: {  	[tilespmem:s11], [sflag:$0x2] =	stream.linear.gather @!p0 [hbm4b:s6+s1], $0x100, $0x38;
	[tilespmem:$0x4180] =	vst v63  }
0xd0: {  	s1 =	simm.s32 @!p0 $0x2  }
0xd1: {  	_ =	swait.ge @!p0 [sflag:s1], $0x100  }
0xd2: {  	[sflag:s1] =	ssyncset.done @!p0 $0x0  }
0xd3: {  	[sflag:s1] =	ssyncadd.s32 @!p0 $0xFFFFFF00  }
0xd4: {  	v2 =	vld @!p0 [tilespmem:$0x3E00]  }
0xd5: {  	v3 =	vld @!p0 [tilespmem:$0x3E10]  }
0xd6: {  	v4 =	vld @!p0 [tilespmem:$0x3E20]  }
0xd7: {  	v5 =	vld @!p0 [tilespmem:$0x3E30]  }
0xd8: {  	v6 =	vld @!p0 [tilespmem:$0x3E40]  }
0xd9: {  	[tilespmem:$0x3D00] =	vst @!p0 v2;
	v2 =	vld @!p0 [tilespmem:$0x3E50]  }
0xda: {  	[tilespmem:$0x3D10] =	vst @!p0 v3;
	v3 =	vld @!p0 [tilespmem:$0x3E60]  }
0xdb: {  	[tilespmem:$0x3D20] =	vst @!p0 v4;
	v4 =	vld @!p0 [tilespmem:$0x3E70]  }
0xdc: {  	[tilespmem:$0x3D30] =	vst @!p0 v5  }
0xdd: {  	[tilespmem:$0x3D40] =	vst @!p0 v6  }
0xde: {  	[tilespmem:$0x3D50] =	vst @!p0 v2  }
0xdf: {  	[tilespmem:$0x3D60] =	vst @!p0 v3  }
0xe0: {  	s13 =	simm.s32 @!p0 $0x3D00;
	s15 =	simm.s32 @!p0 $0x3E80;
	s11 =	simm.s32 @!p0 $0x80;
	[tilespmem:$0x3D70] =	vst @!p0 v4  }
0xe1: {  	[spmem:s2] =	stream.indirect.scatter.add.f32 @!p0 [tilespmem:s15], [sflag:$0x2], $0x1, s13, s11, $0xb8;
	[tilespmem:$0x4180] =	vst v63  }
0xe2: {  	_ =	swait.ge @!p0 [sflag:s1], $0x80  }
0xe3: {  	[sflag:s1] =	ssyncset.done @!p0 $0x0  }
0xe4: {  	[sflag:s1] =	ssyncadd.s32 @!p0 $0xFFFFFF80  }
0xe5: {  	_ =	swait.ge [sflag:s3], $0x80  }
0xe6: {  	[sflag:s3] =	ssyncset.done $0x0  }
0xe7: {  	[sflag:s3] =	ssyncadd.s32 $0xFFFFFF80  }
0xe8: {  	_ =	swait.ge [sflag:s3], $0x80  }
0xe9: {  	[sflag:s3] =	ssyncset.done $0x0  }
0xea: {  	[sflag:s3] =	ssyncadd.s32 $0xFFFFFF80  }
0xeb: {  	_ =	swait.ge [sflag:s3], $0x80  }
0xec: {  	[sflag:s3] =	ssyncset.done $0x0  }
0xed: {  	[sflag:s3] =	ssyncadd.s32 $0xFFFFFF80  }
0xee: {  	_ =	swait.ge [sflag:s3], $0x80  }
0xef: {  	[sflag:s3] =	ssyncset.done $0x0  }
0xf0: {  	[sflag:s3] =	ssyncadd.s32 $0xFFFFFF80  }
0xf1: {  	_ =	swait.ge [sflag:s3], $0x80  }
0xf2: {  	[sflag:s3] =	ssyncset.done $0x0  }
0xf3: {  	[sflag:s3] =	ssyncadd.s32 $0xFFFFFF80  }
0xf4: {  	_ =	swait.ge [sflag:s3], $0x80  }
0xf5: {  	[sflag:s3] =	ssyncset.done $0x0  }
0xf6: {  	[sflag:s3] =	ssyncadd.s32 $0xFFFFFF80  }
0xf7: {  	_ =	swait.ge [sflag:s3], $0x80  }
0xf8: {  	[sflag:s3] =	ssyncset.done $0x0  }
0xf9: {  	[sflag:s3] =	ssyncadd.s32 $0xFFFFFF80  }
0xfa: {  	_ =	swait.ge [sflag:s3], $0x80  }
0xfb: {  	[sflag:s3] =	ssyncset.done $0x0  }
0xfc: {  	[sflag:s3] =	ssyncadd.s32 $0xFFFFFF80  }
0xfd: {  	_ =	swait.ge [sflag:s3], $0x80  }
0xfe: {  	[sflag:s3] =	ssyncset.done $0x0  }
0xff: {  	[sflag:s3] =	ssyncadd.s32 $0xFFFFFF80  }
0x100: {  	_ =	swait.ge [sflag:s3], $0x80  }
0x101: {  	[sflag:s3] =	ssyncset.done $0x0  }
0x102: {  	[sflag:s3] =	ssyncadd.s32 $0xFFFFFF80  }
0x103: {  	_ =	swait.ge [sflag:s3], $0x80  }
0x104: {  	[sflag:s3] =	ssyncset.done $0x0  }
0x105: {  	[sflag:s3] =	ssyncadd.s32 $0xFFFFFF80  }
0x106: {  	_ =	swait.ge [sflag:s3], $0x80  }
0x107: {  	[sflag:s3] =	ssyncset.done $0x0  }
0x108: {  	[sflag:s3] =	ssyncadd.s32 $0xFFFFFF80  }
0x109: {  	_ =	swait.ge [sflag:s3], $0x80  }
0x10a: {  	[sflag:s3] =	ssyncset.done $0x0  }
0x10b: {  	[sflag:s3] =	ssyncadd.s32 $0xFFFFFF80  }
0x10c: {  	_ =	swait.ge [sflag:s3], $0x80  }
0x10d: {  	[sflag:s3] =	ssyncset.done $0x0  }
0x10e: {  	[sflag:s3] =	ssyncadd.s32 $0xFFFFFF80  }
0x10f: {  	_ =	swait.ge [sflag:s3], $0x80  }
0x110: {  	[sflag:s3] =	ssyncset.done $0x0  }
0x111: {  	[sflag:s3] =	ssyncadd.s32 $0xFFFFFF80  }
0x112: {  	_ =	swait.ge [sflag:s3], $0x80  }
0x113: {  	[sflag:s3] =	ssyncset.done $0x0  }
0x114: {  	[sflag:s3] =	ssyncadd.s32 $0xFFFFFF80  }
0x115: {  	_ =	swait.ge [sflag:s3], $0x80  }
0x116: {  	[sflag:s3] =	ssyncset.done $0x0  }
0x117: {  	[sflag:s3] =	ssyncadd.s32 $0xFFFFFF80  }
0x118: {  	_ =	swait.ge [sflag:s3], $0x80  }
0x119: {  	[sflag:s3] =	ssyncset.done $0x0  }
0x11a: {  	[sflag:s3] =	ssyncadd.s32 $0xFFFFFF80  }
0x11b: {  	_ =	swait.ge [sflag:s3], $0x80  }
0x11c: {  	[sflag:s3] =	ssyncset.done $0x0  }
0x11d: {  	[sflag:s3] =	ssyncadd.s32 $0xFFFFFF80  }
0x11e: {  	_ =	swait.ge [sflag:s3], $0x80  }
0x11f: {  	[sflag:s3] =	ssyncset.done $0x0  }
0x120: {  	[sflag:s3] =	ssyncadd.s32 $0xFFFFFF80  }
0x121: {  	_ =	swait.ge [sflag:s3], $0x80  }
0x122: {  	[sflag:s3] =	ssyncset.done $0x0  }
0x123: {  	[sflag:s3] =	ssyncadd.s32 $0xFFFFFF80  }
0x124: {  	_ =	swait.ge [sflag:s3], $0x80  }
0x125: {  	[sflag:s3] =	ssyncset.done $0x0  }
0x126: {  	[sflag:s3] =	ssyncadd.s32 $0xFFFFFF80  }
0x127: {  	_ =	swait.ge [sflag:s3], $0x80  }
0x128: {  	[sflag:s3] =	ssyncset.done $0x0  }
0x129: {  	[sflag:s3] =	ssyncadd.s32 $0xFFFFFF80  }
0x12a: {  	_ =	swait.ge [sflag:s3], $0x80  }
0x12b: {  	[sflag:s3] =	ssyncset.done $0x0  }
0x12c: {  	[sflag:s3] =	ssyncadd.s32 $0xFFFFFF80  }
0x12d: {  	_ =	swait.ge [sflag:s3], $0x80  }
0x12e: {  	[sflag:s3] =	ssyncset.done $0x0  }
0x12f: {  	[sflag:s3] =	ssyncadd.s32 $0xFFFFFF80  }
0x130: {  	_ =	swait.ge [sflag:s3], $0x80  }
0x131: {  	[sflag:s3] =	ssyncset.done $0x0  }
0x132: {  	[sflag:s3] =	ssyncadd.s32 $0xFFFFFF80  }
0x133: {  	_ =	swait.ge [sflag:s3], $0x80  }
0x134: {  	[sflag:s3] =	ssyncset.done $0x0  }
0x135: {  	[sflag:s3] =	ssyncadd.s32 $0xFFFFFF80  }
0x136: {  	_ =	swait.ge [sflag:s3], $0x80  }
0x137: {  	[sflag:s3] =	ssyncset.done $0x0  }
0x138: {  	[sflag:s3] =	ssyncadd.s32 $0xFFFFFF80  }
0x139: {  	_ =	swait.ge [sflag:s3], $0x80  }
0x13a: {  	[sflag:s3] =	ssyncset.done $0x0  }
0x13b: {  	[sflag:s3] =	ssyncadd.s32 $0xFFFFFF80  }
0x13c: {  	_ =	swait.ge [sflag:s3], $0x80  }
0x13d: {  	[sflag:s3] =	ssyncset.done $0x0  }
0x13e: {  	[sflag:s3] =	ssyncadd.s32 $0xFFFFFF80  }
0x13f: {  	_ =	swait.ge [sflag:s3], $0x80  }
0x140: {  	[sflag:s3] =	ssyncset.done $0x0  }
0x141: {  	[sflag:s3] =	ssyncadd.s32 $0xFFFFFF80  }
0x142: {  	_ =	swait.ge [sflag:s3], $0x80  }
0x143: {  	[sflag:s3] =	ssyncset.done $0x0  }
0x144: {  	[sflag:s3] =	ssyncadd.s32 $0xFFFFFF80  }
0x145: {  	_ =	swait.ge [sflag:s3], $0x80  }
0x146: {  	[sflag:s3] =	ssyncset.done $0x0  }
0x147: {  	[sflag:s3] =	ssyncadd.s32 $0xFFFFFF80  }
0x148: {  	_ =	swait.ge [sflag:s3], $0x80  }
0x149: {  	[sflag:s3] =	ssyncset.done $0x0  }
0x14a: {  	[sflag:s3] =	ssyncadd.s32 $0xFFFFFF80  }
0x14b: {  	_ =	swait.ge [sflag:s3], $0x80  }
0x14c: {  	[sflag:s3] =	ssyncset.done $0x0  }
0x14d: {  	[sflag:s3] =	ssyncadd.s32 $0xFFFFFF80  }
0x14e: {  	_ =	swait.ge [sflag:s3], $0x80  }
0x14f: {  	[sflag:s3] =	ssyncset.done $0x0  }
0x150: {  	[sflag:s3] =	ssyncadd.s32 $0xFFFFFF80  }
0x151: {  	_ =	swait.ge [sflag:s3], $0x80  }
0x152: {  	[sflag:s3] =	ssyncset.done $0x0  }
0x153: {  	[sflag:s3] =	ssyncadd.s32 $0xFFFFFF80  }
0x154: {  	_ =	swait.ge [sflag:s3], $0x80  }
0x155: {  	[sflag:s3] =	ssyncset.done $0x0  }
0x156: {  	[sflag:s3] =	ssyncadd.s32 $0xFFFFFF80  }
0x157: {  	s9 =	sadd.s32 $0x1, s9;
	_ =	swait.ge [sflag:s3], $0x80  }
0x158: {  	p1 =	sne.s32 s9, s8;
	s13 =	stileid.u32;
	[sflag:s3] =	ssyncset.done $0x0  }
0x159: {  	s15 =	sshrl.u32 s5, $0x3;
	s1 =	sshll.u32 s13, $0x6;
	[sflag:s3] =	ssyncadd.s32 $0xFFFFFF80  }
.Ltmp1:
0x15a: {  	s1 =	sor.u32 $0x1C02, s1;
	[bflag:$0x0] =	sbarrier.arrive $0xFFFF;
	(pc) =	sbr.rel @p1 .LBB2_1-.Ltmp1, $4  }
0x15b: {  	[hbm:s7], [sflag:s1] =	dma.local [spmem:s15], $0x50  }
0x15c: {  	_ =	swait.ge [sflag:s10], $0x50  }
0x15d: {  	[sflag:s10] =	ssyncset.done $0x0  }
0x15e: {  	[sflag:s10] =	ssyncadd.s32 $0xFFFFFFB0  }
0x15f: {  	_ =	sfence.sel $0x180000  }
0x160: {  	[bflag:$0x0] =	sbarrier.arrive $0xFFFF  }
0x161: {  	_ =	strace $0x90000047  }
0x162: {  	s0 =	stileid.u32;
	[bflag:$0x2] =	sbarrier.arrive $0xFFFF  }
0x163: {  	p0 =	sne.s32 s0, $0x0;
	s0 =	rddreg [dreg:$0x3]  }
0x164: {  	s0 =	sadd.s32 @!p0 $0x100000, s0  }
0x165: {  	[sflag:s0] =	ssyncadd.tile.s32 @!p0 $0x1;
	_ =	shalt  }
.Lfunc_end2:
_tile_overlayer_lowered:
.L_overlay_start_2:
0x166: {  	(tag) =	ssettag $0x2  }
0x167: {  	s0 =	rddreg [dreg:$0x0];
	s2 =	stileid.u32  }
0x168: {  	s1 =	rddreg [dreg:$0x1];
	p0 =	sne.s32 s2, $0x0  }
0x169: {  	s3 =	rddreg [dreg:$0x2];
	[bflag:$0x3] =	sbarrier.arrive $0xFFFF;
	s2 =	simm.s32 @!p0 $0x1C02  }
0x16a: {  	[timem:s3], [sflag:s2] =	dma.local @!p0 [hbm:s0], s1  }
0x16b: {  	s0 =	simm.s32 @!p0 $0x2  }
0x16c: {  	_ =	swait.ge @!p0 [sflag:s0], s1  }
0x16d: {  	s1 =	ssub.s32 @!p0 $0x0, s1;
	[sflag:s0] =	ssyncset.done @!p0 $0x0  }
0x16e: {  	[sflag:s0] =	ssyncadd.s32 @!p0 s1  }
0x16f: {  	[bflag:$0x3] =	sbarrier.arrive $0xFFFF  }
0x170: {  	_ =	shalt  }

// kernel: kernel.9.cloned.1.call-start
scs
__scs_entry_jumppad:
0x0: {  	(pc) =	sbr.rel $0x88, $3  }
0x1: {  	(tag) =	ssettag $0x0;
	lr =	simm.s32 $0x1  }
0x2: {  	[smem:$0x3F9D] =	sst lr;
	_ =	strace $0xD0000000  }
0x3: {  	_ = 	snop  }
0x4: {  	_ = 	snop  }
0x5: {  	_ = 	snop  }
0x6: {  	_ = 	snop  }
0x7: {  	_ = 	snop  }
__scs_overlays_trampoline_lowered:
0x8: {  	[smem:$0x3FAC] =	sst s0  }
0x9: {  	[smem:$0x3FAD] =	sst s1  }
0xa: {  	[smem:$0x3FAE] =	sst s2  }
0xb: {  	[smem:$0x3FAF] =	sst s3  }
0xc: {  	[smem:$0x3FB0] =	sst s4  }
0xd: {  	[smem:$0x3FB1] =	sst s5  }
0xe: {  	[smem:$0x3FB2] =	sst s6  }
0xf: {  	[smem:$0x3FB3] =	sst s7  }
0x10: {  	[smem:$0x3FB4] =	sst s8  }
0x11: {  	[smem:$0x3FB5] =	sst s9;
	s0 =	simm.s32 @!p0 $0x0  }
0x12: {  	s1 =	sld [smem:$0x3F9B];
	s0 =	simm.s32 @p0 $0x1  }
0x13: {  	[smem:$0x3FB6] =	sst s0;
	s0 =	simm.s32 @!p1 $0x0  }
0x14: {  	s2 =	sld [smem:$0x3F9A];
	s0 =	simm.s32 @p1 $0x1  }
0x15: {  	[smem:$0x3FB7] =	sst s0;
	s0 =	simm.s32 @!p2 $0x0  }
0x16: {  	s3 =	sld [smem:$0x3FDB];
	s0 =	simm.s32 @p2 $0x1  }
0x17: {  	s4 =	simm.s32 $0x1BF5;
	[smem:$0x3FB9] =	sst s0  }
0x18: {  	s0 =	sld [smem:$0x3F9C];
	_ =	swait.ge [sflag:s4], $0x0  }
0x19: {  	s7 =	sld [smem:$0x3F9D]  }
0x1a: {  	s8 =	sadd.s32 $0xFFFFE003, lr  }
0x1b: {  	s9 =	sadd.s32 $0xFFFFFEF7, lr;
	s5 =	simm.s32 $0xFFFFFFFF;
	p2 =	slt.u32 s8, $0xFFFFF086  }
0x1c: {  	p1 =	slt.u32 s9, $0xF7A;
	s5 =	simm.s32 @!p2 $0x0  }
0x1d: {  	s5 =	simm.s32 @p1 $0x1;
	p0 =	seq.s32 s7, s2  }
0x1e: {  	s7 =	smul.u32 @!p0 $0xF7A, s2;
	p2 =	seq.s32 @!p0 s5, $0x0  }
0x1f: {  	s9 =	smul.u32 $0xF7A, s1;
	s8 =	simm.s32 @!p0 $0x1BF5;
	p2 =	por !p2, p0  }
0x20: {  	[sflag:s8] =	ssyncset.s32 @!p0 $0xFFFFF086;
	s6 =	sadd.s32 @!p0 s3, s7;
	s7 =	simm.s32 @!p0 $0x108  }
0x21: {  	s3 =	sadd.s32 s3, s9;
	s6 =	sadd.s32 @!p0 $0x88, s6;
	s7 =	simm.s32 @p2 $0x1082  }
0x22: {  	[simem:s7], [sflag:s8] =	dma.local @!p0 [hbm:s6], $0xF7A  }
0x23: {  	s9 =	sor.u32 $0xD0000000, s2;
	s6 =	simm.s32 $0x108;
	_ =	swait.ge @!p0 [sflag:s8], $0x0  }
0x24: {  	s3 =	sadd.s32 $0x88, s3;
	s6 =	simm.s32 @!p1 $0x1082;
	[sflag:s4] =	ssyncset.s32 $0xFFFFF086  }
0x25: {  	[simem:s6], [sflag:s4] =	dma.local [hbm:s3], $0xF7A  }
0x26: {  	[smem:$0x3F9D] =	sst s1;
	(tag) =	ssettag s2;
	_ =	strace s9  }
0x27: {  	s1 =	sld [smem:$0x3FAD]  }
0x28: {  	s2 =	sld [smem:$0x3FAE]  }
0x29: {  	s4 =	sld [smem:$0x3FB0]  }
0x2a: {  	p0 =	seq.s32 s5, $0x0;
	s5 =	sld [smem:$0x3FB1]  }
0x2b: {  	s6 =	sld [smem:$0x3FB2]  }
0x2c: {  	s7 =	sld [smem:$0x3FB3]  }
0x2d: {  	s3 =	simm.s32 $0x108;
	s8 =	sld [smem:$0x3FB4]  }
0x2e: {  	s3 =	simm.s32 @!p0 $0x1082;
	s9 =	sld [smem:$0x3FB5]  }
0x2f: {  	lr =	sadd.s32 s0, s3;
	s0 =	sld [smem:$0x3FAC]  }
0x30: {  	s3 =	sld [smem:$0x3FAF]  }
0x31: {  	[smem:$0x3FB8] =	sst s10  }
0x32: {  	s10 =	sld [smem:$0x3FB6];
	_ =	sdelay $0x3  }
0x33: {  	p0 =	seq.s32 s10, $0x1;
	s10 =	sld [smem:$0x3FB8];
	_ =	sdelay $0x3  }
0x34: {  	[smem:$0x3FB8] =	sst s10  }
0x35: {  	s10 =	sld [smem:$0x3FB7];
	_ =	sdelay $0x3  }
0x36: {  	p1 =	seq.s32 s10, $0x1;
	s10 =	sld [smem:$0x3FB8];
	_ =	sdelay $0x3  }
0x37: {  	[smem:$0x3FB8] =	sst s10  }
0x38: {  	s10 =	sld [smem:$0x3FB9]  }
0x39: {  	_ = 	snop;
	(pc) =	sbr.ind lr, $3  }
0x3a: {  	_ = 	snop  }
0x3b: {  	_ = 	snop  }
0x3c: {  	p2 =	seq.s32 s10, $0x1;
	s10 =	sld [smem:$0x3FB8]  }
0x3d: {  	_ =	shalt  }
0x3e: {  	_ =	shalt  }
0x3f: {  	_ =	shalt  }
0x40: {  	_ =	shalt  }
0x41: {  	_ =	shalt  }
0x42: {  	_ =	shalt  }
0x43: {  	_ =	shalt  }
0x44: {  	_ =	shalt  }
0x45: {  	_ =	shalt  }
0x46: {  	_ =	shalt  }
0x47: {  	_ =	shalt  }
0x48: {  	_ =	shalt  }
0x49: {  	_ =	shalt  }
0x4a: {  	_ =	shalt  }
0x4b: {  	_ =	shalt  }
0x4c: {  	_ =	shalt  }
0x4d: {  	_ =	shalt  }
0x4e: {  	_ =	shalt  }
0x4f: {  	_ =	shalt  }
0x50: {  	_ =	shalt  }
0x51: {  	_ =	shalt  }
0x52: {  	_ =	shalt  }
0x53: {  	_ =	shalt  }
0x54: {  	_ =	shalt  }
0x55: {  	_ =	shalt  }
0x56: {  	_ =	shalt  }
0x57: {  	_ =	shalt  }
0x58: {  	_ =	shalt  }
0x59: {  	_ =	shalt  }
0x5a: {  	_ =	shalt  }
0x5b: {  	_ =	shalt  }
0x5c: {  	_ =	shalt  }
0x5d: {  	_ =	shalt  }
0x5e: {  	_ =	shalt  }
0x5f: {  	_ =	shalt  }
0x60: {  	_ =	shalt  }
0x61: {  	_ =	shalt  }
0x62: {  	_ =	shalt  }
0x63: {  	_ =	shalt  }
0x64: {  	_ =	shalt  }
0x65: {  	_ =	shalt  }
0x66: {  	_ =	shalt  }
0x67: {  	_ =	shalt  }
0x68: {  	_ =	shalt  }
0x69: {  	_ =	shalt  }
0x6a: {  	_ =	shalt  }
0x6b: {  	_ =	shalt  }
0x6c: {  	_ =	shalt  }
0x6d: {  	_ =	shalt  }
0x6e: {  	_ =	shalt  }
0x6f: {  	_ =	shalt  }
0x70: {  	_ =	shalt  }
0x71: {  	_ =	shalt  }
0x72: {  	_ =	shalt  }
0x73: {  	_ =	shalt  }
0x74: {  	_ =	shalt  }
0x75: {  	_ =	shalt  }
0x76: {  	_ =	shalt  }
0x77: {  	_ =	shalt  }
0x78: {  	_ =	shalt  }
0x79: {  	_ =	shalt  }
0x7a: {  	_ =	shalt  }
0x7b: {  	_ =	shalt  }
0x7c: {  	_ =	shalt  }
0x7d: {  	_ =	shalt  }
0x7e: {  	_ =	shalt  }
0x7f: {  	_ =	shalt  }
0x80: {  	_ =	shalt  }
0x81: {  	_ =	shalt  }
0x82: {  	_ =	shalt  }
0x83: {  	_ =	shalt  }
0x84: {  	_ =	shalt  }
0x85: {  	_ =	shalt  }
0x86: {  	_ =	shalt  }
0x87: {  	_ =	shalt  }
.Lfunc_end0:
.L_simem_size_0:
called_computation.1_lowered:
.L_overlay_start_0:
0x88: {  	s2 =	sld [smem:$0x3FD9]  }
0x89: {  	s3 =	sld [smem:$0x3FFE];
	_ =	sdelay $0x1  }
0x8a: {  	s1 =	srdreg.scid  }
0x8b: {  	s0 =	sand.u32 $0x1, s1  }
0x8c: {  	s17 =	sshll.u32 s0, $0xA;
	s2 =	sadd.s32 s3, s2  }
0x8d: {  	s2 =	sadd.s32 s2, s17  }
0x8e: {  	[smem:$0x3FC4] =	sst s2  }
0x8f: {  	_ = 	snop  }
0x90: {  	s2 =	sld [smem:$0x3FC8];
	(tm) =	ssettm $0x1  }
0x91: {  	s18 =	sld [smem:$0x3FFB];
	_ =	sdelay $0x3  }
0x92: {  	_ =	strace s18  }
0x93: {  	s3 =	sld [smem:$0x3FFC];
	_ =	sdelay $0x3  }
0x94: {  	_ =	strace s3  }
0x95: {  	s3 =	sld [smem:$0x3FFD];
	_ =	sdelay $0x3  }
0x96: {  	_ =	strace s3  }
0x97: {  	_ =	strace $0x8FFFFFFF  }
0x98: {  	s19 =	sld [smem:$0x3FDB];
	_ =	sdelay $0x1  }
0x99: {  	s4 =	simm.s32 $_scs_section_size  }
0x9a: {  	s5 =	simm.s32 $_size__tile_overlayer_lowered;
	s6 =	simm.s32 $_tile_overlayer_lowered  }
0x9b: {  	s22 =	simm.s32 $0x1BFF;
	s21 =	sshll.u32 s6, $0x1;
	s3 =	sadd.s32 s4, s19  }
0x9c: {  	s7 =	simm.s32 $0x0;
	s20 =	sshll.u32 s5, $0x1;
	s5 =	sadd.s32 s21, s3  }
0x9d: {  	[timem:s7], [sflag:s22] =	dma.local [hbm:s5], s20  }
0x9e: {  	_ =	swait.ge [sflag:s22], s20  }
0x9f: {  	s4 =	ssub.s32 $0x0, s20;
	[sflag:s22] =	ssyncset.done $0x0  }
0xa0: {  	[sflag:s22] =	ssyncadd.s32 s4;
	_ =	sdelay $0x1  }
0xa1: {  	s23 =	simm.s32 $0x1B8B  }
0xa2: {  	_ =	swait.ge [sflag:s23], $0x1  }
0xa3: {  	[sflag:s23] =	ssyncset.done $0x0  }
0xa4: {  	s25 =	simm.s32 $0x1B8E;
	s24 =	sld [smem:$0x3FFE];
	[sflag:s23] =	ssyncadd.s32 $0xFFFFFFFF  }
0xa5: {  	s26 =	simm.s32 $execute0_lowered;
	[smem:$0x3FD2] =	sst s25  }
0xa6: {  	s5 =	sshll.u32 s26, $0x1;
	_ =	strace $0x80000049;
	[dreg:$0x1] =	wrdreg $0xFFFFFFFF  }
0xa7: {  	s28 =	simm.s32 $_size_execute0_lowered;
	s3 =	sadd.s32 s3, s5;
	[dreg:$0x0] =	wrdreg $0x0  }
0xa8: {  	s5 =	sshll.u32 s28, $0x1;
	[dreg:$0x2] =	wrdreg s3  }
0xa9: {  	[dreg:$0x3] =	wrdreg s5  }
0xaa: {  	[dreg:$0x4] =	wrdreg $0xC0  }
0xab: {  	_ =	task [dreg:s7], $0x5FFFF  }
0xac: {  	[dreg:$0x1] =	wrdreg $0xFFFFFFFF  }
0xad: {  	[dreg:$0x0] =	wrdreg $0x60  }
0xae: {  	[dreg:$0x2] =	wrdreg s24  }
0xaf: {  	[dreg:$0x3] =	wrdreg s2  }
0xb0: {  	[dreg:$0x4] =	wrdreg $0x0  }
0xb1: {  	[dreg:$0x5] =	wrdreg $0x9  }
0xb2: {  	_ =	task.clear_ibuf [dreg:s7], $0x6FFFF;
	_ =	strace $0x90000049  }
0xb3: {  	s29 =	simm.s32 $0x9;
	_ =	strace $0x8000004B  }
0xb4: {  	_ =	swait.ge [sflag:s29], $0x1  }
0xb5: {  	[sflag:s29] =	ssyncadd.s32 $0xFFFFFFFF  }
0xb6: {  	_ =	strace $0x9000004B  }
0xb7: {  	_ =	sfence  }
0xb8: {  	s30 =	sld [smem:$0x0];
	_ =	sdelay $0x2  }
0xb9: {  	s31 =	sshll.u32 s1, $0xD;
	s1 =	sshrl.u32 s1, $0x2  }
0xba: {  	s3 =	sand.u32 $0x4000, s31;
	s1 =	sadd.s32 s1, s30  }
0xbb: {  	s0 =	sor.u32 s3, s0;
	s1 =	sshll.u32 s1, $0x11  }
0xbc: {  	s0 =	sor.u32 s1, s0  }
0xbd: {  	s0 =	sadd.s32 $0x8F2B, s0  }
0xbe: {  	[sflag:s0] =	ssyncadd.remote.s32 $0x1  }
0xbf: {  	_ =	sfence.sel $0xFFFF  }
0xc0: {  	[dreg:$0x0] =	wrdreg $0xFFFFFFFF;
	(pc) =	sbr.abs _section_cstart, $3  }
0xc1: {  	[dreg:$0x1] =	wrdreg $0xFFFFFFFF  }
0xc2: {  	_ =	task.clear_ibuf [dreg:s7], $0x2FFFF;
	_ =	strace $0x9FFFFFFF  }
0xc3: {  	(tm) =	ssettm $0x7FFFFFFF  }
tec
execute0_lowered:
.L_overlay_start_1:
0x0: {  	(tag) =	ssettag $0x1  }
0x1: {  	s0 =	rddreg [dreg:$0x0]  }
0x2: {  	s2 =	rddreg [dreg:$0x1]  }
0x3: {  	s1 =	rddreg [dreg:$0x2];
	s3 =	srdreg.scid  }
0x4: {  	s22 =	stileid.u32;
	s14 =	simm.s32 $0x14000;
	s15 =	simm.s32 $0x4  }
0x5: {  	s16 =	simm.s32 $0x80;
	s17 =	simm.s32 $0x14700;
	s18 =	simm.s32 $0x3  }
0x6: {  	s19 =	simm.s32 $0x18700;
	s20 =	simm.s32 $0x1;
	s21 =	simm.s32 $0x2  }
0x7: {  	s24 =	simm.s32 $0x14480;
	s25 =	simm.s32 $0x0;
	s5 =	smul.u32 $0x14000, s22  }
0x8: {  	s4 =	sand.u32 $0x1, s3;
	s3 =	simm.s32 $0x0;
	s6 =	smul.u32 $0x50000, s22  }
0x9: {  	s8 =	sadd.s32 $0x1600, s0;
	s31 =	smul.u32 $0x9C0, s22;
	s12 =	sshll.u32 s22, $0x5  }
0xa: {  	s7 =	smul.u32 $0x140000, s4;
	[smem:$0x7FF] =	sst s3;
	s4 =	ssub.s32 $0x2, s4  }
0xb: {  	p0 =	sgt.u32 s22, $0x1;
	_ =	strace $0x8000004A;
	s9 =	sshrl.u32 s4, $0x1  }
0xc: {  	s6 =	sshrl.u32 s6, $0x2;
	s5 =	sadd.s32 s5, s7;
	s11 =	ssub.s32 s4, s9  }
0xd: {  	s10 =	sshrl.u32 s7, $0x3;
	s7 =	sadd.s32 s2, s31;
	s2 =	sadd.s32 s12, s2  }
0xe: {  	s13 =	sadd.s32 s6, s1;
	s5 =	sshrl.u32 s5, $0x3;
	s9 =	sadd.s32 $0x9C00, s2  }
0xf: {  	s11 =	smax.u32 s11, $0x1;
	s12 =	sadd.s32 $0x40, s7;
	s13 =	sshrl.u32 s13, $0x3  }
0x10: {  	s0 =	sadd.s32 s5, s0;
	s4 =	sadd.s32 s8, s5;
	s5 =	sshll.u32 s22, $0x6  }
0x11: {  	s8 =	sadd.s32 s8, s10;
	s6 =	sor.u32 $0x1C03, s5;
	s10 =	sadd.s32 $0x51600, s0  }
.LBB2_1:
0x12: {  	[spmem:s13], [sflag:s6] =	dma.local [hbm:s4], $0x2800  }
0x13: {  	[tilespmem:s14], [sflag:$0x4] =	stream.linear.gather [hbm4b:s7+s3], $0x200, $0x38;
	[tilespmem:$0x1C700] =	vst v63  }
0x14: {  	_ =	swait.ge [sflag:s15], $0x200  }
0x15: {  	[sflag:s15] =	ssyncset.done $0x0  }
0x16: {  	[sflag:s15] =	ssyncadd.s32 $0xFFFFFE00  }
0x17: {  	v0 =	vld [tilespmem:$0x14080]  }
0x18: {  	v1 =	vld [tilespmem:$0x14180]  }
0x19: {  	v2 =	vld [tilespmem:$0x14090]  }
0x1a: {  	v3 =	vld [tilespmem:$0x14190]  }
0x1b: {  	v4 =	vld [tilespmem:$0x140A0]  }
0x1c: {  	v52 =	vld [tilespmem:$0x141A0];
	[tilespmem:$0x14400] =	vst v0  }
0x1d: {  	v53 =	vld [tilespmem:$0x140B0];
	[tilespmem:$0x14480] =	vst v1  }
0x1e: {  	v54 =	vld [tilespmem:$0x141B0];
	[tilespmem:$0x14410] =	vst v2  }
0x1f: {  	v55 =	vld [tilespmem:$0x140C0];
	[tilespmem:$0x14490] =	vst v3  }
0x20: {  	v56 =	vld [tilespmem:$0x141C0];
	[tilespmem:$0x14420] =	vst v4  }
0x21: {  	v57 =	vld [tilespmem:$0x140D0];
	[tilespmem:$0x144A0] =	vst v52  }
0x22: {  	v58 =	vld [tilespmem:$0x141D0];
	[tilespmem:$0x14430] =	vst v53  }
0x23: {  	v59 =	vld [tilespmem:$0x140E0];
	[tilespmem:$0x144B0] =	vst v54  }
0x24: {  	v60 =	vld [tilespmem:$0x141E0];
	[tilespmem:$0x14440] =	vst v55  }
0x25: {  	v61 =	vld [tilespmem:$0x140F0];
	[tilespmem:$0x144C0] =	vst v56  }
0x26: {  	v62 =	vld [tilespmem:$0x141F0];
	[tilespmem:$0x14450] =	vst v57  }
0x27: {  	[tilespmem:$0x144D0] =	vst v58  }
0x28: {  	[tilespmem:$0x14460] =	vst v59  }
0x29: {  	[tilespmem:$0x144E0] =	vst v60  }
0x2a: {  	[tilespmem:$0x14470] =	vst v61  }
0x2b: {  	[tilespmem:$0x144F0] =	vst v62  }
0x2c: {  	[tilespmem:s17], [sflag:$0x1] =	stream.indirect.gather [hbm4b:s8+s16], $0x80, s14, s16, $0xb8;
	[tilespmem:$0x1C700] =	vst v63  }
0x2d: {  	s0 =	sand.u32 $0x1, s3;
	_ =	swait.ge [sflag:s18], $0x2800  }
0x2e: {  	s2 =	sxor.u32 $0x1, s0;
	[sflag:s18] =	ssyncset.done $0x0  }
0x2f: {  	s22 =	sshll.u32 s2, $0x9;
	[sflag:s18] =	ssyncadd.s32 $0xFFFFD800  }
0x30: {  	s23 =	sshll.u32 s0, $0x9;
	s26 =	sor.u32 $0x14000, s22;
	[bflag:$0x0] =	sbarrier.arrive $0xFFFF  }
0x31: {  	[tilespmem:s26], [sflag:$0x3] =	stream.linear.gather [hbm4b:s12+s3], $0x200, $0x38;
	[tilespmem:$0x1C700] =	vst v63  }
0x32: {  	s23 =	sor.u32 $0x14100, s23  }
0x33: {  	[tilespmem:s19], [sflag:$0x2] =	stream.indirect.gather [hbm4b:s8+s16], $0x80, s23, s16, $0xb8;
	[tilespmem:$0x1C700] =	vst v63  }
0x34: {  	_ =	swait.ge [sflag:s20], $0x4000  }
0x35: {  	s0 =	sshll.u32 s0, $0x8;
	[sflag:s20] =	ssyncset.done $0x0  }
0x36: {  	s31 =	sor.u32 $0x14400, s0;
	[sflag:s20] =	ssyncadd.s32 $0xFFFFC000  }
0x37: {  	[spmem:s1] =	stream.indirect.scatter.add.f32 [tilespmem:s17], [sflag:$0x4], $0x80, s31, s16, $0xb8;
	[tilespmem:$0x1C700] =	vst v63  }
0x38: {  	_ =	swait.ge [sflag:s15], $0x4000  }
0x39: {  	[sflag:s15] =	ssyncset.done $0x0  }
0x3a: {  	[sflag:s15] =	ssyncadd.s32 $0xFFFFC000  }
0x3b: {  	_ =	swait.ge [sflag:s18], $0x200  }
0x3c: {  	[sflag:s18] =	ssyncset.done $0x0  }
0x3d: {  	[sflag:s18] =	ssyncadd.s32 $0xFFFFFE00  }
0x3e: {  	v63 =	vld [tilespmem:s22+$0x14080];
	_ =	sdelay $0x3  }
0x3f: {  	s2 =	sshll.u32 s2, $0x8  }
0x40: {  	[tilespmem:s2+$0x14400] =	vst v63  }
0x41: {  	v0 =	vld [tilespmem:s22+$0x14180];
	_ =	sdelay $0x4  }
0x42: {  	[tilespmem:s2+$0x14480] =	vst v0  }
0x43: {  	v0 =	vld [tilespmem:s22+$0x14090];
	_ =	sdelay $0x4  }
0x44: {  	[tilespmem:s2+$0x14410] =	vst v0  }
0x45: {  	v0 =	vld [tilespmem:s22+$0x14190];
	_ =	sdelay $0x4  }
0x46: {  	[tilespmem:s2+$0x14490] =	vst v0  }
0x47: {  	v0 =	vld [tilespmem:s22+$0x140A0];
	_ =	sdelay $0x4  }
0x48: {  	[tilespmem:s2+$0x14420] =	vst v0  }
0x49: {  	v0 =	vld [tilespmem:s22+$0x141A0];
	_ =	sdelay $0x4  }
0x4a: {  	[tilespmem:s2+$0x144A0] =	vst v0  }
0x4b: {  	v0 =	vld [tilespmem:s22+$0x140B0];
	_ =	sdelay $0x4  }
0x4c: {  	[tilespmem:s2+$0x14430] =	vst v0  }
0x4d: {  	v0 =	vld [tilespmem:s22+$0x141B0];
	_ =	sdelay $0x4  }
0x4e: {  	[tilespmem:s2+$0x144B0] =	vst v0  }
0x4f: {  	v0 =	vld [tilespmem:s22+$0x140C0];
	_ =	sdelay $0x4  }
0x50: {  	[tilespmem:s2+$0x14440] =	vst v0  }
0x51: {  	v0 =	vld [tilespmem:s22+$0x141C0];
	_ =	sdelay $0x4  }
0x52: {  	[tilespmem:s2+$0x144C0] =	vst v0  }
0x53: {  	v0 =	vld [tilespmem:s22+$0x140D0];
	_ =	sdelay $0x4  }
0x54: {  	[tilespmem:s2+$0x14450] =	vst v0  }
0x55: {  	v0 =	vld [tilespmem:s22+$0x141D0];
	_ =	sdelay $0x4  }
0x56: {  	[tilespmem:s2+$0x144D0] =	vst v0  }
0x57: {  	v0 =	vld [tilespmem:s22+$0x140E0];
	_ =	sdelay $0x4  }
0x58: {  	[tilespmem:s2+$0x14460] =	vst v0  }
0x59: {  	v0 =	vld [tilespmem:s22+$0x141E0];
	_ =	sdelay $0x4  }
0x5a: {  	[tilespmem:s2+$0x144E0] =	vst v0  }
0x5b: {  	v0 =	vld [tilespmem:s22+$0x140F0];
	_ =	sdelay $0x4  }
0x5c: {  	[tilespmem:s2+$0x14470] =	vst v0  }
0x5d: {  	v0 =	vld [tilespmem:s22+$0x141F0];
	_ =	sdelay $0x4  }
0x5e: {  	[tilespmem:s2+$0x144F0] =	vst v0  }
0x5f: {  	[tilespmem:s17], [sflag:$0x1] =	stream.indirect.gather [hbm4b:s8+s16], $0x80, s26, s16, $0xb8;
	[tilespmem:$0x1C700] =	vst v63  }
0x60: {  	s30 =	simm.s32 $0x2;
	_ =	swait.ge [sflag:s21], $0x4000  }
0x61: {  	s29 =	sadd.s32 $0x40, s12;
	s26 =	simm.s32 $0x1;
	[sflag:s21] =	ssyncset.done $0x0  }
0x62: {  	s0 =	sor.u32 $0x14480, s0;
	s31 =	sand.u32 $0x1, s26;
	[sflag:s21] =	ssyncadd.s32 $0xFFFFC000  }
0x63: {  	[spmem:s1] =	stream.indirect.scatter.add.f32 [tilespmem:s19], [sflag:$0x4], $0x80, s0, s16, $0xb8;
	[tilespmem:$0x1C700] =	vst v63  }
0x64: {  	s2 =	sxor.u32 $0x1, s31;
	s22 =	sshll.u32 s31, $0x9;
	_ =	swait.ge [sflag:s15], $0x4000  }
0x65: {  	s26 =	sshll.u32 s31, $0x8;
	s28 =	sshll.u32 s2, $0x9;
	[sflag:s15] =	ssyncset.done $0x0  }
.LBB2_2:
0x66: {  	s0 =	sor.u32 $0x14000, s28  }
0x67: {  	[sflag:s15] =	ssyncadd.s32 $0xFFFFC000;
	s31 =	smov.u32 s30;
	s23 =	sadd.s32 $0x1, s30  }
0x68: {  	[tilespmem:s0], [sflag:$0x3] =	stream.linear.gather [hbm4b:s29+s3], $0x200, $0x38;
	[tilespmem:$0x1C700] =	vst v63  }
0x69: {  	p1 =	sne.s32 s30, $0x25;
	s22 =	sor.u32 $0x14100, s22  }
0x6a: {  	[tilespmem:s19], [sflag:$0x2] =	stream.indirect.gather [hbm4b:s8+s16], $0x80, s22, s16, $0xb8;
	[tilespmem:$0x1C700] =	vst v63  }
0x6b: {  	_ =	swait.ge [sflag:s20], $0x4000  }
0x6c: {  	[sflag:s20] =	ssyncset.done $0x0  }
0x6d: {  	s22 =	sor.u32 $0x14400, s26;
	[sflag:s20] =	ssyncadd.s32 $0xFFFFC000  }
0x6e: {  	[spmem:s1] =	stream.indirect.scatter.add.f32 [tilespmem:s17], [sflag:$0x4], $0x80, s22, s16, $0xb8;
	[tilespmem:$0x1C700] =	vst v63  }
0x6f: {  	_ =	swait.ge [sflag:s15], $0x4000  }
0x70: {  	[sflag:s15] =	ssyncset.done $0x0  }
0x71: {  	[sflag:s15] =	ssyncadd.s32 $0xFFFFC000  }
0x72: {  	_ =	swait.ge [sflag:s18], $0x200  }
0x73: {  	[sflag:s18] =	ssyncset.done $0x0  }
0x74: {  	[sflag:s18] =	ssyncadd.s32 $0xFFFFFE00  }
0x75: {  	v0 =	vld [tilespmem:s28+$0x14080];
	_ =	sdelay $0x3  }
0x76: {  	s2 =	sshll.u32 s2, $0x8  }
0x77: {  	[tilespmem:s2+$0x14400] =	vst v0  }
0x78: {  	v0 =	vld [tilespmem:s28+$0x14180];
	_ =	sdelay $0x4  }
0x79: {  	[tilespmem:s2+$0x14480] =	vst v0  }
0x7a: {  	v0 =	vld [tilespmem:s28+$0x14090];
	_ =	sdelay $0x4  }
0x7b: {  	[tilespmem:s2+$0x14410] =	vst v0  }
0x7c: {  	v0 =	vld [tilespmem:s28+$0x14190];
	_ =	sdelay $0x4  }
0x7d: {  	[tilespmem:s2+$0x14490] =	vst v0  }
0x7e: {  	v0 =	vld [tilespmem:s28+$0x140A0];
	_ =	sdelay $0x4  }
0x7f: {  	[tilespmem:s2+$0x14420] =	vst v0  }
0x80: {  	v0 =	vld [tilespmem:s28+$0x141A0];
	_ =	sdelay $0x4  }
0x81: {  	[tilespmem:s2+$0x144A0] =	vst v0  }
0x82: {  	v0 =	vld [tilespmem:s28+$0x140B0];
	_ =	sdelay $0x4  }
0x83: {  	[tilespmem:s2+$0x14430] =	vst v0  }
0x84: {  	v0 =	vld [tilespmem:s28+$0x141B0];
	_ =	sdelay $0x4  }
0x85: {  	[tilespmem:s2+$0x144B0] =	vst v0  }
0x86: {  	v0 =	vld [tilespmem:s28+$0x140C0];
	_ =	sdelay $0x4  }
0x87: {  	[tilespmem:s2+$0x14440] =	vst v0  }
0x88: {  	v0 =	vld [tilespmem:s28+$0x141C0];
	_ =	sdelay $0x4  }
0x89: {  	[tilespmem:s2+$0x144C0] =	vst v0  }
0x8a: {  	v0 =	vld [tilespmem:s28+$0x140D0];
	_ =	sdelay $0x4  }
0x8b: {  	[tilespmem:s2+$0x14450] =	vst v0  }
0x8c: {  	v0 =	vld [tilespmem:s28+$0x141D0];
	_ =	sdelay $0x4  }
0x8d: {  	[tilespmem:s2+$0x144D0] =	vst v0  }
0x8e: {  	v0 =	vld [tilespmem:s28+$0x140E0];
	_ =	sdelay $0x4  }
0x8f: {  	[tilespmem:s2+$0x14460] =	vst v0  }
0x90: {  	v0 =	vld [tilespmem:s28+$0x141E0];
	_ =	sdelay $0x4  }
0x91: {  	[tilespmem:s2+$0x144E0] =	vst v0  }
0x92: {  	v0 =	vld [tilespmem:s28+$0x140F0];
	_ =	sdelay $0x4  }
0x93: {  	[tilespmem:s2+$0x14470] =	vst v0  }
0x94: {  	v0 =	vld [tilespmem:s28+$0x141F0];
	_ =	sdelay $0x4  }
0x95: {  	[tilespmem:s2+$0x144F0] =	vst v0  }
0x96: {  	[tilespmem:s17], [sflag:$0x1] =	stream.indirect.gather [hbm4b:s8+s16], $0x80, s0, s16, $0xb8;
	[tilespmem:$0x1C700] =	vst v63  }
0x97: {  	s29 =	sadd.s32 $0x40, s29;
	_ =	swait.ge [sflag:s21], $0x4000  }
.Ltmp0:
0x98: {  	s30 =	smov.u32 s23;
	[sflag:s21] =	ssyncset.done $0x0;
	(pc) =	sbr.rel @p1 .LBB2_2-.Ltmp0, $4  }
0x99: {  	s2 =	sor.u32 $0x14480, s26;
	s0 =	sand.u32 $0x1, s31;
	[sflag:s21] =	ssyncadd.s32 $0xFFFFC000  }
0x9a: {  	[spmem:s1] =	stream.indirect.scatter.add.f32 [tilespmem:s19], [sflag:$0x4], $0x80, s2, s16, $0xb8;
	[tilespmem:$0x1C700] =	vst v63  }
0x9b: {  	s22 =	sshll.u32 s0, $0x9;
	s2 =	sxor.u32 $0x1, s0;
	_ =	swait.ge [sflag:s15], $0x4000  }
0x9c: {  	s26 =	sshll.u32 s0, $0x8;
	s28 =	sshll.u32 s2, $0x9;
	[sflag:s15] =	ssyncset.done $0x0  }
0x9d: {  	s0 =	sor.u32 $0x14000, s28;
	[sflag:s15] =	ssyncadd.s32 $0xFFFFC000  }
0x9e: {  	[tilespmem:s0], [sflag:$0x3] =	stream.linear.gather [hbm4b:s29+s3], $0x200, $0x38;
	[tilespmem:$0x1C700] =	vst v63  }
0x9f: {  	s22 =	sor.u32 $0x14100, s22  }
0xa0: {  	[tilespmem:s19], [sflag:$0x2] =	stream.indirect.gather [hbm4b:s8+s16], $0x80, s22, s16, $0xb8;
	[tilespmem:$0x1C700] =	vst v63  }
0xa1: {  	_ =	swait.ge [sflag:s20], $0x4000  }
0xa2: {  	[sflag:s20] =	ssyncset.done $0x0  }
0xa3: {  	s23 =	sor.u32 $0x14400, s26;
	[sflag:s20] =	ssyncadd.s32 $0xFFFFC000  }
0xa4: {  	[spmem:s1] =	stream.indirect.scatter.add.f32 [tilespmem:s17], [sflag:$0x4], $0x80, s23, s16, $0xb8;
	[tilespmem:$0x1C700] =	vst v63  }
0xa5: {  	_ =	swait.ge [sflag:s15], $0x4000  }
0xa6: {  	[sflag:s15] =	ssyncset.done $0x0  }
0xa7: {  	[sflag:s15] =	ssyncadd.s32 $0xFFFFC000  }
0xa8: {  	_ =	swait.ge [sflag:s18], $0x200  }
0xa9: {  	[sflag:s18] =	ssyncset.done $0x0  }
0xaa: {  	[sflag:s18] =	ssyncadd.s32 $0xFFFFFE00  }
0xab: {  	v0 =	vld [tilespmem:s28+$0x14080];
	_ =	sdelay $0x3  }
0xac: {  	s2 =	sshll.u32 s2, $0x8  }
0xad: {  	[tilespmem:s2+$0x14400] =	vst v0  }
0xae: {  	v0 =	vld [tilespmem:s28+$0x14180];
	_ =	sdelay $0x4  }
0xaf: {  	[tilespmem:s2+$0x14480] =	vst v0  }
0xb0: {  	v0 =	vld [tilespmem:s28+$0x14090];
	_ =	sdelay $0x4  }
0xb1: {  	[tilespmem:s2+$0x14410] =	vst v0  }
0xb2: {  	v0 =	vld [tilespmem:s28+$0x14190];
	_ =	sdelay $0x4  }
0xb3: {  	[tilespmem:s2+$0x14490] =	vst v0  }
0xb4: {  	v0 =	vld [tilespmem:s28+$0x140A0];
	_ =	sdelay $0x4  }
0xb5: {  	[tilespmem:s2+$0x14420] =	vst v0  }
0xb6: {  	v0 =	vld [tilespmem:s28+$0x141A0];
	_ =	sdelay $0x4  }
0xb7: {  	[tilespmem:s2+$0x144A0] =	vst v0  }
0xb8: {  	v0 =	vld [tilespmem:s28+$0x140B0];
	_ =	sdelay $0x4  }
0xb9: {  	[tilespmem:s2+$0x14430] =	vst v0  }
0xba: {  	v0 =	vld [tilespmem:s28+$0x141B0];
	_ =	sdelay $0x4  }
0xbb: {  	[tilespmem:s2+$0x144B0] =	vst v0  }
0xbc: {  	v0 =	vld [tilespmem:s28+$0x140C0];
	_ =	sdelay $0x4  }
0xbd: {  	[tilespmem:s2+$0x14440] =	vst v0  }
0xbe: {  	v0 =	vld [tilespmem:s28+$0x141C0];
	_ =	sdelay $0x4  }
0xbf: {  	[tilespmem:s2+$0x144C0] =	vst v0  }
0xc0: {  	v0 =	vld [tilespmem:s28+$0x140D0];
	_ =	sdelay $0x4  }
0xc1: {  	[tilespmem:s2+$0x14450] =	vst v0  }
0xc2: {  	v0 =	vld [tilespmem:s28+$0x141D0];
	_ =	sdelay $0x4  }
0xc3: {  	[tilespmem:s2+$0x144D0] =	vst v0  }
0xc4: {  	v0 =	vld [tilespmem:s28+$0x140E0];
	_ =	sdelay $0x4  }
0xc5: {  	[tilespmem:s2+$0x14460] =	vst v0  }
0xc6: {  	v0 =	vld [tilespmem:s28+$0x141E0];
	_ =	sdelay $0x4  }
0xc7: {  	[tilespmem:s2+$0x144E0] =	vst v0  }
0xc8: {  	v0 =	vld [tilespmem:s28+$0x140F0];
	_ =	sdelay $0x4  }
0xc9: {  	[tilespmem:s2+$0x14470] =	vst v0  }
0xca: {  	v0 =	vld [tilespmem:s28+$0x141F0];
	_ =	sdelay $0x4  }
0xcb: {  	[tilespmem:s2+$0x144F0] =	vst v0  }
0xcc: {  	[tilespmem:s17], [sflag:$0x1] =	stream.indirect.gather [hbm4b:s8+s16], $0x80, s0, s16, $0xb8;
	[tilespmem:$0x1C700] =	vst v63  }
0xcd: {  	_ =	swait.ge [sflag:s21], $0x4000  }
0xce: {  	[sflag:s21] =	ssyncset.done $0x0  }
0xcf: {  	s28 =	sor.u32 $0x14480, s26;
	[sflag:s21] =	ssyncadd.s32 $0xFFFFC000  }
0xd0: {  	[spmem:s1] =	stream.indirect.scatter.add.f32 [tilespmem:s19], [sflag:$0x4], $0x80, s28, s16, $0xb8;
	[tilespmem:$0x1C700] =	vst v63  }
0xd1: {  	_ =	swait.ge [sflag:s15], $0x4000  }
0xd2: {  	[sflag:s15] =	ssyncset.done $0x0  }
0xd3: {  	s29 =	simm.s32 $0x14100;
	[sflag:s15] =	ssyncadd.s32 $0xFFFFC000  }
0xd4: {  	[tilespmem:s19], [sflag:$0x2] =	stream.indirect.gather [hbm4b:s8+s16], $0x80, s29, s16, $0xb8;
	[tilespmem:$0x1C700] =	vst v63  }
0xd5: {  	_ =	swait.ge [sflag:s20], $0x4000  }
0xd6: {  	[sflag:s20] =	ssyncset.done $0x0  }
0xd7: {  	s30 =	simm.s32 $0x14400;
	[sflag:s20] =	ssyncadd.s32 $0xFFFFC000  }
0xd8: {  	[spmem:s1] =	stream.indirect.scatter.add.f32 [tilespmem:s17], [sflag:$0x4], $0x80, s30, s16, $0xb8;
	[tilespmem:$0x1C700] =	vst v63  }
0xd9: {  	_ =	swait.ge [sflag:s15], $0x4000  }
0xda: {  	[sflag:s15] =	ssyncset.done $0x0  }
0xdb: {  	[sflag:s15] =	ssyncadd.s32 $0xFFFFC000  }
0xdc: {  	_ =	swait.ge [sflag:s21], $0x4000  }
0xdd: {  	[sflag:s21] =	ssyncset.done $0x0  }
0xde: {  	[sflag:s21] =	ssyncadd.s32 $0xFFFFC000  }
0xdf: {  	[spmem:s1] =	stream.indirect.scatter.add.f32 [tilespmem:s19], [sflag:$0x4], $0x80, s24, s16, $0xb8;
	[tilespmem:$0x1C700] =	vst v63  }
0xe0: {  	_ =	swait.ge [sflag:s15], $0x4000  }
0xe1: {  	[sflag:s15] =	ssyncset.done $0x0  }
0xe2: {  	s2 =	simm.s32 @!p0 $0x14600;
	s0 =	simm.s32 @!p0 $0x0;
	[sflag:s15] =	ssyncadd.s32 $0xFFFFC000  }
0xe3: {  	[tilespmem:s2], [sflag:$0x4] =	stream.linear.gather @!p0 [hbm4b:s9+s0], $0x100, $0x38;
	[tilespmem:$0x1C700] =	vst v63  }
0xe4: {  	s0 =	simm.s32 @!p0 $0x4  }
0xe5: {  	_ =	swait.ge @!p0 [sflag:s0], $0x100  }
0xe6: {  	[sflag:s0] =	ssyncset.done @!p0 $0x0  }
0xe7: {  	[sflag:s0] =	ssyncadd.s32 @!p0 $0xFFFFFF00  }
0xe8: {  	v0 =	vld @!p0 [tilespmem:$0x14680]  }
0xe9: {  	v1 =	vld @!p0 [tilespmem:$0x14690]  }
0xea: {  	v2 =	vld @!p0 [tilespmem:$0x146A0]  }
0xeb: {  	v3 =	vld @!p0 [tilespmem:$0x146B0]  }
0xec: {  	v4 =	vld @!p0 [tilespmem:$0x146C0]  }
0xed: {  	[tilespmem:$0x14400] =	vst @!p0 v0;
	v0 =	vld @!p0 [tilespmem:$0x146D0]  }
0xee: {  	[tilespmem:$0x14410] =	vst @!p0 v1;
	v1 =	vld @!p0 [tilespmem:$0x146E0]  }
0xef: {  	[tilespmem:$0x14420] =	vst @!p0 v2;
	v2 =	vld @!p0 [tilespmem:$0x146F0]  }
0xf0: {  	[tilespmem:$0x14430] =	vst @!p0 v3  }
0xf1: {  	[tilespmem:$0x14440] =	vst @!p0 v4  }
0xf2: {  	[tilespmem:$0x14450] =	vst @!p0 v0  }
0xf3: {  	[tilespmem:$0x14460] =	vst @!p0 v1  }
0xf4: {  	s22 =	simm.s32 @!p0 $0x80;
	s23 =	simm.s32 @!p0 $0x14700;
	[tilespmem:$0x14470] =	vst @!p0 v2  }
0xf5: {  	[tilespmem:s23], [sflag:$0x1] =	stream.indirect.gather @!p0 [hbm4b:s8+s22], $0x80, s2, s22, $0xb8;
	[tilespmem:$0x1C700] =	vst v63  }
0xf6: {  	s2 =	simm.s32 @!p0 $0x1  }
0xf7: {  	_ =	swait.ge @!p0 [sflag:s2], $0x4000  }
0xf8: {  	[sflag:s2] =	ssyncset.done @!p0 $0x0  }
0xf9: {  	[sflag:s2] =	ssyncadd.s32 @!p0 $0xFFFFC000;
	s2 =	simm.s32 @!p0 $0x14400  }
0xfa: {  	[spmem:s1] =	stream.indirect.scatter.add.f32 @!p0 [tilespmem:s23], [sflag:$0x4], $0x80, s2, s22, $0xb8;
	[tilespmem:$0x1C700] =	vst v63  }
0xfb: {  	_ =	swait.ge @!p0 [sflag:s0], $0x4000  }
0xfc: {  	s25 =	sadd.s32 $0x1, s25;
	[sflag:s0] =	ssyncset.done @!p0 $0x0  }
0xfd: {  	p1 =	sne.s32 s25, s11;
	[sflag:s0] =	ssyncadd.s32 @!p0 $0xFFFFC000  }
.Ltmp1:
0xfe: {  	s31 =	sor.u32 $0x1C04, s5;
	[bflag:$0x0] =	sbarrier.arrive $0xFFFF;
	(pc) =	sbr.rel @p1 .LBB2_1-.Ltmp1, $4  }
0xff: {  	[hbm:s10], [sflag:s31] =	dma.local [spmem:s13], $0x2800  }
0x100: {  	_ =	swait.ge [sflag:s15], $0x2800  }
0x101: {  	[sflag:s15] =	ssyncset.done $0x0  }
0x102: {  	[sflag:s15] =	ssyncadd.s32 $0xFFFFD800  }
0x103: {  	_ =	sfence.sel $0x180000  }
0x104: {  	[bflag:$0x0] =	sbarrier.arrive $0xFFFF  }
0x105: {  	_ =	strace $0x9000004A  }
0x106: {  	s0 =	stileid.u32;
	[bflag:$0x2] =	sbarrier.arrive $0xFFFF  }
0x107: {  	p0 =	sne.s32 s0, $0x0;
	s0 =	rddreg [dreg:$0x3]  }
0x108: {  	s0 =	sadd.s32 @!p0 $0x100000, s0  }
0x109: {  	[sflag:s0] =	ssyncadd.tile.s32 @!p0 $0x1;
	_ =	shalt  }
.Lfunc_end2:
_tile_overlayer_lowered:
.L_overlay_start_2:
0x10a: {  	(tag) =	ssettag $0x2  }
0x10b: {  	s0 =	rddreg [dreg:$0x0];
	s2 =	stileid.u32  }
0x10c: {  	s1 =	rddreg [dreg:$0x1];
	p0 =	sne.s32 s2, $0x0  }
0x10d: {  	s3 =	rddreg [dreg:$0x2];
	[bflag:$0x3] =	sbarrier.arrive $0xFFFF;
	s2 =	simm.s32 @!p0 $0x1C04  }
0x10e: {  	[timem:s3], [sflag:s2] =	dma.local @!p0 [hbm:s0], s1  }
0x10f: {  	s0 =	simm.s32 @!p0 $0x4  }
0x110: {  	_ =	swait.ge @!p0 [sflag:s0], s1  }
0x111: {  	s1 =	ssub.s32 @!p0 $0x0, s1;
	[sflag:s0] =	ssyncset.done @!p0 $0x0  }
0x112: {  	[sflag:s0] =	ssyncadd.s32 @!p0 s1  }
0x113: {  	[bflag:$0x3] =	sbarrier.arrive $0xFFFF  }
0x114: {  	_ =	shalt  }

</sc_bundles>
